<compile_context>
chip_gen: v7x
topology: tpu7x:2x2x1
jax: 0.10.2.dev20260603
libtpu: 0.0.44.dev20260713+nightly
codegen_flags: <defaults>
</compile_context>

<pallas_src>
import functools

import jax
import jax.numpy as jnp
from jax import lax
from jax.experimental import pallas as pl
from jax.experimental.pallas import tpu as pltpu
from jax.experimental.pallas import tpu_sc as plsc

N = 10000
E = 320000
D = 128

NC = 2
NS = 16
NW = NC * NS
CHUNK = 128
NCHUNK = 80
HB = NCHUNK // 2
EPT = NCHUNK * CHUNK
EPAD = EPT * NW
NP = 10112
RPT = NP // NS
BLK = 2000
BN_SCALE = float((1.0 + 1e-5) ** -0.5)

_mesh = plsc.VectorSubcoreMesh(core_axis_name="c", subcore_axis_name="s")


@functools.partial(
    pl.kernel,
    mesh=_mesh,
    out_type=jax.ShapeDtypeStruct((NC, NP, D), jnp.float32),
    scratch_types=[
        pltpu.VMEM((NCHUNK, CHUNK), jnp.int32),
        pltpu.VMEM((CHUNK, D), jnp.float32),
        pltpu.VMEM_SHARED((NP, D), jnp.float32),
        pltpu.SemaphoreType.DMA,
    ],
)
def _sc_degree(dstw_hbm, ones_hbm, zeros_hbm, out_hbm, dst_v, ones_v, deg_sh, semA):
    c = lax.axis_index("c")
    s = lax.axis_index("s")
    w = s * NC + c
    r0 = s * RPT
    pltpu.sync_copy(zeros_hbm.at[pl.ds(r0, RPT)], deg_sh.at[pl.ds(r0, RPT)])
    pltpu.sync_copy(dstw_hbm.at[w], dst_v)
    pltpu.sync_copy(ones_hbm, ones_v)
    plsc.subcore_barrier()

    LOOKAHEAD = 8
    for j in range(LOOKAHEAD):
        pltpu.async_copy(ones_v, deg_sh.at[dst_v.at[j]], semA, add=True)

    def body(j, carry):
        pltpu.async_copy(ones_v, deg_sh.at[dst_v.at[j + LOOKAHEAD]], semA, add=True)
        pltpu.make_async_copy(ones_v, deg_sh.at[dst_v.at[j]], semA).wait()
        return carry

    lax.fori_loop(0, NCHUNK - LOOKAHEAD, body, 0)
    for j in range(NCHUNK - LOOKAHEAD, NCHUNK):
        pltpu.make_async_copy(ones_v, deg_sh.at[dst_v.at[j]], semA).wait()
    plsc.subcore_barrier()
    pltpu.sync_copy(deg_sh.at[pl.ds(r0, RPT)], out_hbm.at[c, pl.ds(r0, RPT)])


@functools.partial(
    pl.kernel,
    mesh=_mesh,
    out_type=jax.ShapeDtypeStruct((NC, NP, D), jnp.float32),
    scratch_types=[
        pltpu.VMEM((HB + 8, CHUNK), jnp.int32),
        pltpu.VMEM((HB, CHUNK), jnp.int32),
        pltpu.VMEM((CHUNK, D), jnp.float32),
        pltpu.VMEM((CHUNK, D), jnp.float32),
        pltpu.VMEM_SHARED((NP, D), jnp.float32),
        pltpu.SemaphoreType.DMA,
        pltpu.SemaphoreType.DMA,
    ],
)
def _sc_segsum(h_hbm, srcw_hbm, dstw_hbm, zeros_hbm, out_hbm,
               src_v, dst_v, buf0, buf1, acc_sh, sem0, sem1):
    c = lax.axis_index("c")
    s = lax.axis_index("s")
    w = s * NC + c
    r0 = s * RPT
    pltpu.sync_copy(srcw_hbm.at[w, pl.ds(0, HB + 8)], src_v)
    pltpu.sync_copy(dstw_hbm.at[w, pl.ds(0, HB)], dst_v)
    pltpu.async_copy(h_hbm.at[src_v.at[0]], buf0, sem0)
    pltpu.sync_copy(zeros_hbm.at[pl.ds(r0, RPT)], acc_sh.at[pl.ds(r0, RPT)])
    plsc.subcore_barrier()

    for half in range(2):
        if half == 1:
            pltpu.sync_copy(srcw_hbm.at[w, pl.ds(HB, HB + 8)], src_v)
            pltpu.sync_copy(dstw_hbm.at[w, pl.ds(HB, HB)], dst_v)
            pltpu.async_copy(h_hbm.at[src_v.at[0]], buf0, sem0)

        def body(i, carry):
            t = 2 * i
            pltpu.async_copy(h_hbm.at[src_v.at[t + 1]], buf1, sem1)
            pltpu.make_async_copy(h_hbm.at[src_v.at[t]], buf0, sem0).wait()
            pltpu.sync_copy(buf0, acc_sh.at[dst_v.at[t]], add=True)
            pltpu.async_copy(h_hbm.at[src_v.at[t + 2]], buf0, sem0)
            pltpu.make_async_copy(h_hbm.at[src_v.at[t + 1]], buf1, sem1).wait()
            pltpu.sync_copy(buf1, acc_sh.at[dst_v.at[t + 1]], add=True)
            return carry

        lax.fori_loop(0, HB // 2, body, 0)
        pltpu.make_async_copy(h_hbm.at[src_v.at[HB]], buf0, sem0).wait()
    plsc.subcore_barrier()
    pltpu.sync_copy(acc_sh.at[pl.ds(r0, RPT)], out_hbm.at[c, pl.ds(r0, RPT)])


def _row_spec(width):
    return pl.BlockSpec((BLK, width), lambda i: (i, 0))


_full = lambda shape: pl.BlockSpec(shape, lambda i: tuple(0 for _ in shape))
_acc_spec = pl.BlockSpec((NC, BLK, D), lambda i: (0, i, 0))


def _tc_mm_body(x_ref, w_ref, out_ref):
    out_ref[...] = jnp.dot(x_ref[...], w_ref[...],
                           preferred_element_type=jnp.float32)


_tc_mm = pl.pallas_call(
    _tc_mm_body,
    grid=(N // BLK,),
    in_specs=[_row_spec(D), _full((D, D))],
    out_specs=_row_spec(D),
    out_shape=jax.ShapeDtypeStruct((N, D), jnp.float32),
)


def _tc_scale_body(g_ref, degp_ref, hp_ref, dinv_ref):
    deg = degp_ref[0, :, 0:1] + degp_ref[1, :, 0:1] + 1.0
    dinv = lax.rsqrt(deg)
    hp_ref[...] = dinv * g_ref[...]
    dinv_ref[...] = jnp.broadcast_to(dinv, (BLK, 8))


_tc_scale = pl.pallas_call(
    _tc_scale_body,
    grid=(N // BLK,),
    in_specs=[_row_spec(D), _acc_spec],
    out_specs=[_row_spec(D), _row_spec(8)],
    out_shape=[jax.ShapeDtypeStruct((N, D), jnp.float32),
               jax.ShapeDtypeStruct((N, 8), jnp.float32)],
)


def _tc_mid_body(accp_ref, hp_ref, dinv_ref, b_ref, g_ref, be_ref, w_ref, out_ref):
    dinv = dinv_ref[:, 0:1]
    z = dinv * (accp_ref[0] + accp_ref[1] + hp_ref[...]) + b_ref[...]
    zb = g_ref[...] * (z * BN_SCALE) + be_ref[...]
    y = zb * jax.nn.sigmoid(zb)
    out_ref[...] = dinv * jnp.dot(y, w_ref[...],
                                  preferred_element_type=jnp.float32)


_tc_mid = pl.pallas_call(
    _tc_mid_body,
    grid=(N // BLK,),
    in_specs=[_acc_spec, _row_spec(D), _row_spec(8),
              _full((1, D)), _full((1, D)), _full((1, D)), _full((D, D))],
    out_specs=_row_spec(D),
    out_shape=jax.ShapeDtypeStruct((N, D), jnp.float32),
)


def _tc_fin_body(accp_ref, hp_ref, dinv_ref, b_ref, out_ref):
    out_ref[...] = dinv_ref[:, 0:1] * (accp_ref[0] + accp_ref[1] + hp_ref[...]) + b_ref[...]


_tc_fin = pl.pallas_call(
    _tc_fin_body,
    grid=(N // BLK,),
    in_specs=[_acc_spec, _row_spec(D), _row_spec(8), _full((1, D))],
    out_specs=_row_spec(D),
    out_shape=jax.ShapeDtypeStruct((N, D), jnp.float32),
)


def kernel(x, adj_t, W1, b1, g1, be1, W2, b2, g2, be2, W3, b3):
    src = adj_t[0].astype(jnp.int32)
    dst = adj_t[1].astype(jnp.int32)
    npad = EPAD - E
    ar = jnp.arange(npad, dtype=jnp.int32)
    pad_src = (ar * 97) % N
    pad_dst = N + (ar % (NP - N))
    srcp = jnp.concatenate([src, pad_src]).reshape(NW, NCHUNK, CHUNK)
    dstp = jnp.concatenate([dst, pad_dst]).reshape(NW, NCHUNK, CHUNK)
    extra = jnp.broadcast_to(
        ((jnp.arange(CHUNK, dtype=jnp.int32) * 131) % N)[None, None, :],
        (NW, 8, CHUNK))
    srcp = jnp.concatenate([srcp, extra], axis=1)

    zerosD = jnp.zeros((NP, D), jnp.float32)
    ones = jnp.ones((CHUNK, D), jnp.float32)
    b1r, b2r, b3r = b1.reshape(1, D), b2.reshape(1, D), b3.reshape(1, D)
    g1r, g2r = g1.reshape(1, D), g2.reshape(1, D)
    be1r, be2r = be1.reshape(1, D), be2.reshape(1, D)

    degp = _sc_degree(dstp, ones, zerosD)
    gg1 = _tc_mm(x, W1)
    dep = (degp[0, 0, 0] * 0.0).astype(jnp.int32)
    srcp = srcp + dep
    h1p, dinvb = _tc_scale(gg1, degp)
    acc1 = _sc_segsum(h1p, srcp, dstp, zerosD)
    h2p = _tc_mid(acc1, h1p, dinvb, b1r, g1r, be1r, W2)
    acc2 = _sc_segsum(h2p, srcp, dstp, zerosD)
    h3p = _tc_mid(acc2, h2p, dinvb, b2r, g2r, be2r, W3)
    acc3 = _sc_segsum(h3p, srcp, dstp, zerosD)
    return _tc_fin(acc3, h3p, dinvb, b3r)

# --- scband reference (transcript-rebuilt; emitter-appended) ---
"""Pipeline reference for scband-gcn-44435731644444 (READ-ONLY COPY).

The authoritative reference and input builder live on the scoring server;
editing this copy changes nothing except your own understanding.
"""

import jax, jax.numpy as jnp
import numpy as np

N = 10000
E = 320000
D = 128


def setup_inputs(seed: int = 0) -> dict:
    key = jax.random.key(seed)
    ks = jax.random.split(key, 8)
    x = jax.random.normal(ks[0], (N, D), dtype=jnp.float32)
    edge_index = jax.random.randint(ks[1], (2, E), 0, N, dtype=jnp.int32)
    s = 1.0 / np.sqrt(D)
    W1 = jax.random.normal(ks[2], (D, D), dtype=jnp.float32) * s
    b1 = jnp.zeros((D,), dtype=jnp.float32)
    W2 = jax.random.normal(ks[3], (D, D), dtype=jnp.float32) * s
    b2 = jnp.zeros((D,), dtype=jnp.float32)
    W3 = jax.random.normal(ks[4], (D, D), dtype=jnp.float32) * s
    b3 = jnp.zeros((D,), dtype=jnp.float32)
    g1 = jnp.ones((D,), dtype=jnp.float32)
    be1 = jnp.zeros((D,), dtype=jnp.float32)
    g2 = jnp.ones((D,), dtype=jnp.float32)
    be2 = jnp.zeros((D,), dtype=jnp.float32)
    return {"x": x, "adj_t": edge_index, "W1": W1, "b1": b1, "g1": g1, "be1": be1,
            "W2": W2, "b2": b2, "g2": g2, "be2": be2, "W3": W3, "b3": b3}


def _gcn_conv(x, edge_index, W, b):
    # PyG GCNConv: add self-loops, symmetric normalization, linear transform, scatter-add
    src = edge_index[0]
    dst = edge_index[1]
    loop = jnp.arange(N, dtype=src.dtype)
    src = jnp.concatenate([src, loop])
    dst = jnp.concatenate([dst, loop])
    deg = jax.ops.segment_sum(jnp.ones_like(dst, dtype=jnp.float32), dst, num_segments=N)
    dinv = jax.lax.rsqrt(jnp.maximum(deg, 1e-12))
    norm = dinv[src] * dinv[dst]
    h = x @ W
    msg = h[src] * norm[:, None]
    out = jax.ops.segment_sum(msg, dst, num_segments=N)
    return out + b


def _bn_eval(x, gamma, beta):
    # BatchNorm1d in eval mode with fresh running stats (mean=0, var=1), eps=1e-5
    return gamma * (x / jnp.sqrt(1.0 + 1e-5)) + beta


def _silu(x):
    return x * jax.nn.sigmoid(x)


def reference(x, adj_t, W1, b1, g1, be1, W2, b2, g2, be2, W3, b3):
    h = _gcn_conv(x, adj_t, W1, b1)
    h = _bn_eval(h, g1, be1)
    h = _silu(h)
    # dropout is identity in eval mode
    h = _gcn_conv(h, adj_t, W2, b2)
    h = _bn_eval(h, g2, be2)
    h = _silu(h)
    out = _gcn_conv(h, adj_t, W3, b3)
    return out

if __name__ == "__main__":
    import jax
    _d = setup_inputs()
    print(jax.jit(kernel)(*tuple(_d.values())))

</pallas_src>

<mosaic_0001>
#map = affine_map<(d0, d1) -> (0, 0, 0)>
#map1 = affine_map<(d0, d1) -> (0, 0)>
module attributes {stable_mosaic.version = 14 : i64} {
  func.func @_sc_degree(%arg0: i32, %arg1: i32, %arg2: memref<32x80x128xi32, #tpu.memory_space<hbm>>, %arg3: memref<128x128xf32, #tpu.memory_space<hbm>>, %arg4: memref<10112x128xf32, #tpu.memory_space<hbm>>, %arg5: memref<2x10112x128xf32, #tpu.memory_space<hbm>>, %arg6: memref<80x128xi32, #tpu.memory_space<vmem>>, %arg7: memref<128x128xf32, #tpu.memory_space<vmem>>, %arg8: memref<10112x128xf32, #tpu.memory_space<vmem_shared>>, %arg9: memref<!tpu.dma_semaphore, #tpu.memory_space<semaphore_mem>>) attributes {dimension_semantics = [#tpu.dimension_semantics<core_parallel>, #tpu.dimension_semantics<subcore_parallel>], iteration_bounds = array<i64: 2, 16>, scalar_prefetch = 0 : i64, scratch_operands = 4 : i64, tpu.core_type = #tpu.core_type<sc_vector_subcore>, window_params = [{transform_indices = #map}, {transform_indices = #map1}, {transform_indices = #map1}, {transform_indices = #map}]} {
    %mul3A = arith.constant 2 : i32
    %mul3A_0 = arith.muli %arg1, %mul3A : i32
    %add3A = arith.addi %mul3A_0, %arg0 : i32
    %mul3A_1 = arith.constant 632 : i32
    %mul3A_2 = arith.muli %arg1, %mul3A_1 : i32
    "tpu.region"() ({
      %run_scoped3A = tpu.sem_alloc : memref<!tpu.dma_semaphore, #tpu.memory_space<semaphore_mem>>
      %dma_start3A_119 = arith.constant 0 : i32
      %dma_start3A_120 = tpu.memref_slice %arg8[%mul3A_2, %dma_start3A_119] : memref<10112x128xf32, #tpu.memory_space<vmem_shared>> -> memref<632x128xf32, #tpu.memory_space<vmem_shared>>
      %dma_start3A_121 = arith.constant 0 : i32
      %dma_start3A_122 = tpu.memref_slice %arg4[%mul3A_2, %dma_start3A_121] : memref<10112x128xf32, #tpu.memory_space<hbm>> -> memref<632x128xf32, #tpu.memory_space<hbm>>
      tpu.enqueue_dma source(%dma_start3A_122 : memref<632x128xf32, #tpu.memory_space<hbm>>) target(%dma_start3A_120 : memref<632x128xf32, #tpu.memory_space<vmem_shared>>) target_semaphore(%run_scoped3A : memref<!tpu.dma_semaphore, #tpu.memory_space<semaphore_mem>>)
      %dma_wait3A_123 = arith.constant 0 : i32
      %dma_wait3A_124 = tpu.memref_slice %arg8[%mul3A_2, %dma_wait3A_123] : memref<10112x128xf32, #tpu.memory_space<vmem_shared>> -> memref<632x128xf32, #tpu.memory_space<vmem_shared>>
      %dma_wait3A_125 = arith.constant 0 : i32
      %dma_wait3A_126 = tpu.memref_slice %arg4[%mul3A_2, %dma_wait3A_125] : memref<10112x128xf32, #tpu.memory_space<hbm>> -> memref<632x128xf32, #tpu.memory_space<hbm>>
      tpu.wait_dma2 semaphore(%run_scoped3A : memref<!tpu.dma_semaphore, #tpu.memory_space<semaphore_mem>>) src(%dma_wait3A_126 : memref<632x128xf32, #tpu.memory_space<hbm>>) dst(%dma_wait3A_124 : memref<632x128xf32, #tpu.memory_space<vmem_shared>>)
      tpu.yield
    }) : () -> ()
    "tpu.region"() ({
      %run_scoped3A = tpu.sem_alloc : memref<!tpu.dma_semaphore, #tpu.memory_space<semaphore_mem>>
      %dma_start3A_119 = arith.constant 0 : i32
      %dma_start3A_120 = arith.constant 0 : i32
      %dma_start3A_121 = tpu.memref_slice %arg2[%add3A, %dma_start3A_119, %dma_start3A_120] : memref<32x80x128xi32, #tpu.memory_space<hbm>> -> memref<1x80x128xi32, #tpu.memory_space<hbm>>
      %dma_start3A_122 = tpu.memref_squeeze %dma_start3A_121 : memref<1x80x128xi32, #tpu.memory_space<hbm>> -> memref<80x128xi32, #tpu.memory_space<hbm>>
      %dma_start3A_123 = arith.constant 0 : i32
      %dma_start3A_124 = arith.constant 0 : i32
      %dma_start3A_125 = tpu.memref_slice %arg2[%add3A, %dma_start3A_123, %dma_start3A_124] : memref<32x80x128xi32, #tpu.memory_space<hbm>> -> memref<1x80x128xi32, #tpu.memory_space<hbm>>
      %dma_start3A_126 = tpu.memref_squeeze %dma_start3A_125 : memref<1x80x128xi32, #tpu.memory_space<hbm>> -> memref<80x128xi32, #tpu.memory_space<hbm>>
      tpu.enqueue_dma source(%dma_start3A_126 : memref<80x128xi32, #tpu.memory_space<hbm>>) target(%arg6 : memref<80x128xi32, #tpu.memory_space<vmem>>) target_semaphore(%run_scoped3A : memref<!tpu.dma_semaphore, #tpu.memory_space<semaphore_mem>>)
      %dma_wait3A_127 = arith.constant 0 : i32
      %dma_wait3A_128 = arith.constant 0 : i32
      %dma_wait3A_129 = tpu.memref_slice %arg2[%add3A, %dma_wait3A_127, %dma_wait3A_128] : memref<32x80x128xi32, #tpu.memory_space<hbm>> -> memref<1x80x128xi32, #tpu.memory_space<hbm>>
      %dma_wait3A_130 = tpu.memref_squeeze %dma_wait3A_129 : memref<1x80x128xi32, #tpu.memory_space<hbm>> -> memref<80x128xi32, #tpu.memory_space<hbm>>
      %dma_wait3A_131 = arith.constant 0 : i32
      %dma_wait3A_132 = arith.constant 0 : i32
      %dma_wait3A_133 = tpu.memref_slice %arg2[%add3A, %dma_wait3A_131, %dma_wait3A_132] : memref<32x80x128xi32, #tpu.memory_space<hbm>> -> memref<1x80x128xi32, #tpu.memory_space<hbm>>
      %dma_wait3A_134 = tpu.memref_squeeze %dma_wait3A_133 : memref<1x80x128xi32, #tpu.memory_space<hbm>> -> memref<80x128xi32, #tpu.memory_space<hbm>>
      tpu.wait_dma2 semaphore(%run_scoped3A : memref<!tpu.dma_semaphore, #tpu.memory_space<semaphore_mem>>) src(%dma_wait3A_134 : memref<80x128xi32, #tpu.memory_space<hbm>>) dst(%arg6 : memref<80x128xi32, #tpu.memory_space<vmem>>)
      tpu.yield
    }) : () -> ()
    "tpu.region"() ({
      %run_scoped3A = tpu.sem_alloc : memref<!tpu.dma_semaphore, #tpu.memory_space<semaphore_mem>>
      tpu.enqueue_dma source(%arg3 : memref<128x128xf32, #tpu.memory_space<hbm>>) target(%arg7 : memref<128x128xf32, #tpu.memory_space<vmem>>) target_semaphore(%run_scoped3A : memref<!tpu.dma_semaphore, #tpu.memory_space<semaphore_mem>>)
      tpu.wait_dma2 semaphore(%run_scoped3A : memref<!tpu.dma_semaphore, #tpu.memory_space<semaphore_mem>>) src(%arg3 : memref<128x128xf32, #tpu.memory_space<hbm>>) dst(%arg7 : memref<128x128xf32, #tpu.memory_space<vmem>>)
      tpu.yield
    }) : () -> ()
    %barrier3A = arith.constant 0 : index
    tpu.barrier barrier_id(%barrier3A)
    %dma_start3A = arith.constant 0 : i32
    %dma_start3A_3 = arith.constant 0 : i32
    %dma_start3A_4 = tpu.memref_slice %arg6[%dma_start3A, %dma_start3A_3] : memref<80x128xi32, #tpu.memory_space<vmem>> -> memref<1x128xi32, #tpu.memory_space<vmem>>
    %dma_start3A_5 = tpu.memref_squeeze %dma_start3A_4 : memref<1x128xi32, #tpu.memory_space<vmem>> -> memref<128xi32, #tpu.memory_space<vmem>>
    %dma_start3A_6 = arith.constant 0 : i32
    %dma_start3A_7 = arith.constant 0 : i32
    %dma_start3A_8 = tpu.memref_slice %arg8[%dma_start3A_6, %dma_start3A_7] : memref<10112x128xf32, #tpu.memory_space<vmem_shared>> -> memref<10112x128xf32, #tpu.memory_space<vmem_shared>>
    tpu.enqueue_indirect_dma source(%arg7 : memref<128x128xf32, #tpu.memory_space<vmem>>) target(%dma_start3A_8 : memref<10112x128xf32, #tpu.memory_space<vmem_shared>>) offsets(%dma_start3A_5 : memref<128xi32, #tpu.memory_space<vmem>>) semaphore(%arg9 : memref<!tpu.dma_semaphore, #tpu.memory_space<semaphore_mem>>) {add = true}
    %dma_start3A_9 = arith.constant 1 : i32
    %dma_start3A_10 = arith.constant 0 : i32
    %dma_start3A_11 = tpu.memref_slice %arg6[%dma_start3A_9, %dma_start3A_10] : memref<80x128xi32, #tpu.memory_space<vmem>> -> memref<1x128xi32, #tpu.memory_space<vmem>>
    %dma_start3A_12 = tpu.memref_squeeze %dma_start3A_11 : memref<1x128xi32, #tpu.memory_space<vmem>> -> memref<128xi32, #tpu.memory_space<vmem>>
    %dma_start3A_13 = arith.constant 0 : i32
    %dma_start3A_14 = arith.constant 0 : i32
    %dma_start3A_15 = tpu.memref_slice %arg8[%dma_start3A_13, %dma_start3A_14] : memref<10112x128xf32, #tpu.memory_space<vmem_shared>> -> memref<10112x128xf32, #tpu.memory_space<vmem_shared>>
    tpu.enqueue_indirect_dma source(%arg7 : memref<128x128xf32, #tpu.memory_space<vmem>>) target(%dma_start3A_15 : memref<10112x128xf32, #tpu.memory_space<vmem_shared>>) offsets(%dma_start3A_12 : memref<128xi32, #tpu.memory_space<vmem>>) semaphore(%arg9 : memref<!tpu.dma_semaphore, #tpu.memory_space<semaphore_mem>>) {add = true}
    %dma_start3A_16 = arith.constant 2 : i32
    %dma_start3A_17 = arith.constant 0 : i32
    %dma_start3A_18 = tpu.memref_slice %arg6[%dma_start3A_16, %dma_start3A_17] : memref<80x128xi32, #tpu.memory_space<vmem>> -> memref<1x128xi32, #tpu.memory_space<vmem>>
    %dma_start3A_19 = tpu.memref_squeeze %dma_start3A_18 : memref<1x128xi32, #tpu.memory_space<vmem>> -> memref<128xi32, #tpu.memory_space<vmem>>
    %dma_start3A_20 = arith.constant 0 : i32
    %dma_start3A_21 = arith.constant 0 : i32
    %dma_start3A_22 = tpu.memref_slice %arg8[%dma_start3A_20, %dma_start3A_21] : memref<10112x128xf32, #tpu.memory_space<vmem_shared>> -> memref<10112x128xf32, #tpu.memory_space<vmem_shared>>
    tpu.enqueue_indirect_dma source(%arg7 : memref<128x128xf32, #tpu.memory_space<vmem>>) target(%dma_start3A_22 : memref<10112x128xf32, #tpu.memory_space<vmem_shared>>) offsets(%dma_start3A_19 : memref<128xi32, #tpu.memory_space<vmem>>) semaphore(%arg9 : memref<!tpu.dma_semaphore, #tpu.memory_space<semaphore_mem>>) {add = true}
    %dma_start3A_23 = arith.constant 3 : i32
    %dma_start3A_24 = arith.constant 0 : i32
    %dma_start3A_25 = tpu.memref_slice %arg6[%dma_start3A_23, %dma_start3A_24] : memref<80x128xi32, #tpu.memory_space<vmem>> -> memref<1x128xi32, #tpu.memory_space<vmem>>
    %dma_start3A_26 = tpu.memref_squeeze %dma_start3A_25 : memref<1x128xi32, #tpu.memory_space<vmem>> -> memref<128xi32, #tpu.memory_space<vmem>>
    %dma_start3A_27 = arith.constant 0 : i32
    %dma_start3A_28 = arith.constant 0 : i32
    %dma_start3A_29 = tpu.memref_slice %arg8[%dma_start3A_27, %dma_start3A_28] : memref<10112x128xf32, #tpu.memory_space<vmem_shared>> -> memref<10112x128xf32, #tpu.memory_space<vmem_shared>>
    tpu.enqueue_indirect_dma source(%arg7 : memref<128x128xf32, #tpu.memory_space<vmem>>) target(%dma_start3A_29 : memref<10112x128xf32, #tpu.memory_space<vmem_shared>>) offsets(%dma_start3A_26 : memref<128xi32, #tpu.memory_space<vmem>>) semaphore(%arg9 : memref<!tpu.dma_semaphore, #tpu.memory_space<semaphore_mem>>) {add = true}
    %dma_start3A_30 = arith.constant 4 : i32
    %dma_start3A_31 = arith.constant 0 : i32
    %dma_start3A_32 = tpu.memref_slice %arg6[%dma_start3A_30, %dma_start3A_31] : memref<80x128xi32, #tpu.memory_space<vmem>> -> memref<1x128xi32, #tpu.memory_space<vmem>>
    %dma_start3A_33 = tpu.memref_squeeze %dma_start3A_32 : memref<1x128xi32, #tpu.memory_space<vmem>> -> memref<128xi32, #tpu.memory_space<vmem>>
    %dma_start3A_34 = arith.constant 0 : i32
    %dma_start3A_35 = arith.constant 0 : i32
    %dma_start3A_36 = tpu.memref_slice %arg8[%dma_start3A_34, %dma_start3A_35] : memref<10112x128xf32, #tpu.memory_space<vmem_shared>> -> memref<10112x128xf32, #tpu.memory_space<vmem_shared>>
    tpu.enqueue_indirect_dma source(%arg7 : memref<128x128xf32, #tpu.memory_space<vmem>>) target(%dma_start3A_36 : memref<10112x128xf32, #tpu.memory_space<vmem_shared>>) offsets(%dma_start3A_33 : memref<128xi32, #tpu.memory_space<vmem>>) semaphore(%arg9 : memref<!tpu.dma_semaphore, #tpu.memory_space<semaphore_mem>>) {add = true}
    %dma_start3A_37 = arith.constant 5 : i32
    %dma_start3A_38 = arith.constant 0 : i32
    %dma_start3A_39 = tpu.memref_slice %arg6[%dma_start3A_37, %dma_start3A_38] : memref<80x128xi32, #tpu.memory_space<vmem>> -> memref<1x128xi32, #tpu.memory_space<vmem>>
    %dma_start3A_40 = tpu.memref_squeeze %dma_start3A_39 : memref<1x128xi32, #tpu.memory_space<vmem>> -> memref<128xi32, #tpu.memory_space<vmem>>
    %dma_start3A_41 = arith.constant 0 : i32
    %dma_start3A_42 = arith.constant 0 : i32
    %dma_start3A_43 = tpu.memref_slice %arg8[%dma_start3A_41, %dma_start3A_42] : memref<10112x128xf32, #tpu.memory_space<vmem_shared>> -> memref<10112x128xf32, #tpu.memory_space<vmem_shared>>
    tpu.enqueue_indirect_dma source(%arg7 : memref<128x128xf32, #tpu.memory_space<vmem>>) target(%dma_start3A_43 : memref<10112x128xf32, #tpu.memory_space<vmem_shared>>) offsets(%dma_start3A_40 : memref<128xi32, #tpu.memory_space<vmem>>) semaphore(%arg9 : memref<!tpu.dma_semaphore, #tpu.memory_space<semaphore_mem>>) {add = true}
    %dma_start3A_44 = arith.constant 6 : i32
    %dma_start3A_45 = arith.constant 0 : i32
    %dma_start3A_46 = tpu.memref_slice %arg6[%dma_start3A_44, %dma_start3A_45] : memref<80x128xi32, #tpu.memory_space<vmem>> -> memref<1x128xi32, #tpu.memory_space<vmem>>
    %dma_start3A_47 = tpu.memref_squeeze %dma_start3A_46 : memref<1x128xi32, #tpu.memory_space<vmem>> -> memref<128xi32, #tpu.memory_space<vmem>>
    %dma_start3A_48 = arith.constant 0 : i32
    %dma_start3A_49 = arith.constant 0 : i32
    %dma_start3A_50 = tpu.memref_slice %arg8[%dma_start3A_48, %dma_start3A_49] : memref<10112x128xf32, #tpu.memory_space<vmem_shared>> -> memref<10112x128xf32, #tpu.memory_space<vmem_shared>>
    tpu.enqueue_indirect_dma source(%arg7 : memref<128x128xf32, #tpu.memory_space<vmem>>) target(%dma_start3A_50 : memref<10112x128xf32, #tpu.memory_space<vmem_shared>>) offsets(%dma_start3A_47 : memref<128xi32, #tpu.memory_space<vmem>>) semaphore(%arg9 : memref<!tpu.dma_semaphore, #tpu.memory_space<semaphore_mem>>) {add = true}
    %dma_start3A_51 = arith.constant 7 : i32
    %dma_start3A_52 = arith.constant 0 : i32
    %dma_start3A_53 = tpu.memref_slice %arg6[%dma_start3A_51, %dma_start3A_52] : memref<80x128xi32, #tpu.memory_space<vmem>> -> memref<1x128xi32, #tpu.memory_space<vmem>>
    %dma_start3A_54 = tpu.memref_squeeze %dma_start3A_53 : memref<1x128xi32, #tpu.memory_space<vmem>> -> memref<128xi32, #tpu.memory_space<vmem>>
    %dma_start3A_55 = arith.constant 0 : i32
    %dma_start3A_56 = arith.constant 0 : i32
    %dma_start3A_57 = tpu.memref_slice %arg8[%dma_start3A_55, %dma_start3A_56] : memref<10112x128xf32, #tpu.memory_space<vmem_shared>> -> memref<10112x128xf32, #tpu.memory_space<vmem_shared>>
    tpu.enqueue_indirect_dma source(%arg7 : memref<128x128xf32, #tpu.memory_space<vmem>>) target(%dma_start3A_57 : memref<10112x128xf32, #tpu.memory_space<vmem_shared>>) offsets(%dma_start3A_54 : memref<128xi32, #tpu.memory_space<vmem>>) semaphore(%arg9 : memref<!tpu.dma_semaphore, #tpu.memory_space<semaphore_mem>>) {add = true}
    %scan3A = arith.constant 0 : i32
    %scan3A_58 = arith.constant 0 : i32
    %scan3A_59 = arith.constant 72 : i32
    %scan3A_60 = arith.addi %scan3A_58, %scan3A_59 : i32
    %scan3A_61 = arith.constant 1 : i32
    scf.for %scan3A_119 = %scan3A_58 to %scan3A_60 step %scan3A_61  : i32 {
      %add3A_120 = arith.constant 8 : i32
      %add3A_121 = arith.addi %scan3A_119, %add3A_120 : i32
      %dma_start3A_122 = arith.constant 0 : i32
      %dma_start3A_123 = tpu.memref_slice %arg6[%add3A_121, %dma_start3A_122] : memref<80x128xi32, #tpu.memory_space<vmem>> -> memref<1x128xi32, #tpu.memory_space<vmem>>
      %dma_start3A_124 = tpu.memref_squeeze %dma_start3A_123 : memref<1x128xi32, #tpu.memory_space<vmem>> -> memref<128xi32, #tpu.memory_space<vmem>>
      %dma_start3A_125 = arith.constant 0 : i32
      %dma_start3A_126 = arith.constant 0 : i32
      %dma_start3A_127 = tpu.memref_slice %arg8[%dma_start3A_125, %dma_start3A_126] : memref<10112x128xf32, #tpu.memory_space<vmem_shared>> -> memref<10112x128xf32, #tpu.memory_space<vmem_shared>>
      tpu.enqueue_indirect_dma source(%arg7 : memref<128x128xf32, #tpu.memory_space<vmem>>) target(%dma_start3A_127 : memref<10112x128xf32, #tpu.memory_space<vmem_shared>>) offsets(%dma_start3A_124 : memref<128xi32, #tpu.memory_space<vmem>>) semaphore(%arg9 : memref<!tpu.dma_semaphore, #tpu.memory_space<semaphore_mem>>) {add = true}
      %dma_wait3A_128 = arith.constant 0 : i32
      %dma_wait3A_129 = tpu.memref_slice %arg6[%scan3A_119, %dma_wait3A_128] : memref<80x128xi32, #tpu.memory_space<vmem>> -> memref<1x128xi32, #tpu.memory_space<vmem>>
      %dma_wait3A_130 = tpu.memref_squeeze %dma_wait3A_129 : memref<1x128xi32, #tpu.memory_space<vmem>> -> memref<128xi32, #tpu.memory_space<vmem>>
      %dma_wait3A_131 = arith.constant 0 : i32
      %dma_wait3A_132 = arith.constant 0 : i32
      %dma_wait3A_133 = tpu.memref_slice %arg8[%dma_wait3A_131, %dma_wait3A_132] : memref<10112x128xf32, #tpu.memory_space<vmem_shared>> -> memref<10112x128xf32, #tpu.memory_space<vmem_shared>>
      tpu.wait_indirect_dma semaphore(%arg9 : memref<!tpu.dma_semaphore, #tpu.memory_space<semaphore_mem>>) src(%arg7 : memref<128x128xf32, #tpu.memory_space<vmem>>) dst(%dma_wait3A_133 : memref<10112x128xf32, #tpu.memory_space<vmem_shared>>)
    }
    %scan3A_62 = arith.constant 72 : i32
    %dma_wait3A = arith.constant 72 : i32
    %dma_wait3A_63 = arith.constant 0 : i32
    %dma_wait3A_64 = tpu.memref_slice %arg6[%dma_wait3A, %dma_wait3A_63] : memref<80x128xi32, #tpu.memory_space<vmem>> -> memref<1x128xi32, #tpu.memory_space<vmem>>
    %dma_wait3A_65 = tpu.memref_squeeze %dma_wait3A_64 : memref<1x128xi32, #tpu.memory_space<vmem>> -> memref<128xi32, #tpu.memory_space<vmem>>
    %dma_wait3A_66 = arith.constant 0 : i32
    %dma_wait3A_67 = arith.constant 0 : i32
    %dma_wait3A_68 = tpu.memref_slice %arg8[%dma_wait3A_66, %dma_wait3A_67] : memref<10112x128xf32, #tpu.memory_space<vmem_shared>> -> memref<10112x128xf32, #tpu.memory_space<vmem_shared>>
    tpu.wait_indirect_dma semaphore(%arg9 : memref<!tpu.dma_semaphore, #tpu.memory_space<semaphore_mem>>) src(%arg7 : memref<128x128xf32, #tpu.memory_space<vmem>>) dst(%dma_wait3A_68 : memref<10112x128xf32, #tpu.memory_space<vmem_shared>>)
    %dma_wait3A_69 = arith.constant 73 : i32
    %dma_wait3A_70 = arith.constant 0 : i32
    %dma_wait3A_71 = tpu.memref_slice %arg6[%dma_wait3A_69, %dma_wait3A_70] : memref<80x128xi32, #tpu.memory_space<vmem>> -> memref<1x128xi32, #tpu.memory_space<vmem>>
    %dma_wait3A_72 = tpu.memref_squeeze %dma_wait3A_71 : memref<1x128xi32, #tpu.memory_space<vmem>> -> memref<128xi32, #tpu.memory_space<vmem>>
    %dma_wait3A_73 = arith.constant 0 : i32
    %dma_wait3A_74 = arith.constant 0 : i32
    %dma_wait3A_75 = tpu.memref_slice %arg8[%dma_wait3A_73, %dma_wait3A_74] : memref<10112x128xf32, #tpu.memory_space<vmem_shared>> -> memref<10112x128xf32, #tpu.memory_space<vmem_shared>>
    tpu.wait_indirect_dma semaphore(%arg9 : memref<!tpu.dma_semaphore, #tpu.memory_space<semaphore_mem>>) src(%arg7 : memref<128x128xf32, #tpu.memory_space<vmem>>) dst(%dma_wait3A_75 : memref<10112x128xf32, #tpu.memory_space<vmem_shared>>)
    %dma_wait3A_76 = arith.constant 74 : i32
    %dma_wait3A_77 = arith.constant 0 : i32
    %dma_wait3A_78 = tpu.memref_slice %arg6[%dma_wait3A_76, %dma_wait3A_77] : memref<80x128xi32, #tpu.memory_space<vmem>> -> memref<1x128xi32, #tpu.memory_space<vmem>>
    %dma_wait3A_79 = tpu.memref_squeeze %dma_wait3A_78 : memref<1x128xi32, #tpu.memory_space<vmem>> -> memref<128xi32, #tpu.memory_space<vmem>>
    %dma_wait3A_80 = arith.constant 0 : i32
    %dma_wait3A_81 = arith.constant 0 : i32
    %dma_wait3A_82 = tpu.memref_slice %arg8[%dma_wait3A_80, %dma_wait3A_81] : memref<10112x128xf32, #tpu.memory_space<vmem_shared>> -> memref<10112x128xf32, #tpu.memory_space<vmem_shared>>
    tpu.wait_indirect_dma semaphore(%arg9 : memref<!tpu.dma_semaphore, #tpu.memory_space<semaphore_mem>>) src(%arg7 : memref<128x128xf32, #tpu.memory_space<vmem>>) dst(%dma_wait3A_82 : memref<10112x128xf32, #tpu.memory_space<vmem_shared>>)
    %dma_wait3A_83 = arith.constant 75 : i32
    %dma_wait3A_84 = arith.constant 0 : i32
    %dma_wait3A_85 = tpu.memref_slice %arg6[%dma_wait3A_83, %dma_wait3A_84] : memref<80x128xi32, #tpu.memory_space<vmem>> -> memref<1x128xi32, #tpu.memory_space<vmem>>
    %dma_wait3A_86 = tpu.memref_squeeze %dma_wait3A_85 : memref<1x128xi32, #tpu.memory_space<vmem>> -> memref<128xi32, #tpu.memory_space<vmem>>
    %dma_wait3A_87 = arith.constant 0 : i32
    %dma_wait3A_88 = arith.constant 0 : i32
    %dma_wait3A_89 = tpu.memref_slice %arg8[%dma_wait3A_87, %dma_wait3A_88] : memref<10112x128xf32, #tpu.memory_space<vmem_shared>> -> memref<10112x128xf32, #tpu.memory_space<vmem_shared>>
    tpu.wait_indirect_dma semaphore(%arg9 : memref<!tpu.dma_semaphore, #tpu.memory_space<semaphore_mem>>) src(%arg7 : memref<128x128xf32, #tpu.memory_space<vmem>>) dst(%dma_wait3A_89 : memref<10112x128xf32, #tpu.memory_space<vmem_shared>>)
    %dma_wait3A_90 = arith.constant 76 : i32
    %dma_wait3A_91 = arith.constant 0 : i32
    %dma_wait3A_92 = tpu.memref_slice %arg6[%dma_wait3A_90, %dma_wait3A_91] : memref<80x128xi32, #tpu.memory_space<vmem>> -> memref<1x128xi32, #tpu.memory_space<vmem>>
    %dma_wait3A_93 = tpu.memref_squeeze %dma_wait3A_92 : memref<1x128xi32, #tpu.memory_space<vmem>> -> memref<128xi32, #tpu.memory_space<vmem>>
    %dma_wait3A_94 = arith.constant 0 : i32
    %dma_wait3A_95 = arith.constant 0 : i32
    %dma_wait3A_96 = tpu.memref_slice %arg8[%dma_wait3A_94, %dma_wait3A_95] : memref<10112x128xf32, #tpu.memory_space<vmem_shared>> -> memref<10112x128xf32, #tpu.memory_space<vmem_shared>>
    tpu.wait_indirect_dma semaphore(%arg9 : memref<!tpu.dma_semaphore, #tpu.memory_space<semaphore_mem>>) src(%arg7 : memref<128x128xf32, #tpu.memory_space<vmem>>) dst(%dma_wait3A_96 : memref<10112x128xf32, #tpu.memory_space<vmem_shared>>)
    %dma_wait3A_97 = arith.constant 77 : i32
    %dma_wait3A_98 = arith.constant 0 : i32
    %dma_wait3A_99 = tpu.memref_slice %arg6[%dma_wait3A_97, %dma_wait3A_98] : memref<80x128xi32, #tpu.memory_space<vmem>> -> memref<1x128xi32, #tpu.memory_space<vmem>>
    %dma_wait3A_100 = tpu.memref_squeeze %dma_wait3A_99 : memref<1x128xi32, #tpu.memory_space<vmem>> -> memref<128xi32, #tpu.memory_space<vmem>>
    %dma_wait3A_101 = arith.constant 0 : i32
    %dma_wait3A_102 = arith.constant 0 : i32
    %dma_wait3A_103 = tpu.memref_slice %arg8[%dma_wait3A_101, %dma_wait3A_102] : memref<10112x128xf32, #tpu.memory_space<vmem_shared>> -> memref<10112x128xf32, #tpu.memory_space<vmem_shared>>
    tpu.wait_indirect_dma semaphore(%arg9 : memref<!tpu.dma_semaphore, #tpu.memory_space<semaphore_mem>>) src(%arg7 : memref<128x128xf32, #tpu.memory_space<vmem>>) dst(%dma_wait3A_103 : memref<10112x128xf32, #tpu.memory_space<vmem_shared>>)
    %dma_wait3A_104 = arith.constant 78 : i32
    %dma_wait3A_105 = arith.constant 0 : i32
    %dma_wait3A_106 = tpu.memref_slice %arg6[%dma_wait3A_104, %dma_wait3A_105] : memref<80x128xi32, #tpu.memory_space<vmem>> -> memref<1x128xi32, #tpu.memory_space<vmem>>
    %dma_wait3A_107 = tpu.memref_squeeze %dma_wait3A_106 : memref<1x128xi32, #tpu.memory_space<vmem>> -> memref<128xi32, #tpu.memory_space<vmem>>
    %dma_wait3A_108 = arith.constant 0 : i32
    %dma_wait3A_109 = arith.constant 0 : i32
    %dma_wait3A_110 = tpu.memref_slice %arg8[%dma_wait3A_108, %dma_wait3A_109] : memref<10112x128xf32, #tpu.memory_space<vmem_shared>> -> memref<10112x128xf32, #tpu.memory_space<vmem_shared>>
    tpu.wait_indirect_dma semaphore(%arg9 : memref<!tpu.dma_semaphore, #tpu.memory_space<semaphore_mem>>) src(%arg7 : memref<128x128xf32, #tpu.memory_space<vmem>>) dst(%dma_wait3A_110 : memref<10112x128xf32, #tpu.memory_space<vmem_shared>>)
    %dma_wait3A_111 = arith.constant 79 : i32
    %dma_wait3A_112 = arith.constant 0 : i32
    %dma_wait3A_113 = tpu.memref_slice %arg6[%dma_wait3A_111, %dma_wait3A_112] : memref<80x128xi32, #tpu.memory_space<vmem>> -> memref<1x128xi32, #tpu.memory_space<vmem>>
    %dma_wait3A_114 = tpu.memref_squeeze %dma_wait3A_113 : memref<1x128xi32, #tpu.memory_space<vmem>> -> memref<128xi32, #tpu.memory_space<vmem>>
    %dma_wait3A_115 = arith.constant 0 : i32
    %dma_wait3A_116 = arith.constant 0 : i32
    %dma_wait3A_117 = tpu.memref_slice %arg8[%dma_wait3A_115, %dma_wait3A_116] : memref<10112x128xf32, #tpu.memory_space<vmem_shared>> -> memref<10112x128xf32, #tpu.memory_space<vmem_shared>>
    tpu.wait_indirect_dma semaphore(%arg9 : memref<!tpu.dma_semaphore, #tpu.memory_space<semaphore_mem>>) src(%arg7 : memref<128x128xf32, #tpu.memory_space<vmem>>) dst(%dma_wait3A_117 : memref<10112x128xf32, #tpu.memory_space<vmem_shared>>)
    %barrier3A_118 = arith.constant 0 : index
    tpu.barrier barrier_id(%barrier3A_118)
    "tpu.region"() ({
      %run_scoped3A = tpu.sem_alloc : memref<!tpu.dma_semaphore, #tpu.memory_space<semaphore_mem>>
      %dma_start3A_119 = arith.constant 0 : i32
      %dma_start3A_120 = tpu.memref_slice %arg5[%arg0, %mul3A_2, %dma_start3A_119] : memref<2x10112x128xf32, #tpu.memory_space<hbm>> -> memref<1x632x128xf32, #tpu.memory_space<hbm>>
      %dma_start3A_121 = tpu.memref_squeeze %dma_start3A_120 : memref<1x632x128xf32, #tpu.memory_space<hbm>> -> memref<632x128xf32, #tpu.memory_space<hbm>>
      %dma_start3A_122 = arith.constant 0 : i32
      %dma_start3A_123 = tpu.memref_slice %arg8[%mul3A_2, %dma_start3A_122] : memref<10112x128xf32, #tpu.memory_space<vmem_shared>> -> memref<632x128xf32, #tpu.memory_space<vmem_shared>>
      tpu.enqueue_dma source(%dma_start3A_123 : memref<632x128xf32, #tpu.memory_space<vmem_shared>>) target(%dma_start3A_121 : memref<632x128xf32, #tpu.memory_space<hbm>>) target_semaphore(%run_scoped3A : memref<!tpu.dma_semaphore, #tpu.memory_space<semaphore_mem>>)
      %dma_wait3A_124 = arith.constant 0 : i32
      %dma_wait3A_125 = tpu.memref_slice %arg5[%arg0, %mul3A_2, %dma_wait3A_124] : memref<2x10112x128xf32, #tpu.memory_space<hbm>> -> memref<1x632x128xf32, #tpu.memory_space<hbm>>
      %dma_wait3A_126 = tpu.memref_squeeze %dma_wait3A_125 : memref<1x632x128xf32, #tpu.memory_space<hbm>> -> memref<632x128xf32, #tpu.memory_space<hbm>>
      %dma_wait3A_127 = arith.constant 0 : i32
      %dma_wait3A_128 = tpu.memref_slice %arg8[%mul3A_2, %dma_wait3A_127] : memref<10112x128xf32, #tpu.memory_space<vmem_shared>> -> memref<632x128xf32, #tpu.memory_space<vmem_shared>>
      tpu.wait_dma2 semaphore(%run_scoped3A : memref<!tpu.dma_semaphore, #tpu.memory_space<semaphore_mem>>) src(%dma_wait3A_128 : memref<632x128xf32, #tpu.memory_space<vmem_shared>>) dst(%dma_wait3A_126 : memref<632x128xf32, #tpu.memory_space<hbm>>)
      tpu.yield
    }) : () -> ()
    return
  }
}

#map = affine_map<(d0, d1) -> (0, 0)>
#map1 = affine_map<(d0, d1) -> (0, 0, 0)>
module attributes {stable_mosaic.version = 14 : i64} {
  func.func @_sc_segsum(%arg0: i32, %arg1: i32, %arg2: memref<10000x128xf32, #tpu.memory_space<hbm>>, %arg3: memref<32x88x128xi32, #tpu.memory_space<hbm>>, %arg4: memref<32x80x128xi32, #tpu.memory_space<hbm>>, %arg5: memref<10112x128xf32, #tpu.memory_space<hbm>>, %arg6: memref<2x10112x128xf32, #tpu.memory_space<hbm>>, %arg7: memref<48x128xi32, #tpu.memory_space<vmem>>, %arg8: memref<40x128xi32, #tpu.memory_space<vmem>>, %arg9: memref<128x128xf32, #tpu.memory_space<vmem>>, %arg10: memref<128x128xf32, #tpu.memory_space<vmem>>, %arg11: memref<10112x128xf32, #tpu.memory_space<vmem_shared>>, %arg12: memref<!tpu.dma_semaphore, #tpu.memory_space<semaphore_mem>>, %arg13: memref<!tpu.dma_semaphore, #tpu.memory_space<semaphore_mem>>) attributes {dimension_semantics = [#tpu.dimension_semantics<core_parallel>, #tpu.dimension_semantics<subcore_parallel>], iteration_bounds = array<i64: 2, 16>, scalar_prefetch = 0 : i64, scratch_operands = 7 : i64, tpu.core_type = #tpu.core_type<sc_vector_subcore>, window_params = [{transform_indices = #map}, {transform_indices = #map1}, {transform_indices = #map1}, {transform_indices = #map}, {transform_indices = #map1}]} {
    %mul3A = arith.constant 2 : i32
    %mul3A_0 = arith.muli %arg1, %mul3A : i32
    %add3A = arith.addi %mul3A_0, %arg0 : i32
    %mul3A_1 = arith.constant 632 : i32
    %mul3A_2 = arith.muli %arg1, %mul3A_1 : i32
    "tpu.region"() ({
      %run_scoped3A = tpu.sem_alloc : memref<!tpu.dma_semaphore, #tpu.memory_space<semaphore_mem>>
      %dma_start3A_41 = arith.constant 0 : i32
      %dma_start3A_42 = arith.constant 0 : i32
      %dma_start3A_43 = tpu.memref_slice %arg3[%add3A, %dma_start3A_41, %dma_start3A_42] : memref<32x88x128xi32, #tpu.memory_space<hbm>> -> memref<1x48x128xi32, #tpu.memory_space<hbm>>
      %dma_start3A_44 = tpu.memref_squeeze %dma_start3A_43 : memref<1x48x128xi32, #tpu.memory_space<hbm>> -> memref<48x128xi32, #tpu.memory_space<hbm>>
      %dma_start3A_45 = arith.constant 0 : i32
      %dma_start3A_46 = arith.constant 0 : i32
      %dma_start3A_47 = tpu.memref_slice %arg3[%add3A, %dma_start3A_45, %dma_start3A_46] : memref<32x88x128xi32, #tpu.memory_space<hbm>> -> memref<1x48x128xi32, #tpu.memory_space<hbm>>
      %dma_start3A_48 = tpu.memref_squeeze %dma_start3A_47 : memref<1x48x128xi32, #tpu.memory_space<hbm>> -> memref<48x128xi32, #tpu.memory_space<hbm>>
      tpu.enqueue_dma source(%dma_start3A_48 : memref<48x128xi32, #tpu.memory_space<hbm>>) target(%arg7 : memref<48x128xi32, #tpu.memory_space<vmem>>) target_semaphore(%run_scoped3A : memref<!tpu.dma_semaphore, #tpu.memory_space<semaphore_mem>>)
      %dma_wait3A_49 = arith.constant 0 : i32
      %dma_wait3A_50 = arith.constant 0 : i32
      %dma_wait3A_51 = tpu.memref_slice %arg3[%add3A, %dma_wait3A_49, %dma_wait3A_50] : memref<32x88x128xi32, #tpu.memory_space<hbm>> -> memref<1x48x128xi32, #tpu.memory_space<hbm>>
      %dma_wait3A_52 = tpu.memref_squeeze %dma_wait3A_51 : memref<1x48x128xi32, #tpu.memory_space<hbm>> -> memref<48x128xi32, #tpu.memory_space<hbm>>
      %dma_wait3A_53 = arith.constant 0 : i32
      %dma_wait3A_54 = arith.constant 0 : i32
      %dma_wait3A_55 = tpu.memref_slice %arg3[%add3A, %dma_wait3A_53, %dma_wait3A_54] : memref<32x88x128xi32, #tpu.memory_space<hbm>> -> memref<1x48x128xi32, #tpu.memory_space<hbm>>
      %dma_wait3A_56 = tpu.memref_squeeze %dma_wait3A_55 : memref<1x48x128xi32, #tpu.memory_space<hbm>> -> memref<48x128xi32, #tpu.memory_space<hbm>>
      tpu.wait_dma2 semaphore(%run_scoped3A : memref<!tpu.dma_semaphore, #tpu.memory_space<semaphore_mem>>) src(%dma_wait3A_56 : memref<48x128xi32, #tpu.memory_space<hbm>>) dst(%arg7 : memref<48x128xi32, #tpu.memory_space<vmem>>)
      tpu.yield
    }) : () -> ()
    "tpu.region"() ({
      %run_scoped3A = tpu.sem_alloc : memref<!tpu.dma_semaphore, #tpu.memory_space<semaphore_mem>>
      %dma_start3A_41 = arith.constant 0 : i32
      %dma_start3A_42 = arith.constant 0 : i32
      %dma_start3A_43 = tpu.memref_slice %arg4[%add3A, %dma_start3A_41, %dma_start3A_42] : memref<32x80x128xi32, #tpu.memory_space<hbm>> -> memref<1x40x128xi32, #tpu.memory_space<hbm>>
      %dma_start3A_44 = tpu.memref_squeeze %dma_start3A_43 : memref<1x40x128xi32, #tpu.memory_space<hbm>> -> memref<40x128xi32, #tpu.memory_space<hbm>>
      %dma_start3A_45 = arith.constant 0 : i32
      %dma_start3A_46 = arith.constant 0 : i32
      %dma_start3A_47 = tpu.memref_slice %arg4[%add3A, %dma_start3A_45, %dma_start3A_46] : memref<32x80x128xi32, #tpu.memory_space<hbm>> -> memref<1x40x128xi32, #tpu.memory_space<hbm>>
      %dma_start3A_48 = tpu.memref_squeeze %dma_start3A_47 : memref<1x40x128xi32, #tpu.memory_space<hbm>> -> memref<40x128xi32, #tpu.memory_space<hbm>>
      tpu.enqueue_dma source(%dma_start3A_48 : memref<40x128xi32, #tpu.memory_space<hbm>>) target(%arg8 : memref<40x128xi32, #tpu.memory_space<vmem>>) target_semaphore(%run_scoped3A : memref<!tpu.dma_semaphore, #tpu.memory_space<semaphore_mem>>)
      %dma_wait3A_49 = arith.constant 0 : i32
      %dma_wait3A_50 = arith.constant 0 : i32
      %dma_wait3A_51 = tpu.memref_slice %arg4[%add3A, %dma_wait3A_49, %dma_wait3A_50] : memref<32x80x128xi32, #tpu.memory_space<hbm>> -> memref<1x40x128xi32, #tpu.memory_space<hbm>>
      %dma_wait3A_52 = tpu.memref_squeeze %dma_wait3A_51 : memref<1x40x128xi32, #tpu.memory_space<hbm>> -> memref<40x128xi32, #tpu.memory_space<hbm>>
      %dma_wait3A_53 = arith.constant 0 : i32
      %dma_wait3A_54 = arith.constant 0 : i32
      %dma_wait3A_55 = tpu.memref_slice %arg4[%add3A, %dma_wait3A_53, %dma_wait3A_54] : memref<32x80x128xi32, #tpu.memory_space<hbm>> -> memref<1x40x128xi32, #tpu.memory_space<hbm>>
      %dma_wait3A_56 = tpu.memref_squeeze %dma_wait3A_55 : memref<1x40x128xi32, #tpu.memory_space<hbm>> -> memref<40x128xi32, #tpu.memory_space<hbm>>
      tpu.wait_dma2 semaphore(%run_scoped3A : memref<!tpu.dma_semaphore, #tpu.memory_space<semaphore_mem>>) src(%dma_wait3A_56 : memref<40x128xi32, #tpu.memory_space<hbm>>) dst(%arg8 : memref<40x128xi32, #tpu.memory_space<vmem>>)
      tpu.yield
    }) : () -> ()
    %dma_start3A = arith.constant 0 : i32
    %dma_start3A_3 = arith.constant 0 : i32
    %dma_start3A_4 = tpu.memref_slice %arg7[%dma_start3A, %dma_start3A_3] : memref<48x128xi32, #tpu.memory_space<vmem>> -> memref<1x128xi32, #tpu.memory_space<vmem>>
    %dma_start3A_5 = tpu.memref_squeeze %dma_start3A_4 : memref<1x128xi32, #tpu.memory_space<vmem>> -> memref<128xi32, #tpu.memory_space<vmem>>
    %dma_start3A_6 = arith.constant 0 : i32
    %dma_start3A_7 = arith.constant 0 : i32
    %dma_start3A_8 = tpu.memref_slice %arg2[%dma_start3A_6, %dma_start3A_7] : memref<10000x128xf32, #tpu.memory_space<hbm>> -> memref<10000x128xf32, #tpu.memory_space<hbm>>
    tpu.enqueue_indirect_dma source(%dma_start3A_8 : memref<10000x128xf32, #tpu.memory_space<hbm>>) target(%arg9 : memref<128x128xf32, #tpu.memory_space<vmem>>) offsets(%dma_start3A_5 : memref<128xi32, #tpu.memory_space<vmem>>) semaphore(%arg12 : memref<!tpu.dma_semaphore, #tpu.memory_space<semaphore_mem>>)
    "tpu.region"() ({
      %run_scoped3A = tpu.sem_alloc : memref<!tpu.dma_semaphore, #tpu.memory_space<semaphore_mem>>
      %dma_start3A_41 = arith.constant 0 : i32
      %dma_start3A_42 = tpu.memref_slice %arg11[%mul3A_2, %dma_start3A_41] : memref<10112x128xf32, #tpu.memory_space<vmem_shared>> -> memref<632x128xf32, #tpu.memory_space<vmem_shared>>
      %dma_start3A_43 = arith.constant 0 : i32
      %dma_start3A_44 = tpu.memref_slice %arg5[%mul3A_2, %dma_start3A_43] : memref<10112x128xf32, #tpu.memory_space<hbm>> -> memref<632x128xf32, #tpu.memory_space<hbm>>
      tpu.enqueue_dma source(%dma_start3A_44 : memref<632x128xf32, #tpu.memory_space<hbm>>) target(%dma_start3A_42 : memref<632x128xf32, #tpu.memory_space<vmem_shared>>) target_semaphore(%run_scoped3A : memref<!tpu.dma_semaphore, #tpu.memory_space<semaphore_mem>>)
      %dma_wait3A_45 = arith.constant 0 : i32
      %dma_wait3A_46 = tpu.memref_slice %arg11[%mul3A_2, %dma_wait3A_45] : memref<10112x128xf32, #tpu.memory_space<vmem_shared>> -> memref<632x128xf32, #tpu.memory_space<vmem_shared>>
      %dma_wait3A_47 = arith.constant 0 : i32
      %dma_wait3A_48 = tpu.memref_slice %arg5[%mul3A_2, %dma_wait3A_47] : memref<10112x128xf32, #tpu.memory_space<hbm>> -> memref<632x128xf32, #tpu.memory_space<hbm>>
      tpu.wait_dma2 semaphore(%run_scoped3A : memref<!tpu.dma_semaphore, #tpu.memory_space<semaphore_mem>>) src(%dma_wait3A_48 : memref<632x128xf32, #tpu.memory_space<hbm>>) dst(%dma_wait3A_46 : memref<632x128xf32, #tpu.memory_space<vmem_shared>>)
      tpu.yield
    }) : () -> ()
    %barrier3A = arith.constant 0 : index
    tpu.barrier barrier_id(%barrier3A)
    %scan3A = arith.constant 0 : i32
    %scan3A_9 = arith.constant 0 : i32
    %scan3A_10 = arith.constant 20 : i32
    %scan3A_11 = arith.addi %scan3A_9, %scan3A_10 : i32
    %scan3A_12 = arith.constant 1 : i32
    scf.for %scan3A_41 = %scan3A_9 to %scan3A_11 step %scan3A_12  : i32 {
      %mul3A_42 = arith.constant 2 : i32
      %mul3A_43 = arith.muli %mul3A_42, %scan3A_41 : i32
      %add3A_44 = arith.constant 1 : i32
      %add3A_45 = arith.addi %mul3A_43, %add3A_44 : i32
      %dma_start3A_46 = arith.constant 0 : i32
      %dma_start3A_47 = tpu.memref_slice %arg7[%add3A_45, %dma_start3A_46] : memref<48x128xi32, #tpu.memory_space<vmem>> -> memref<1x128xi32, #tpu.memory_space<vmem>>
      %dma_start3A_48 = tpu.memref_squeeze %dma_start3A_47 : memref<1x128xi32, #tpu.memory_space<vmem>> -> memref<128xi32, #tpu.memory_space<vmem>>
      %dma_start3A_49 = arith.constant 0 : i32
      %dma_start3A_50 = arith.constant 0 : i32
      %dma_start3A_51 = tpu.memref_slice %arg2[%dma_start3A_49, %dma_start3A_50] : memref<10000x128xf32, #tpu.memory_space<hbm>> -> memref<10000x128xf32, #tpu.memory_space<hbm>>
      tpu.enqueue_indirect_dma source(%dma_start3A_51 : memref<10000x128xf32, #tpu.memory_space<hbm>>) target(%arg10 : memref<128x128xf32, #tpu.memory_space<vmem>>) offsets(%dma_start3A_48 : memref<128xi32, #tpu.memory_space<vmem>>) semaphore(%arg13 : memref<!tpu.dma_semaphore, #tpu.memory_space<semaphore_mem>>)
      %dma_wait3A_52 = arith.constant 0 : i32
      %dma_wait3A_53 = tpu.memref_slice %arg7[%mul3A_43, %dma_wait3A_52] : memref<48x128xi32, #tpu.memory_space<vmem>> -> memref<1x128xi32, #tpu.memory_space<vmem>>
      %dma_wait3A_54 = tpu.memref_squeeze %dma_wait3A_53 : memref<1x128xi32, #tpu.memory_space<vmem>> -> memref<128xi32, #tpu.memory_space<vmem>>
      %dma_wait3A_55 = arith.constant 0 : i32
      %dma_wait3A_56 = arith.constant 0 : i32
      %dma_wait3A_57 = tpu.memref_slice %arg2[%dma_wait3A_55, %dma_wait3A_56] : memref<10000x128xf32, #tpu.memory_space<hbm>> -> memref<10000x128xf32, #tpu.memory_space<hbm>>
      tpu.wait_indirect_dma semaphore(%arg12 : memref<!tpu.dma_semaphore, #tpu.memory_space<semaphore_mem>>) src(%dma_wait3A_57 : memref<10000x128xf32, #tpu.memory_space<hbm>>) dst(%arg9 : memref<128x128xf32, #tpu.memory_space<vmem>>)
      "tpu.region"() ({
        %run_scoped3A = tpu.sem_alloc : memref<!tpu.dma_semaphore, #tpu.memory_space<semaphore_mem>>
        %dma_start3A_76 = arith.constant 0 : i32
        %dma_start3A_77 = tpu.memref_slice %arg8[%mul3A_43, %dma_start3A_76] : memref<40x128xi32, #tpu.memory_space<vmem>> -> memref<1x128xi32, #tpu.memory_space<vmem>>
        %dma_start3A_78 = tpu.memref_squeeze %dma_start3A_77 : memref<1x128xi32, #tpu.memory_space<vmem>> -> memref<128xi32, #tpu.memory_space<vmem>>
        %dma_start3A_79 = arith.constant 0 : i32
        %dma_start3A_80 = arith.constant 0 : i32
        %dma_start3A_81 = tpu.memref_slice %arg11[%dma_start3A_79, %dma_start3A_80] : memref<10112x128xf32, #tpu.memory_space<vmem_shared>> -> memref<10112x128xf32, #tpu.memory_space<vmem_shared>>
        tpu.enqueue_indirect_dma source(%arg9 : memref<128x128xf32, #tpu.memory_space<vmem>>) target(%dma_start3A_81 : memref<10112x128xf32, #tpu.memory_space<vmem_shared>>) offsets(%dma_start3A_78 : memref<128xi32, #tpu.memory_space<vmem>>) semaphore(%run_scoped3A : memref<!tpu.dma_semaphore, #tpu.memory_space<semaphore_mem>>) {add = true}
        %dma_wait3A_82 = arith.constant 0 : i32
        %dma_wait3A_83 = tpu.memref_slice %arg8[%mul3A_43, %dma_wait3A_82] : memref<40x128xi32, #tpu.memory_space<vmem>> -> memref<1x128xi32, #tpu.memory_space<vmem>>
        %dma_wait3A_84 = tpu.memref_squeeze %dma_wait3A_83 : memref<1x128xi32, #tpu.memory_space<vmem>> -> memref<128xi32, #tpu.memory_space<vmem>>
        %dma_wait3A_85 = arith.constant 0 : i32
        %dma_wait3A_86 = arith.constant 0 : i32
        %dma_wait3A_87 = tpu.memref_slice %arg11[%dma_wait3A_85, %dma_wait3A_86] : memref<10112x128xf32, #tpu.memory_space<vmem_shared>> -> memref<10112x128xf32, #tpu.memory_space<vmem_shared>>
        tpu.wait_indirect_dma semaphore(%run_scoped3A : memref<!tpu.dma_semaphore, #tpu.memory_space<semaphore_mem>>) src(%arg9 : memref<128x128xf32, #tpu.memory_space<vmem>>) dst(%dma_wait3A_87 : memref<10112x128xf32, #tpu.memory_space<vmem_shared>>)
        tpu.yield
      }) : () -> ()
      %add3A_58 = arith.constant 2 : i32
      %add3A_59 = arith.addi %mul3A_43, %add3A_58 : i32
      %dma_start3A_60 = arith.constant 0 : i32
      %dma_start3A_61 = tpu.memref_slice %arg7[%add3A_59, %dma_start3A_60] : memref<48x128xi32, #tpu.memory_space<vmem>> -> memref<1x128xi32, #tpu.memory_space<vmem>>
      %dma_start3A_62 = tpu.memref_squeeze %dma_start3A_61 : memref<1x128xi32, #tpu.memory_space<vmem>> -> memref<128xi32, #tpu.memory_space<vmem>>
      %dma_start3A_63 = arith.constant 0 : i32
      %dma_start3A_64 = arith.constant 0 : i32
      %dma_start3A_65 = tpu.memref_slice %arg2[%dma_start3A_63, %dma_start3A_64] : memref<10000x128xf32, #tpu.memory_space<hbm>> -> memref<10000x128xf32, #tpu.memory_space<hbm>>
      tpu.enqueue_indirect_dma source(%dma_start3A_65 : memref<10000x128xf32, #tpu.memory_space<hbm>>) target(%arg9 : memref<128x128xf32, #tpu.memory_space<vmem>>) offsets(%dma_start3A_62 : memref<128xi32, #tpu.memory_space<vmem>>) semaphore(%arg12 : memref<!tpu.dma_semaphore, #tpu.memory_space<semaphore_mem>>)
      %add3A_66 = arith.constant 1 : i32
      %add3A_67 = arith.addi %mul3A_43, %add3A_66 : i32
      %dma_wait3A_68 = arith.constant 0 : i32
      %dma_wait3A_69 = tpu.memref_slice %arg7[%add3A_67, %dma_wait3A_68] : memref<48x128xi32, #tpu.memory_space<vmem>> -> memref<1x128xi32, #tpu.memory_space<vmem>>
      %dma_wait3A_70 = tpu.memref_squeeze %dma_wait3A_69 : memref<1x128xi32, #tpu.memory_space<vmem>> -> memref<128xi32, #tpu.memory_space<vmem>>
      %dma_wait3A_71 = arith.constant 0 : i32
      %dma_wait3A_72 = arith.constant 0 : i32
      %dma_wait3A_73 = tpu.memref_slice %arg2[%dma_wait3A_71, %dma_wait3A_72] : memref<10000x128xf32, #tpu.memory_space<hbm>> -> memref<10000x128xf32, #tpu.memory_space<hbm>>
      tpu.wait_indirect_dma semaphore(%arg13 : memref<!tpu.dma_semaphore, #tpu.memory_space<semaphore_mem>>) src(%dma_wait3A_73 : memref<10000x128xf32, #tpu.memory_space<hbm>>) dst(%arg10 : memref<128x128xf32, #tpu.memory_space<vmem>>)
      %add3A_74 = arith.constant 1 : i32
      %add3A_75 = arith.addi %mul3A_43, %add3A_74 : i32
      "tpu.region"() ({
        %run_scoped3A = tpu.sem_alloc : memref<!tpu.dma_semaphore, #tpu.memory_space<semaphore_mem>>
        %dma_start3A_76 = arith.constant 0 : i32
        %dma_start3A_77 = tpu.memref_slice %arg8[%add3A_75, %dma_start3A_76] : memref<40x128xi32, #tpu.memory_space<vmem>> -> memref<1x128xi32, #tpu.memory_space<vmem>>
        %dma_start3A_78 = tpu.memref_squeeze %dma_start3A_77 : memref<1x128xi32, #tpu.memory_space<vmem>> -> memref<128xi32, #tpu.memory_space<vmem>>
        %dma_start3A_79 = arith.constant 0 : i32
        %dma_start3A_80 = arith.constant 0 : i32
        %dma_start3A_81 = tpu.memref_slice %arg11[%dma_start3A_79, %dma_start3A_80] : memref<10112x128xf32, #tpu.memory_space<vmem_shared>> -> memref<10112x128xf32, #tpu.memory_space<vmem_shared>>
        tpu.enqueue_indirect_dma source(%arg10 : memref<128x128xf32, #tpu.memory_space<vmem>>) target(%dma_start3A_81 : memref<10112x128xf32, #tpu.memory_space<vmem_shared>>) offsets(%dma_start3A_78 : memref<128xi32, #tpu.memory_space<vmem>>) semaphore(%run_scoped3A : memref<!tpu.dma_semaphore, #tpu.memory_space<semaphore_mem>>) {add = true}
        %dma_wait3A_82 = arith.constant 0 : i32
        %dma_wait3A_83 = tpu.memref_slice %arg8[%add3A_75, %dma_wait3A_82] : memref<40x128xi32, #tpu.memory_space<vmem>> -> memref<1x128xi32, #tpu.memory_space<vmem>>
        %dma_wait3A_84 = tpu.memref_squeeze %dma_wait3A_83 : memref<1x128xi32, #tpu.memory_space<vmem>> -> memref<128xi32, #tpu.memory_space<vmem>>
        %dma_wait3A_85 = arith.constant 0 : i32
        %dma_wait3A_86 = arith.constant 0 : i32
        %dma_wait3A_87 = tpu.memref_slice %arg11[%dma_wait3A_85, %dma_wait3A_86] : memref<10112x128xf32, #tpu.memory_space<vmem_shared>> -> memref<10112x128xf32, #tpu.memory_space<vmem_shared>>
        tpu.wait_indirect_dma semaphore(%run_scoped3A : memref<!tpu.dma_semaphore, #tpu.memory_space<semaphore_mem>>) src(%arg10 : memref<128x128xf32, #tpu.memory_space<vmem>>) dst(%dma_wait3A_87 : memref<10112x128xf32, #tpu.memory_space<vmem_shared>>)
        tpu.yield
      }) : () -> ()
    }
    %scan3A_13 = arith.constant 20 : i32
    %dma_wait3A = arith.constant 40 : i32
    %dma_wait3A_14 = arith.constant 0 : i32
    %dma_wait3A_15 = tpu.memref_slice %arg7[%dma_wait3A, %dma_wait3A_14] : memref<48x128xi32, #tpu.memory_space<vmem>> -> memref<1x128xi32, #tpu.memory_space<vmem>>
    %dma_wait3A_16 = tpu.memref_squeeze %dma_wait3A_15 : memref<1x128xi32, #tpu.memory_space<vmem>> -> memref<128xi32, #tpu.memory_space<vmem>>
    %dma_wait3A_17 = arith.constant 0 : i32
    %dma_wait3A_18 = arith.constant 0 : i32
    %dma_wait3A_19 = tpu.memref_slice %arg2[%dma_wait3A_17, %dma_wait3A_18] : memref<10000x128xf32, #tpu.memory_space<hbm>> -> memref<10000x128xf32, #tpu.memory_space<hbm>>
    tpu.wait_indirect_dma semaphore(%arg12 : memref<!tpu.dma_semaphore, #tpu.memory_space<semaphore_mem>>) src(%dma_wait3A_19 : memref<10000x128xf32, #tpu.memory_space<hbm>>) dst(%arg9 : memref<128x128xf32, #tpu.memory_space<vmem>>)
    "tpu.region"() ({
      %run_scoped3A = tpu.sem_alloc : memref<!tpu.dma_semaphore, #tpu.memory_space<semaphore_mem>>
      %dma_start3A_41 = arith.constant 40 : i32
      %dma_start3A_42 = arith.constant 0 : i32
      %dma_start3A_43 = tpu.memref_slice %arg3[%add3A, %dma_start3A_41, %dma_start3A_42] : memref<32x88x128xi32, #tpu.memory_space<hbm>> -> memref<1x48x128xi32, #tpu.memory_space<hbm>>
      %dma_start3A_44 = tpu.memref_squeeze %dma_start3A_43 : memref<1x48x128xi32, #tpu.memory_space<hbm>> -> memref<48x128xi32, #tpu.memory_space<hbm>>
      %dma_start3A_45 = arith.constant 40 : i32
      %dma_start3A_46 = arith.constant 0 : i32
      %dma_start3A_47 = tpu.memref_slice %arg3[%add3A, %dma_start3A_45, %dma_start3A_46] : memref<32x88x128xi32, #tpu.memory_space<hbm>> -> memref<1x48x128xi32, #tpu.memory_space<hbm>>
      %dma_start3A_48 = tpu.memref_squeeze %dma_start3A_47 : memref<1x48x128xi32, #tpu.memory_space<hbm>> -> memref<48x128xi32, #tpu.memory_space<hbm>>
      tpu.enqueue_dma source(%dma_start3A_48 : memref<48x128xi32, #tpu.memory_space<hbm>>) target(%arg7 : memref<48x128xi32, #tpu.memory_space<vmem>>) target_semaphore(%run_scoped3A : memref<!tpu.dma_semaphore, #tpu.memory_space<semaphore_mem>>)
      %dma_wait3A_49 = arith.constant 40 : i32
      %dma_wait3A_50 = arith.constant 0 : i32
      %dma_wait3A_51 = tpu.memref_slice %arg3[%add3A, %dma_wait3A_49, %dma_wait3A_50] : memref<32x88x128xi32, #tpu.memory_space<hbm>> -> memref<1x48x128xi32, #tpu.memory_space<hbm>>
      %dma_wait3A_52 = tpu.memref_squeeze %dma_wait3A_51 : memref<1x48x128xi32, #tpu.memory_space<hbm>> -> memref<48x128xi32, #tpu.memory_space<hbm>>
      %dma_wait3A_53 = arith.constant 40 : i32
      %dma_wait3A_54 = arith.constant 0 : i32
      %dma_wait3A_55 = tpu.memref_slice %arg3[%add3A, %dma_wait3A_53, %dma_wait3A_54] : memref<32x88x128xi32, #tpu.memory_space<hbm>> -> memref<1x48x128xi32, #tpu.memory_space<hbm>>
      %dma_wait3A_56 = tpu.memref_squeeze %dma_wait3A_55 : memref<1x48x128xi32, #tpu.memory_space<hbm>> -> memref<48x128xi32, #tpu.memory_space<hbm>>
      tpu.wait_dma2 semaphore(%run_scoped3A : memref<!tpu.dma_semaphore, #tpu.memory_space<semaphore_mem>>) src(%dma_wait3A_56 : memref<48x128xi32, #tpu.memory_space<hbm>>) dst(%arg7 : memref<48x128xi32, #tpu.memory_space<vmem>>)
      tpu.yield
    }) : () -> ()
    "tpu.region"() ({
      %run_scoped3A = tpu.sem_alloc : memref<!tpu.dma_semaphore, #tpu.memory_space<semaphore_mem>>
      %dma_start3A_41 = arith.constant 40 : i32
      %dma_start3A_42 = arith.constant 0 : i32
      %dma_start3A_43 = tpu.memref_slice %arg4[%add3A, %dma_start3A_41, %dma_start3A_42] : memref<32x80x128xi32, #tpu.memory_space<hbm>> -> memref<1x40x128xi32, #tpu.memory_space<hbm>>
      %dma_start3A_44 = tpu.memref_squeeze %dma_start3A_43 : memref<1x40x128xi32, #tpu.memory_space<hbm>> -> memref<40x128xi32, #tpu.memory_space<hbm>>
      %dma_start3A_45 = arith.constant 40 : i32
      %dma_start3A_46 = arith.constant 0 : i32
      %dma_start3A_47 = tpu.memref_slice %arg4[%add3A, %dma_start3A_45, %dma_start3A_46] : memref<32x80x128xi32, #tpu.memory_space<hbm>> -> memref<1x40x128xi32, #tpu.memory_space<hbm>>
      %dma_start3A_48 = tpu.memref_squeeze %dma_start3A_47 : memref<1x40x128xi32, #tpu.memory_space<hbm>> -> memref<40x128xi32, #tpu.memory_space<hbm>>
      tpu.enqueue_dma source(%dma_start3A_48 : memref<40x128xi32, #tpu.memory_space<hbm>>) target(%arg8 : memref<40x128xi32, #tpu.memory_space<vmem>>) target_semaphore(%run_scoped3A : memref<!tpu.dma_semaphore, #tpu.memory_space<semaphore_mem>>)
      %dma_wait3A_49 = arith.constant 40 : i32
      %dma_wait3A_50 = arith.constant 0 : i32
      %dma_wait3A_51 = tpu.memref_slice %arg4[%add3A, %dma_wait3A_49, %dma_wait3A_50] : memref<32x80x128xi32, #tpu.memory_space<hbm>> -> memref<1x40x128xi32, #tpu.memory_space<hbm>>
      %dma_wait3A_52 = tpu.memref_squeeze %dma_wait3A_51 : memref<1x40x128xi32, #tpu.memory_space<hbm>> -> memref<40x128xi32, #tpu.memory_space<hbm>>
      %dma_wait3A_53 = arith.constant 40 : i32
      %dma_wait3A_54 = arith.constant 0 : i32
      %dma_wait3A_55 = tpu.memref_slice %arg4[%add3A, %dma_wait3A_53, %dma_wait3A_54] : memref<32x80x128xi32, #tpu.memory_space<hbm>> -> memref<1x40x128xi32, #tpu.memory_space<hbm>>
      %dma_wait3A_56 = tpu.memref_squeeze %dma_wait3A_55 : memref<1x40x128xi32, #tpu.memory_space<hbm>> -> memref<40x128xi32, #tpu.memory_space<hbm>>
      tpu.wait_dma2 semaphore(%run_scoped3A : memref<!tpu.dma_semaphore, #tpu.memory_space<semaphore_mem>>) src(%dma_wait3A_56 : memref<40x128xi32, #tpu.memory_space<hbm>>) dst(%arg8 : memref<40x128xi32, #tpu.memory_space<vmem>>)
      tpu.yield
    }) : () -> ()
    %dma_start3A_20 = arith.constant 0 : i32
    %dma_start3A_21 = arith.constant 0 : i32
    %dma_start3A_22 = tpu.memref_slice %arg7[%dma_start3A_20, %dma_start3A_21] : memref<48x128xi32, #tpu.memory_space<vmem>> -> memref<1x128xi32, #tpu.memory_space<vmem>>
    %dma_start3A_23 = tpu.memref_squeeze %dma_start3A_22 : memref<1x128xi32, #tpu.memory_space<vmem>> -> memref<128xi32, #tpu.memory_space<vmem>>
    %dma_start3A_24 = arith.constant 0 : i32
    %dma_start3A_25 = arith.constant 0 : i32
    %dma_start3A_26 = tpu.memref_slice %arg2[%dma_start3A_24, %dma_start3A_25] : memref<10000x128xf32, #tpu.memory_space<hbm>> -> memref<10000x128xf32, #tpu.memory_space<hbm>>
    tpu.enqueue_indirect_dma source(%dma_start3A_26 : memref<10000x128xf32, #tpu.memory_space<hbm>>) target(%arg9 : memref<128x128xf32, #tpu.memory_space<vmem>>) offsets(%dma_start3A_23 : memref<128xi32, #tpu.memory_space<vmem>>) semaphore(%arg12 : memref<!tpu.dma_semaphore, #tpu.memory_space<semaphore_mem>>)
    %scan3A_27 = arith.constant 0 : i32
    %scan3A_28 = arith.constant 0 : i32
    %scan3A_29 = arith.constant 20 : i32
    %scan3A_30 = arith.addi %scan3A_28, %scan3A_29 : i32
    %scan3A_31 = arith.constant 1 : i32
    scf.for %scan3A_41 = %scan3A_28 to %scan3A_30 step %scan3A_31  : i32 {
      %mul3A_42 = arith.constant 2 : i32
      %mul3A_43 = arith.muli %mul3A_42, %scan3A_41 : i32
      %add3A_44 = arith.constant 1 : i32
      %add3A_45 = arith.addi %mul3A_43, %add3A_44 : i32
      %dma_start3A_46 = arith.constant 0 : i32
      %dma_start3A_47 = tpu.memref_slice %arg7[%add3A_45, %dma_start3A_46] : memref<48x128xi32, #tpu.memory_space<vmem>> -> memref<1x128xi32, #tpu.memory_space<vmem>>
      %dma_start3A_48 = tpu.memref_squeeze %dma_start3A_47 : memref<1x128xi32, #tpu.memory_space<vmem>> -> memref<128xi32, #tpu.memory_space<vmem>>
      %dma_start3A_49 = arith.constant 0 : i32
      %dma_start3A_50 = arith.constant 0 : i32
      %dma_start3A_51 = tpu.memref_slice %arg2[%dma_start3A_49, %dma_start3A_50] : memref<10000x128xf32, #tpu.memory_space<hbm>> -> memref<10000x128xf32, #tpu.memory_space<hbm>>
      tpu.enqueue_indirect_dma source(%dma_start3A_51 : memref<10000x128xf32, #tpu.memory_space<hbm>>) target(%arg10 : memref<128x128xf32, #tpu.memory_space<vmem>>) offsets(%dma_start3A_48 : memref<128xi32, #tpu.memory_space<vmem>>) semaphore(%arg13 : memref<!tpu.dma_semaphore, #tpu.memory_space<semaphore_mem>>)
      %dma_wait3A_52 = arith.constant 0 : i32
      %dma_wait3A_53 = tpu.memref_slice %arg7[%mul3A_43, %dma_wait3A_52] : memref<48x128xi32, #tpu.memory_space<vmem>> -> memref<1x128xi32, #tpu.memory_space<vmem>>
      %dma_wait3A_54 = tpu.memref_squeeze %dma_wait3A_53 : memref<1x128xi32, #tpu.memory_space<vmem>> -> memref<128xi32, #tpu.memory_space<vmem>>
      %dma_wait3A_55 = arith.constant 0 : i32
      %dma_wait3A_56 = arith.constant 0 : i32
      %dma_wait3A_57 = tpu.memref_slice %arg2[%dma_wait3A_55, %dma_wait3A_56] : memref<10000x128xf32, #tpu.memory_space<hbm>> -> memref<10000x128xf32, #tpu.memory_space<hbm>>
      tpu.wait_indirect_dma semaphore(%arg12 : memref<!tpu.dma_semaphore, #tpu.memory_space<semaphore_mem>>) src(%dma_wait3A_57 : memref<10000x128xf32, #tpu.memory_space<hbm>>) dst(%arg9 : memref<128x128xf32, #tpu.memory_space<vmem>>)
      "tpu.region"() ({
        %run_scoped3A = tpu.sem_alloc : memref<!tpu.dma_semaphore, #tpu.memory_space<semaphore_mem>>
        %dma_start3A_76 = arith.constant 0 : i32
        %dma_start3A_77 = tpu.memref_slice %arg8[%mul3A_43, %dma_start3A_76] : memref<40x128xi32, #tpu.memory_space<vmem>> -> memref<1x128xi32, #tpu.memory_space<vmem>>
        %dma_start3A_78 = tpu.memref_squeeze %dma_start3A_77 : memref<1x128xi32, #tpu.memory_space<vmem>> -> memref<128xi32, #tpu.memory_space<vmem>>
        %dma_start3A_79 = arith.constant 0 : i32
        %dma_start3A_80 = arith.constant 0 : i32
        %dma_start3A_81 = tpu.memref_slice %arg11[%dma_start3A_79, %dma_start3A_80] : memref<10112x128xf32, #tpu.memory_space<vmem_shared>> -> memref<10112x128xf32, #tpu.memory_space<vmem_shared>>
        tpu.enqueue_indirect_dma source(%arg9 : memref<128x128xf32, #tpu.memory_space<vmem>>) target(%dma_start3A_81 : memref<10112x128xf32, #tpu.memory_space<vmem_shared>>) offsets(%dma_start3A_78 : memref<128xi32, #tpu.memory_space<vmem>>) semaphore(%run_scoped3A : memref<!tpu.dma_semaphore, #tpu.memory_space<semaphore_mem>>) {add = true}
        %dma_wait3A_82 = arith.constant 0 : i32
        %dma_wait3A_83 = tpu.memref_slice %arg8[%mul3A_43, %dma_wait3A_82] : memref<40x128xi32, #tpu.memory_space<vmem>> -> memref<1x128xi32, #tpu.memory_space<vmem>>
        %dma_wait3A_84 = tpu.memref_squeeze %dma_wait3A_83 : memref<1x128xi32, #tpu.memory_space<vmem>> -> memref<128xi32, #tpu.memory_space<vmem>>
        %dma_wait3A_85 = arith.constant 0 : i32
        %dma_wait3A_86 = arith.constant 0 : i32
        %dma_wait3A_87 = tpu.memref_slice %arg11[%dma_wait3A_85, %dma_wait3A_86] : memref<10112x128xf32, #tpu.memory_space<vmem_shared>> -> memref<10112x128xf32, #tpu.memory_space<vmem_shared>>
        tpu.wait_indirect_dma semaphore(%run_scoped3A : memref<!tpu.dma_semaphore, #tpu.memory_space<semaphore_mem>>) src(%arg9 : memref<128x128xf32, #tpu.memory_space<vmem>>) dst(%dma_wait3A_87 : memref<10112x128xf32, #tpu.memory_space<vmem_shared>>)
        tpu.yield
      }) : () -> ()
      %add3A_58 = arith.constant 2 : i32
      %add3A_59 = arith.addi %mul3A_43, %add3A_58 : i32
      %dma_start3A_60 = arith.constant 0 : i32
      %dma_start3A_61 = tpu.memref_slice %arg7[%add3A_59, %dma_start3A_60] : memref<48x128xi32, #tpu.memory_space<vmem>> -> memref<1x128xi32, #tpu.memory_space<vmem>>
      %dma_start3A_62 = tpu.memref_squeeze %dma_start3A_61 : memref<1x128xi32, #tpu.memory_space<vmem>> -> memref<128xi32, #tpu.memory_space<vmem>>
      %dma_start3A_63 = arith.constant 0 : i32
      %dma_start3A_64 = arith.constant 0 : i32
      %dma_start3A_65 = tpu.memref_slice %arg2[%dma_start3A_63, %dma_start3A_64] : memref<10000x128xf32, #tpu.memory_space<hbm>> -> memref<10000x128xf32, #tpu.memory_space<hbm>>
      tpu.enqueue_indirect_dma source(%dma_start3A_65 : memref<10000x128xf32, #tpu.memory_space<hbm>>) target(%arg9 : memref<128x128xf32, #tpu.memory_space<vmem>>) offsets(%dma_start3A_62 : memref<128xi32, #tpu.memory_space<vmem>>) semaphore(%arg12 : memref<!tpu.dma_semaphore, #tpu.memory_space<semaphore_mem>>)
      %add3A_66 = arith.constant 1 : i32
      %add3A_67 = arith.addi %mul3A_43, %add3A_66 : i32
      %dma_wait3A_68 = arith.constant 0 : i32
      %dma_wait3A_69 = tpu.memref_slice %arg7[%add3A_67, %dma_wait3A_68] : memref<48x128xi32, #tpu.memory_space<vmem>> -> memref<1x128xi32, #tpu.memory_space<vmem>>
      %dma_wait3A_70 = tpu.memref_squeeze %dma_wait3A_69 : memref<1x128xi32, #tpu.memory_space<vmem>> -> memref<128xi32, #tpu.memory_space<vmem>>
      %dma_wait3A_71 = arith.constant 0 : i32
      %dma_wait3A_72 = arith.constant 0 : i32
      %dma_wait3A_73 = tpu.memref_slice %arg2[%dma_wait3A_71, %dma_wait3A_72] : memref<10000x128xf32, #tpu.memory_space<hbm>> -> memref<10000x128xf32, #tpu.memory_space<hbm>>
      tpu.wait_indirect_dma semaphore(%arg13 : memref<!tpu.dma_semaphore, #tpu.memory_space<semaphore_mem>>) src(%dma_wait3A_73 : memref<10000x128xf32, #tpu.memory_space<hbm>>) dst(%arg10 : memref<128x128xf32, #tpu.memory_space<vmem>>)
      %add3A_74 = arith.constant 1 : i32
      %add3A_75 = arith.addi %mul3A_43, %add3A_74 : i32
      "tpu.region"() ({
        %run_scoped3A = tpu.sem_alloc : memref<!tpu.dma_semaphore, #tpu.memory_space<semaphore_mem>>
        %dma_start3A_76 = arith.constant 0 : i32
        %dma_start3A_77 = tpu.memref_slice %arg8[%add3A_75, %dma_start3A_76] : memref<40x128xi32, #tpu.memory_space<vmem>> -> memref<1x128xi32, #tpu.memory_space<vmem>>
        %dma_start3A_78 = tpu.memref_squeeze %dma_start3A_77 : memref<1x128xi32, #tpu.memory_space<vmem>> -> memref<128xi32, #tpu.memory_space<vmem>>
        %dma_start3A_79 = arith.constant 0 : i32
        %dma_start3A_80 = arith.constant 0 : i32
        %dma_start3A_81 = tpu.memref_slice %arg11[%dma_start3A_79, %dma_start3A_80] : memref<10112x128xf32, #tpu.memory_space<vmem_shared>> -> memref<10112x128xf32, #tpu.memory_space<vmem_shared>>
        tpu.enqueue_indirect_dma source(%arg10 : memref<128x128xf32, #tpu.memory_space<vmem>>) target(%dma_start3A_81 : memref<10112x128xf32, #tpu.memory_space<vmem_shared>>) offsets(%dma_start3A_78 : memref<128xi32, #tpu.memory_space<vmem>>) semaphore(%run_scoped3A : memref<!tpu.dma_semaphore, #tpu.memory_space<semaphore_mem>>) {add = true}
        %dma_wait3A_82 = arith.constant 0 : i32
        %dma_wait3A_83 = tpu.memref_slice %arg8[%add3A_75, %dma_wait3A_82] : memref<40x128xi32, #tpu.memory_space<vmem>> -> memref<1x128xi32, #tpu.memory_space<vmem>>
        %dma_wait3A_84 = tpu.memref_squeeze %dma_wait3A_83 : memref<1x128xi32, #tpu.memory_space<vmem>> -> memref<128xi32, #tpu.memory_space<vmem>>
        %dma_wait3A_85 = arith.constant 0 : i32
        %dma_wait3A_86 = arith.constant 0 : i32
        %dma_wait3A_87 = tpu.memref_slice %arg11[%dma_wait3A_85, %dma_wait3A_86] : memref<10112x128xf32, #tpu.memory_space<vmem_shared>> -> memref<10112x128xf32, #tpu.memory_space<vmem_shared>>
        tpu.wait_indirect_dma semaphore(%run_scoped3A : memref<!tpu.dma_semaphore, #tpu.memory_space<semaphore_mem>>) src(%arg10 : memref<128x128xf32, #tpu.memory_space<vmem>>) dst(%dma_wait3A_87 : memref<10112x128xf32, #tpu.memory_space<vmem_shared>>)
        tpu.yield
      }) : () -> ()
    }
    %scan3A_32 = arith.constant 20 : i32
    %dma_wait3A_33 = arith.constant 40 : i32
    %dma_wait3A_34 = arith.constant 0 : i32
    %dma_wait3A_35 = tpu.memref_slice %arg7[%dma_wait3A_33, %dma_wait3A_34] : memref<48x128xi32, #tpu.memory_space<vmem>> -> memref<1x128xi32, #tpu.memory_space<vmem>>
    %dma_wait3A_36 = tpu.memref_squeeze %dma_wait3A_35 : memref<1x128xi32, #tpu.memory_space<vmem>> -> memref<128xi32, #tpu.memory_space<vmem>>
    %dma_wait3A_37 = arith.constant 0 : i32
    %dma_wait3A_38 = arith.constant 0 : i32
    %dma_wait3A_39 = tpu.memref_slice %arg2[%dma_wait3A_37, %dma_wait3A_38] : memref<10000x128xf32, #tpu.memory_space<hbm>> -> memref<10000x128xf32, #tpu.memory_space<hbm>>
    tpu.wait_indirect_dma semaphore(%arg12 : memref<!tpu.dma_semaphore, #tpu.memory_space<semaphore_mem>>) src(%dma_wait3A_39 : memref<10000x128xf32, #tpu.memory_space<hbm>>) dst(%arg9 : memref<128x128xf32, #tpu.memory_space<vmem>>)
    %barrier3A_40 = arith.constant 0 : index
    tpu.barrier barrier_id(%barrier3A_40)
    "tpu.region"() ({
      %run_scoped3A = tpu.sem_alloc : memref<!tpu.dma_semaphore, #tpu.memory_space<semaphore_mem>>
      %dma_start3A_41 = arith.constant 0 : i32
      %dma_start3A_42 = tpu.memref_slice %arg6[%arg0, %mul3A_2, %dma_start3A_41] : memref<2x10112x128xf32, #tpu.memory_space<hbm>> -> memref<1x632x128xf32, #tpu.memory_space<hbm>>
      %dma_start3A_43 = tpu.memref_squeeze %dma_start3A_42 : memref<1x632x128xf32, #tpu.memory_space<hbm>> -> memref<632x128xf32, #tpu.memory_space<hbm>>
      %dma_start3A_44 = arith.constant 0 : i32
      %dma_start3A_45 = tpu.memref_slice %arg11[%mul3A_2, %dma_start3A_44] : memref<10112x128xf32, #tpu.memory_space<vmem_shared>> -> memref<632x128xf32, #tpu.memory_space<vmem_shared>>
      tpu.enqueue_dma source(%dma_start3A_45 : memref<632x128xf32, #tpu.memory_space<vmem_shared>>) target(%dma_start3A_43 : memref<632x128xf32, #tpu.memory_space<hbm>>) target_semaphore(%run_scoped3A : memref<!tpu.dma_semaphore, #tpu.memory_space<semaphore_mem>>)
      %dma_wait3A_46 = arith.constant 0 : i32
      %dma_wait3A_47 = tpu.memref_slice %arg6[%arg0, %mul3A_2, %dma_wait3A_46] : memref<2x10112x128xf32, #tpu.memory_space<hbm>> -> memref<1x632x128xf32, #tpu.memory_space<hbm>>
      %dma_wait3A_48 = tpu.memref_squeeze %dma_wait3A_47 : memref<1x632x128xf32, #tpu.memory_space<hbm>> -> memref<632x128xf32, #tpu.memory_space<hbm>>
      %dma_wait3A_49 = arith.constant 0 : i32
      %dma_wait3A_50 = tpu.memref_slice %arg11[%mul3A_2, %dma_wait3A_49] : memref<10112x128xf32, #tpu.memory_space<vmem_shared>> -> memref<632x128xf32, #tpu.memory_space<vmem_shared>>
      tpu.wait_dma2 semaphore(%run_scoped3A : memref<!tpu.dma_semaphore, #tpu.memory_space<semaphore_mem>>) src(%dma_wait3A_50 : memref<632x128xf32, #tpu.memory_space<vmem_shared>>) dst(%dma_wait3A_48 : memref<632x128xf32, #tpu.memory_space<hbm>>)
      tpu.yield
    }) : () -> ()
    return
  }
}

#map = affine_map<(d0, d1) -> (0, 0)>
#map1 = affine_map<(d0, d1) -> (0, 0, 0)>
module attributes {stable_mosaic.version = 14 : i64} {
  func.func @_sc_segsum(%arg0: i32, %arg1: i32, %arg2: memref<10000x128xf32, #tpu.memory_space<hbm>>, %arg3: memref<32x88x128xi32, #tpu.memory_space<hbm>>, %arg4: memref<32x80x128xi32, #tpu.memory_space<hbm>>, %arg5: memref<10112x128xf32, #tpu.memory_space<hbm>>, %arg6: memref<2x10112x128xf32, #tpu.memory_space<hbm>>, %arg7: memref<48x128xi32, #tpu.memory_space<vmem>>, %arg8: memref<40x128xi32, #tpu.memory_space<vmem>>, %arg9: memref<128x128xf32, #tpu.memory_space<vmem>>, %arg10: memref<128x128xf32, #tpu.memory_space<vmem>>, %arg11: memref<10112x128xf32, #tpu.memory_space<vmem_shared>>, %arg12: memref<!tpu.dma_semaphore, #tpu.memory_space<semaphore_mem>>, %arg13: memref<!tpu.dma_semaphore, #tpu.memory_space<semaphore_mem>>) attributes {dimension_semantics = [#tpu.dimension_semantics<core_parallel>, #tpu.dimension_semantics<subcore_parallel>], iteration_bounds = array<i64: 2, 16>, scalar_prefetch = 0 : i64, scratch_operands = 7 : i64, tpu.core_type = #tpu.core_type<sc_vector_subcore>, window_params = [{transform_indices = #map}, {transform_indices = #map1}, {transform_indices = #map1}, {transform_indices = #map}, {transform_indices = #map1}]} {
    %mul3A = arith.constant 2 : i32
    %mul3A_0 = arith.muli %arg1, %mul3A : i32
    %add3A = arith.addi %mul3A_0, %arg0 : i32
    %mul3A_1 = arith.constant 632 : i32
    %mul3A_2 = arith.muli %arg1, %mul3A_1 : i32
    "tpu.region"() ({
      %run_scoped3A = tpu.sem_alloc : memref<!tpu.dma_semaphore, #tpu.memory_space<semaphore_mem>>
      %dma_start3A_41 = arith.constant 0 : i32
      %dma_start3A_42 = arith.constant 0 : i32
      %dma_start3A_43 = tpu.memref_slice %arg3[%add3A, %dma_start3A_41, %dma_start3A_42] : memref<32x88x128xi32, #tpu.memory_space<hbm>> -> memref<1x48x128xi32, #tpu.memory_space<hbm>>
      %dma_start3A_44 = tpu.memref_squeeze %dma_start3A_43 : memref<1x48x128xi32, #tpu.memory_space<hbm>> -> memref<48x128xi32, #tpu.memory_space<hbm>>
      %dma_start3A_45 = arith.constant 0 : i32
      %dma_start3A_46 = arith.constant 0 : i32
      %dma_start3A_47 = tpu.memref_slice %arg3[%add3A, %dma_start3A_45, %dma_start3A_46] : memref<32x88x128xi32, #tpu.memory_space<hbm>> -> memref<1x48x128xi32, #tpu.memory_space<hbm>>
      %dma_start3A_48 = tpu.memref_squeeze %dma_start3A_47 : memref<1x48x128xi32, #tpu.memory_space<hbm>> -> memref<48x128xi32, #tpu.memory_space<hbm>>
      tpu.enqueue_dma source(%dma_start3A_48 : memref<48x128xi32, #tpu.memory_space<hbm>>) target(%arg7 : memref<48x128xi32, #tpu.memory_space<vmem>>) target_semaphore(%run_scoped3A : memref<!tpu.dma_semaphore, #tpu.memory_space<semaphore_mem>>)
      %dma_wait3A_49 = arith.constant 0 : i32
      %dma_wait3A_50 = arith.constant 0 : i32
      %dma_wait3A_51 = tpu.memref_slice %arg3[%add3A, %dma_wait3A_49, %dma_wait3A_50] : memref<32x88x128xi32, #tpu.memory_space<hbm>> -> memref<1x48x128xi32, #tpu.memory_space<hbm>>
      %dma_wait3A_52 = tpu.memref_squeeze %dma_wait3A_51 : memref<1x48x128xi32, #tpu.memory_space<hbm>> -> memref<48x128xi32, #tpu.memory_space<hbm>>
      %dma_wait3A_53 = arith.constant 0 : i32
      %dma_wait3A_54 = arith.constant 0 : i32
      %dma_wait3A_55 = tpu.memref_slice %arg3[%add3A, %dma_wait3A_53, %dma_wait3A_54] : memref<32x88x128xi32, #tpu.memory_space<hbm>> -> memref<1x48x128xi32, #tpu.memory_space<hbm>>
      %dma_wait3A_56 = tpu.memref_squeeze %dma_wait3A_55 : memref<1x48x128xi32, #tpu.memory_space<hbm>> -> memref<48x128xi32, #tpu.memory_space<hbm>>
      tpu.wait_dma2 semaphore(%run_scoped3A : memref<!tpu.dma_semaphore, #tpu.memory_space<semaphore_mem>>) src(%dma_wait3A_56 : memref<48x128xi32, #tpu.memory_space<hbm>>) dst(%arg7 : memref<48x128xi32, #tpu.memory_space<vmem>>)
      tpu.yield
    }) : () -> ()
    "tpu.region"() ({
      %run_scoped3A = tpu.sem_alloc : memref<!tpu.dma_semaphore, #tpu.memory_space<semaphore_mem>>
      %dma_start3A_41 = arith.constant 0 : i32
      %dma_start3A_42 = arith.constant 0 : i32
      %dma_start3A_43 = tpu.memref_slice %arg4[%add3A, %dma_start3A_41, %dma_start3A_42] : memref<32x80x128xi32, #tpu.memory_space<hbm>> -> memref<1x40x128xi32, #tpu.memory_space<hbm>>
      %dma_start3A_44 = tpu.memref_squeeze %dma_start3A_43 : memref<1x40x128xi32, #tpu.memory_space<hbm>> -> memref<40x128xi32, #tpu.memory_space<hbm>>
      %dma_start3A_45 = arith.constant 0 : i32
      %dma_start3A_46 = arith.constant 0 : i32
      %dma_start3A_47 = tpu.memref_slice %arg4[%add3A, %dma_start3A_45, %dma_start3A_46] : memref<32x80x128xi32, #tpu.memory_space<hbm>> -> memref<1x40x128xi32, #tpu.memory_space<hbm>>
      %dma_start3A_48 = tpu.memref_squeeze %dma_start3A_47 : memref<1x40x128xi32, #tpu.memory_space<hbm>> -> memref<40x128xi32, #tpu.memory_space<hbm>>
      tpu.enqueue_dma source(%dma_start3A_48 : memref<40x128xi32, #tpu.memory_space<hbm>>) target(%arg8 : memref<40x128xi32, #tpu.memory_space<vmem>>) target_semaphore(%run_scoped3A : memref<!tpu.dma_semaphore, #tpu.memory_space<semaphore_mem>>)
      %dma_wait3A_49 = arith.constant 0 : i32
      %dma_wait3A_50 = arith.constant 0 : i32
      %dma_wait3A_51 = tpu.memref_slice %arg4[%add3A, %dma_wait3A_49, %dma_wait3A_50] : memref<32x80x128xi32, #tpu.memory_space<hbm>> -> memref<1x40x128xi32, #tpu.memory_space<hbm>>
      %dma_wait3A_52 = tpu.memref_squeeze %dma_wait3A_51 : memref<1x40x128xi32, #tpu.memory_space<hbm>> -> memref<40x128xi32, #tpu.memory_space<hbm>>
      %dma_wait3A_53 = arith.constant 0 : i32
      %dma_wait3A_54 = arith.constant 0 : i32
      %dma_wait3A_55 = tpu.memref_slice %arg4[%add3A, %dma_wait3A_53, %dma_wait3A_54] : memref<32x80x128xi32, #tpu.memory_space<hbm>> -> memref<1x40x128xi32, #tpu.memory_space<hbm>>
      %dma_wait3A_56 = tpu.memref_squeeze %dma_wait3A_55 : memref<1x40x128xi32, #tpu.memory_space<hbm>> -> memref<40x128xi32, #tpu.memory_space<hbm>>
      tpu.wait_dma2 semaphore(%run_scoped3A : memref<!tpu.dma_semaphore, #tpu.memory_space<semaphore_mem>>) src(%dma_wait3A_56 : memref<40x128xi32, #tpu.memory_space<hbm>>) dst(%arg8 : memref<40x128xi32, #tpu.memory_space<vmem>>)
      tpu.yield
    }) : () -> ()
    %dma_start3A = arith.constant 0 : i32
    %dma_start3A_3 = arith.constant 0 : i32
    %dma_start3A_4 = tpu.memref_slice %arg7[%dma_start3A, %dma_start3A_3] : memref<48x128xi32, #tpu.memory_space<vmem>> -> memref<1x128xi32, #tpu.memory_space<vmem>>
    %dma_start3A_5 = tpu.memref_squeeze %dma_start3A_4 : memref<1x128xi32, #tpu.memory_space<vmem>> -> memref<128xi32, #tpu.memory_space<vmem>>
    %dma_start3A_6 = arith.constant 0 : i32
    %dma_start3A_7 = arith.constant 0 : i32
    %dma_start3A_8 = tpu.memref_slice %arg2[%dma_start3A_6, %dma_start3A_7] : memref<10000x128xf32, #tpu.memory_space<hbm>> -> memref<10000x128xf32, #tpu.memory_space<hbm>>
    tpu.enqueue_indirect_dma source(%dma_start3A_8 : memref<10000x128xf32, #tpu.memory_space<hbm>>) target(%arg9 : memref<128x128xf32, #tpu.memory_space<vmem>>) offsets(%dma_start3A_5 : memref<128xi32, #tpu.memory_space<vmem>>) semaphore(%arg12 : memref<!tpu.dma_semaphore, #tpu.memory_space<semaphore_mem>>)
    "tpu.region"() ({
      %run_scoped3A = tpu.sem_alloc : memref<!tpu.dma_semaphore, #tpu.memory_space<semaphore_mem>>
      %dma_start3A_41 = arith.constant 0 : i32
      %dma_start3A_42 = tpu.memref_slice %arg11[%mul3A_2, %dma_start3A_41] : memref<10112x128xf32, #tpu.memory_space<vmem_shared>> -> memref<632x128xf32, #tpu.memory_space<vmem_shared>>
      %dma_start3A_43 = arith.constant 0 : i32
      %dma_start3A_44 = tpu.memref_slice %arg5[%mul3A_2, %dma_start3A_43] : memref<10112x128xf32, #tpu.memory_space<hbm>> -> memref<632x128xf32, #tpu.memory_space<hbm>>
      tpu.enqueue_dma source(%dma_start3A_44 : memref<632x128xf32, #tpu.memory_space<hbm>>) target(%dma_start3A_42 : memref<632x128xf32, #tpu.memory_space<vmem_shared>>) target_semaphore(%run_scoped3A : memref<!tpu.dma_semaphore, #tpu.memory_space<semaphore_mem>>)
      %dma_wait3A_45 = arith.constant 0 : i32
      %dma_wait3A_46 = tpu.memref_slice %arg11[%mul3A_2, %dma_wait3A_45] : memref<10112x128xf32, #tpu.memory_space<vmem_shared>> -> memref<632x128xf32, #tpu.memory_space<vmem_shared>>
      %dma_wait3A_47 = arith.constant 0 : i32
      %dma_wait3A_48 = tpu.memref_slice %arg5[%mul3A_2, %dma_wait3A_47] : memref<10112x128xf32, #tpu.memory_space<hbm>> -> memref<632x128xf32, #tpu.memory_space<hbm>>
      tpu.wait_dma2 semaphore(%run_scoped3A : memref<!tpu.dma_semaphore, #tpu.memory_space<semaphore_mem>>) src(%dma_wait3A_48 : memref<632x128xf32, #tpu.memory_space<hbm>>) dst(%dma_wait3A_46 : memref<632x128xf32, #tpu.memory_space<vmem_shared>>)
      tpu.yield
    }) : () -> ()
    %barrier3A = arith.constant 0 : index
    tpu.barrier barrier_id(%barrier3A)
    %scan3A = arith.constant 0 : i32
    %scan3A_9 = arith.constant 0 : i32
    %scan3A_10 = arith.constant 20 : i32
    %scan3A_11 = arith.addi %scan3A_9, %scan3A_10 : i32
    %scan3A_12 = arith.constant 1 : i32
    scf.for %scan3A_41 = %scan3A_9 to %scan3A_11 step %scan3A_12  : i32 {
      %mul3A_42 = arith.constant 2 : i32
      %mul3A_43 = arith.muli %mul3A_42, %scan3A_41 : i32
      %add3A_44 = arith.constant 1 : i32
      %add3A_45 = arith.addi %mul3A_43, %add3A_44 : i32
      %dma_start3A_46 = arith.constant 0 : i32
      %dma_start3A_47 = tpu.memref_slice %arg7[%add3A_45, %dma_start3A_46] : memref<48x128xi32, #tpu.memory_space<vmem>> -> memref<1x128xi32, #tpu.memory_space<vmem>>
      %dma_start3A_48 = tpu.memref_squeeze %dma_start3A_47 : memref<1x128xi32, #tpu.memory_space<vmem>> -> memref<128xi32, #tpu.memory_space<vmem>>
      %dma_start3A_49 = arith.constant 0 : i32
      %dma_start3A_50 = arith.constant 0 : i32
      %dma_start3A_51 = tpu.memref_slice %arg2[%dma_start3A_49, %dma_start3A_50] : memref<10000x128xf32, #tpu.memory_space<hbm>> -> memref<10000x128xf32, #tpu.memory_space<hbm>>
      tpu.enqueue_indirect_dma source(%dma_start3A_51 : memref<10000x128xf32, #tpu.memory_space<hbm>>) target(%arg10 : memref<128x128xf32, #tpu.memory_space<vmem>>) offsets(%dma_start3A_48 : memref<128xi32, #tpu.memory_space<vmem>>) semaphore(%arg13 : memref<!tpu.dma_semaphore, #tpu.memory_space<semaphore_mem>>)
      %dma_wait3A_52 = arith.constant 0 : i32
      %dma_wait3A_53 = tpu.memref_slice %arg7[%mul3A_43, %dma_wait3A_52] : memref<48x128xi32, #tpu.memory_space<vmem>> -> memref<1x128xi32, #tpu.memory_space<vmem>>
      %dma_wait3A_54 = tpu.memref_squeeze %dma_wait3A_53 : memref<1x128xi32, #tpu.memory_space<vmem>> -> memref<128xi32, #tpu.memory_space<vmem>>
      %dma_wait3A_55 = arith.constant 0 : i32
      %dma_wait3A_56 = arith.constant 0 : i32
      %dma_wait3A_57 = tpu.memref_slice %arg2[%dma_wait3A_55, %dma_wait3A_56] : memref<10000x128xf32, #tpu.memory_space<hbm>> -> memref<10000x128xf32, #tpu.memory_space<hbm>>
      tpu.wait_indirect_dma semaphore(%arg12 : memref<!tpu.dma_semaphore, #tpu.memory_space<semaphore_mem>>) src(%dma_wait3A_57 : memref<10000x128xf32, #tpu.memory_space<hbm>>) dst(%arg9 : memref<128x128xf32, #tpu.memory_space<vmem>>)
      "tpu.region"() ({
        %run_scoped3A = tpu.sem_alloc : memref<!tpu.dma_semaphore, #tpu.memory_space<semaphore_mem>>
        %dma_start3A_76 = arith.constant 0 : i32
        %dma_start3A_77 = tpu.memref_slice %arg8[%mul3A_43, %dma_start3A_76] : memref<40x128xi32, #tpu.memory_space<vmem>> -> memref<1x128xi32, #tpu.memory_space<vmem>>
        %dma_start3A_78 = tpu.memref_squeeze %dma_start3A_77 : memref<1x128xi32, #tpu.memory_space<vmem>> -> memref<128xi32, #tpu.memory_space<vmem>>
        %dma_start3A_79 = arith.constant 0 : i32
        %dma_start3A_80 = arith.constant 0 : i32
        %dma_start3A_81 = tpu.memref_slice %arg11[%dma_start3A_79, %dma_start3A_80] : memref<10112x128xf32, #tpu.memory_space<vmem_shared>> -> memref<10112x128xf32, #tpu.memory_space<vmem_shared>>
        tpu.enqueue_indirect_dma source(%arg9 : memref<128x128xf32, #tpu.memory_space<vmem>>) target(%dma_start3A_81 : memref<10112x128xf32, #tpu.memory_space<vmem_shared>>) offsets(%dma_start3A_78 : memref<128xi32, #tpu.memory_space<vmem>>) semaphore(%run_scoped3A : memref<!tpu.dma_semaphore, #tpu.memory_space<semaphore_mem>>) {add = true}
        %dma_wait3A_82 = arith.constant 0 : i32
        %dma_wait3A_83 = tpu.memref_slice %arg8[%mul3A_43, %dma_wait3A_82] : memref<40x128xi32, #tpu.memory_space<vmem>> -> memref<1x128xi32, #tpu.memory_space<vmem>>
        %dma_wait3A_84 = tpu.memref_squeeze %dma_wait3A_83 : memref<1x128xi32, #tpu.memory_space<vmem>> -> memref<128xi32, #tpu.memory_space<vmem>>
        %dma_wait3A_85 = arith.constant 0 : i32
        %dma_wait3A_86 = arith.constant 0 : i32
        %dma_wait3A_87 = tpu.memref_slice %arg11[%dma_wait3A_85, %dma_wait3A_86] : memref<10112x128xf32, #tpu.memory_space<vmem_shared>> -> memref<10112x128xf32, #tpu.memory_space<vmem_shared>>
        tpu.wait_indirect_dma semaphore(%run_scoped3A : memref<!tpu.dma_semaphore, #tpu.memory_space<semaphore_mem>>) src(%arg9 : memref<128x128xf32, #tpu.memory_space<vmem>>) dst(%dma_wait3A_87 : memref<10112x128xf32, #tpu.memory_space<vmem_shared>>)
        tpu.yield
      }) : () -> ()
      %add3A_58 = arith.constant 2 : i32
      %add3A_59 = arith.addi %mul3A_43, %add3A_58 : i32
      %dma_start3A_60 = arith.constant 0 : i32
      %dma_start3A_61 = tpu.memref_slice %arg7[%add3A_59, %dma_start3A_60] : memref<48x128xi32, #tpu.memory_space<vmem>> -> memref<1x128xi32, #tpu.memory_space<vmem>>
      %dma_start3A_62 = tpu.memref_squeeze %dma_start3A_61 : memref<1x128xi32, #tpu.memory_space<vmem>> -> memref<128xi32, #tpu.memory_space<vmem>>
      %dma_start3A_63 = arith.constant 0 : i32
      %dma_start3A_64 = arith.constant 0 : i32
      %dma_start3A_65 = tpu.memref_slice %arg2[%dma_start3A_63, %dma_start3A_64] : memref<10000x128xf32, #tpu.memory_space<hbm>> -> memref<10000x128xf32, #tpu.memory_space<hbm>>
      tpu.enqueue_indirect_dma source(%dma_start3A_65 : memref<10000x128xf32, #tpu.memory_space<hbm>>) target(%arg9 : memref<128x128xf32, #tpu.memory_space<vmem>>) offsets(%dma_start3A_62 : memref<128xi32, #tpu.memory_space<vmem>>) semaphore(%arg12 : memref<!tpu.dma_semaphore, #tpu.memory_space<semaphore_mem>>)
      %add3A_66 = arith.constant 1 : i32
      %add3A_67 = arith.addi %mul3A_43, %add3A_66 : i32
      %dma_wait3A_68 = arith.constant 0 : i32
      %dma_wait3A_69 = tpu.memref_slice %arg7[%add3A_67, %dma_wait3A_68] : memref<48x128xi32, #tpu.memory_space<vmem>> -> memref<1x128xi32, #tpu.memory_space<vmem>>
      %dma_wait3A_70 = tpu.memref_squeeze %dma_wait3A_69 : memref<1x128xi32, #tpu.memory_space<vmem>> -> memref<128xi32, #tpu.memory_space<vmem>>
      %dma_wait3A_71 = arith.constant 0 : i32
      %dma_wait3A_72 = arith.constant 0 : i32
      %dma_wait3A_73 = tpu.memref_slice %arg2[%dma_wait3A_71, %dma_wait3A_72] : memref<10000x128xf32, #tpu.memory_space<hbm>> -> memref<10000x128xf32, #tpu.memory_space<hbm>>
      tpu.wait_indirect_dma semaphore(%arg13 : memref<!tpu.dma_semaphore, #tpu.memory_space<semaphore_mem>>) src(%dma_wait3A_73 : memref<10000x128xf32, #tpu.memory_space<hbm>>) dst(%arg10 : memref<128x128xf32, #tpu.memory_space<vmem>>)
      %add3A_74 = arith.constant 1 : i32
      %add3A_75 = arith.addi %mul3A_43, %add3A_74 : i32
      "tpu.region"() ({
        %run_scoped3A = tpu.sem_alloc : memref<!tpu.dma_semaphore, #tpu.memory_space<semaphore_mem>>
        %dma_start3A_76 = arith.constant 0 : i32
        %dma_start3A_77 = tpu.memref_slice %arg8[%add3A_75, %dma_start3A_76] : memref<40x128xi32, #tpu.memory_space<vmem>> -> memref<1x128xi32, #tpu.memory_space<vmem>>
        %dma_start3A_78 = tpu.memref_squeeze %dma_start3A_77 : memref<1x128xi32, #tpu.memory_space<vmem>> -> memref<128xi32, #tpu.memory_space<vmem>>
        %dma_start3A_79 = arith.constant 0 : i32
        %dma_start3A_80 = arith.constant 0 : i32
        %dma_start3A_81 = tpu.memref_slice %arg11[%dma_start3A_79, %dma_start3A_80] : memref<10112x128xf32, #tpu.memory_space<vmem_shared>> -> memref<10112x128xf32, #tpu.memory_space<vmem_shared>>
        tpu.enqueue_indirect_dma source(%arg10 : memref<128x128xf32, #tpu.memory_space<vmem>>) target(%dma_start3A_81 : memref<10112x128xf32, #tpu.memory_space<vmem_shared>>) offsets(%dma_start3A_78 : memref<128xi32, #tpu.memory_space<vmem>>) semaphore(%run_scoped3A : memref<!tpu.dma_semaphore, #tpu.memory_space<semaphore_mem>>) {add = true}
        %dma_wait3A_82 = arith.constant 0 : i32
        %dma_wait3A_83 = tpu.memref_slice %arg8[%add3A_75, %dma_wait3A_82] : memref<40x128xi32, #tpu.memory_space<vmem>> -> memref<1x128xi32, #tpu.memory_space<vmem>>
        %dma_wait3A_84 = tpu.memref_squeeze %dma_wait3A_83 : memref<1x128xi32, #tpu.memory_space<vmem>> -> memref<128xi32, #tpu.memory_space<vmem>>
        %dma_wait3A_85 = arith.constant 0 : i32
        %dma_wait3A_86 = arith.constant 0 : i32
        %dma_wait3A_87 = tpu.memref_slice %arg11[%dma_wait3A_85, %dma_wait3A_86] : memref<10112x128xf32, #tpu.memory_space<vmem_shared>> -> memref<10112x128xf32, #tpu.memory_space<vmem_shared>>
        tpu.wait_indirect_dma semaphore(%run_scoped3A : memref<!tpu.dma_semaphore, #tpu.memory_space<semaphore_mem>>) src(%arg10 : memref<128x128xf32, #tpu.memory_space<vmem>>) dst(%dma_wait3A_87 : memref<10112x128xf32, #tpu.memory_space<vmem_shared>>)
        tpu.yield
      }) : () -> ()
    }
    %scan3A_13 = arith.constant 20 : i32
    %dma_wait3A = arith.constant 40 : i32
    %dma_wait3A_14 = arith.constant 0 : i32
    %dma_wait3A_15 = tpu.memref_slice %arg7[%dma_wait3A, %dma_wait3A_14] : memref<48x128xi32, #tpu.memory_space<vmem>> -> memref<1x128xi32, #tpu.memory_space<vmem>>
    %dma_wait3A_16 = tpu.memref_squeeze %dma_wait3A_15 : memref<1x128xi32, #tpu.memory_space<vmem>> -> memref<128xi32, #tpu.memory_space<vmem>>
    %dma_wait3A_17 = arith.constant 0 : i32
    %dma_wait3A_18 = arith.constant 0 : i32
    %dma_wait3A_19 = tpu.memref_slice %arg2[%dma_wait3A_17, %dma_wait3A_18] : memref<10000x128xf32, #tpu.memory_space<hbm>> -> memref<10000x128xf32, #tpu.memory_space<hbm>>
    tpu.wait_indirect_dma semaphore(%arg12 : memref<!tpu.dma_semaphore, #tpu.memory_space<semaphore_mem>>) src(%dma_wait3A_19 : memref<10000x128xf32, #tpu.memory_space<hbm>>) dst(%arg9 : memref<128x128xf32, #tpu.memory_space<vmem>>)
    "tpu.region"() ({
      %run_scoped3A = tpu.sem_alloc : memref<!tpu.dma_semaphore, #tpu.memory_space<semaphore_mem>>
      %dma_start3A_41 = arith.constant 40 : i32
      %dma_start3A_42 = arith.constant 0 : i32
      %dma_start3A_43 = tpu.memref_slice %arg3[%add3A, %dma_start3A_41, %dma_start3A_42] : memref<32x88x128xi32, #tpu.memory_space<hbm>> -> memref<1x48x128xi32, #tpu.memory_space<hbm>>
      %dma_start3A_44 = tpu.memref_squeeze %dma_start3A_43 : memref<1x48x128xi32, #tpu.memory_space<hbm>> -> memref<48x128xi32, #tpu.memory_space<hbm>>
      %dma_start3A_45 = arith.constant 40 : i32
      %dma_start3A_46 = arith.constant 0 : i32
      %dma_start3A_47 = tpu.memref_slice %arg3[%add3A, %dma_start3A_45, %dma_start3A_46] : memref<32x88x128xi32, #tpu.memory_space<hbm>> -> memref<1x48x128xi32, #tpu.memory_space<hbm>>
      %dma_start3A_48 = tpu.memref_squeeze %dma_start3A_47 : memref<1x48x128xi32, #tpu.memory_space<hbm>> -> memref<48x128xi32, #tpu.memory_space<hbm>>
      tpu.enqueue_dma source(%dma_start3A_48 : memref<48x128xi32, #tpu.memory_space<hbm>>) target(%arg7 : memref<48x128xi32, #tpu.memory_space<vmem>>) target_semaphore(%run_scoped3A : memref<!tpu.dma_semaphore, #tpu.memory_space<semaphore_mem>>)
      %dma_wait3A_49 = arith.constant 40 : i32
      %dma_wait3A_50 = arith.constant 0 : i32
      %dma_wait3A_51 = tpu.memref_slice %arg3[%add3A, %dma_wait3A_49, %dma_wait3A_50] : memref<32x88x128xi32, #tpu.memory_space<hbm>> -> memref<1x48x128xi32, #tpu.memory_space<hbm>>
      %dma_wait3A_52 = tpu.memref_squeeze %dma_wait3A_51 : memref<1x48x128xi32, #tpu.memory_space<hbm>> -> memref<48x128xi32, #tpu.memory_space<hbm>>
      %dma_wait3A_53 = arith.constant 40 : i32
      %dma_wait3A_54 = arith.constant 0 : i32
      %dma_wait3A_55 = tpu.memref_slice %arg3[%add3A, %dma_wait3A_53, %dma_wait3A_54] : memref<32x88x128xi32, #tpu.memory_space<hbm>> -> memref<1x48x128xi32, #tpu.memory_space<hbm>>
      %dma_wait3A_56 = tpu.memref_squeeze %dma_wait3A_55 : memref<1x48x128xi32, #tpu.memory_space<hbm>> -> memref<48x128xi32, #tpu.memory_space<hbm>>
      tpu.wait_dma2 semaphore(%run_scoped3A : memref<!tpu.dma_semaphore, #tpu.memory_space<semaphore_mem>>) src(%dma_wait3A_56 : memref<48x128xi32, #tpu.memory_space<hbm>>) dst(%arg7 : memref<48x128xi32, #tpu.memory_space<vmem>>)
      tpu.yield
    }) : () -> ()
    "tpu.region"() ({
      %run_scoped3A = tpu.sem_alloc : memref<!tpu.dma_semaphore, #tpu.memory_space<semaphore_mem>>
      %dma_start3A_41 = arith.constant 40 : i32
      %dma_start3A_42 = arith.constant 0 : i32
      %dma_start3A_43 = tpu.memref_slice %arg4[%add3A, %dma_start3A_41, %dma_start3A_42] : memref<32x80x128xi32, #tpu.memory_space<hbm>> -> memref<1x40x128xi32, #tpu.memory_space<hbm>>
      %dma_start3A_44 = tpu.memref_squeeze %dma_start3A_43 : memref<1x40x128xi32, #tpu.memory_space<hbm>> -> memref<40x128xi32, #tpu.memory_space<hbm>>
      %dma_start3A_45 = arith.constant 40 : i32
      %dma_start3A_46 = arith.constant 0 : i32
      %dma_start3A_47 = tpu.memref_slice %arg4[%add3A, %dma_start3A_45, %dma_start3A_46] : memref<32x80x128xi32, #tpu.memory_space<hbm>> -> memref<1x40x128xi32, #tpu.memory_space<hbm>>
      %dma_start3A_48 = tpu.memref_squeeze %dma_start3A_47 : memref<1x40x128xi32, #tpu.memory_space<hbm>> -> memref<40x128xi32, #tpu.memory_space<hbm>>
      tpu.enqueue_dma source(%dma_start3A_48 : memref<40x128xi32, #tpu.memory_space<hbm>>) target(%arg8 : memref<40x128xi32, #tpu.memory_space<vmem>>) target_semaphore(%run_scoped3A : memref<!tpu.dma_semaphore, #tpu.memory_space<semaphore_mem>>)
      %dma_wait3A_49 = arith.constant 40 : i32
      %dma_wait3A_50 = arith.constant 0 : i32
      %dma_wait3A_51 = tpu.memref_slice %arg4[%add3A, %dma_wait3A_49, %dma_wait3A_50] : memref<32x80x128xi32, #tpu.memory_space<hbm>> -> memref<1x40x128xi32, #tpu.memory_space<hbm>>
      %dma_wait3A_52 = tpu.memref_squeeze %dma_wait3A_51 : memref<1x40x128xi32, #tpu.memory_space<hbm>> -> memref<40x128xi32, #tpu.memory_space<hbm>>
      %dma_wait3A_53 = arith.constant 40 : i32
      %dma_wait3A_54 = arith.constant 0 : i32
      %dma_wait3A_55 = tpu.memref_slice %arg4[%add3A, %dma_wait3A_53, %dma_wait3A_54] : memref<32x80x128xi32, #tpu.memory_space<hbm>> -> memref<1x40x128xi32, #tpu.memory_space<hbm>>
      %dma_wait3A_56 = tpu.memref_squeeze %dma_wait3A_55 : memref<1x40x128xi32, #tpu.memory_space<hbm>> -> memref<40x128xi32, #tpu.memory_space<hbm>>
      tpu.wait_dma2 semaphore(%run_scoped3A : memref<!tpu.dma_semaphore, #tpu.memory_space<semaphore_mem>>) src(%dma_wait3A_56 : memref<40x128xi32, #tpu.memory_space<hbm>>) dst(%arg8 : memref<40x128xi32, #tpu.memory_space<vmem>>)
      tpu.yield
    }) : () -> ()
    %dma_start3A_20 = arith.constant 0 : i32
    %dma_start3A_21 = arith.constant 0 : i32
    %dma_start3A_22 = tpu.memref_slice %arg7[%dma_start3A_20, %dma_start3A_21] : memref<48x128xi32, #tpu.memory_space<vmem>> -> memref<1x128xi32, #tpu.memory_space<vmem>>
    %dma_start3A_23 = tpu.memref_squeeze %dma_start3A_22 : memref<1x128xi32, #tpu.memory_space<vmem>> -> memref<128xi32, #tpu.memory_space<vmem>>
    %dma_start3A_24 = arith.constant 0 : i32
    %dma_start3A_25 = arith.constant 0 : i32
    %dma_start3A_26 = tpu.memref_slice %arg2[%dma_start3A_24, %dma_start3A_25] : memref<10000x128xf32, #tpu.memory_space<hbm>> -> memref<10000x128xf32, #tpu.memory_space<hbm>>
    tpu.enqueue_indirect_dma source(%dma_start3A_26 : memref<10000x128xf32, #tpu.memory_space<hbm>>) target(%arg9 : memref<128x128xf32, #tpu.memory_space<vmem>>) offsets(%dma_start3A_23 : memref<128xi32, #tpu.memory_space<vmem>>) semaphore(%arg12 : memref<!tpu.dma_semaphore, #tpu.memory_space<semaphore_mem>>)
    %scan3A_27 = arith.constant 0 : i32
    %scan3A_28 = arith.constant 0 : i32
    %scan3A_29 = arith.constant 20 : i32
    %scan3A_30 = arith.addi %scan3A_28, %scan3A_29 : i32
    %scan3A_31 = arith.constant 1 : i32
    scf.for %scan3A_41 = %scan3A_28 to %scan3A_30 step %scan3A_31  : i32 {
      %mul3A_42 = arith.constant 2 : i32
      %mul3A_43 = arith.muli %mul3A_42, %scan3A_41 : i32
      %add3A_44 = arith.constant 1 : i32
      %add3A_45 = arith.addi %mul3A_43, %add3A_44 : i32
      %dma_start3A_46 = arith.constant 0 : i32
      %dma_start3A_47 = tpu.memref_slice %arg7[%add3A_45, %dma_start3A_46] : memref<48x128xi32, #tpu.memory_space<vmem>> -> memref<1x128xi32, #tpu.memory_space<vmem>>
      %dma_start3A_48 = tpu.memref_squeeze %dma_start3A_47 : memref<1x128xi32, #tpu.memory_space<vmem>> -> memref<128xi32, #tpu.memory_space<vmem>>
      %dma_start3A_49 = arith.constant 0 : i32
      %dma_start3A_50 = arith.constant 0 : i32
      %dma_start3A_51 = tpu.memref_slice %arg2[%dma_start3A_49, %dma_start3A_50] : memref<10000x128xf32, #tpu.memory_space<hbm>> -> memref<10000x128xf32, #tpu.memory_space<hbm>>
      tpu.enqueue_indirect_dma source(%dma_start3A_51 : memref<10000x128xf32, #tpu.memory_space<hbm>>) target(%arg10 : memref<128x128xf32, #tpu.memory_space<vmem>>) offsets(%dma_start3A_48 : memref<128xi32, #tpu.memory_space<vmem>>) semaphore(%arg13 : memref<!tpu.dma_semaphore, #tpu.memory_space<semaphore_mem>>)
      %dma_wait3A_52 = arith.constant 0 : i32
      %dma_wait3A_53 = tpu.memref_slice %arg7[%mul3A_43, %dma_wait3A_52] : memref<48x128xi32, #tpu.memory_space<vmem>> -> memref<1x128xi32, #tpu.memory_space<vmem>>
      %dma_wait3A_54 = tpu.memref_squeeze %dma_wait3A_53 : memref<1x128xi32, #tpu.memory_space<vmem>> -> memref<128xi32, #tpu.memory_space<vmem>>
      %dma_wait3A_55 = arith.constant 0 : i32
      %dma_wait3A_56 = arith.constant 0 : i32
      %dma_wait3A_57 = tpu.memref_slice %arg2[%dma_wait3A_55, %dma_wait3A_56] : memref<10000x128xf32, #tpu.memory_space<hbm>> -> memref<10000x128xf32, #tpu.memory_space<hbm>>
      tpu.wait_indirect_dma semaphore(%arg12 : memref<!tpu.dma_semaphore, #tpu.memory_space<semaphore_mem>>) src(%dma_wait3A_57 : memref<10000x128xf32, #tpu.memory_space<hbm>>) dst(%arg9 : memref<128x128xf32, #tpu.memory_space<vmem>>)
      "tpu.region"() ({
        %run_scoped3A = tpu.sem_alloc : memref<!tpu.dma_semaphore, #tpu.memory_space<semaphore_mem>>
        %dma_start3A_76 = arith.constant 0 : i32
        %dma_start3A_77 = tpu.memref_slice %arg8[%mul3A_43, %dma_start3A_76] : memref<40x128xi32, #tpu.memory_space<vmem>> -> memref<1x128xi32, #tpu.memory_space<vmem>>
        %dma_start3A_78 = tpu.memref_squeeze %dma_start3A_77 : memref<1x128xi32, #tpu.memory_space<vmem>> -> memref<128xi32, #tpu.memory_space<vmem>>
        %dma_start3A_79 = arith.constant 0 : i32
        %dma_start3A_80 = arith.constant 0 : i32
        %dma_start3A_81 = tpu.memref_slice %arg11[%dma_start3A_79, %dma_start3A_80] : memref<10112x128xf32, #tpu.memory_space<vmem_shared>> -> memref<10112x128xf32, #tpu.memory_space<vmem_shared>>
        tpu.enqueue_indirect_dma source(%arg9 : memref<128x128xf32, #tpu.memory_space<vmem>>) target(%dma_start3A_81 : memref<10112x128xf32, #tpu.memory_space<vmem_shared>>) offsets(%dma_start3A_78 : memref<128xi32, #tpu.memory_space<vmem>>) semaphore(%run_scoped3A : memref<!tpu.dma_semaphore, #tpu.memory_space<semaphore_mem>>) {add = true}
        %dma_wait3A_82 = arith.constant 0 : i32
        %dma_wait3A_83 = tpu.memref_slice %arg8[%mul3A_43, %dma_wait3A_82] : memref<40x128xi32, #tpu.memory_space<vmem>> -> memref<1x128xi32, #tpu.memory_space<vmem>>
        %dma_wait3A_84 = tpu.memref_squeeze %dma_wait3A_83 : memref<1x128xi32, #tpu.memory_space<vmem>> -> memref<128xi32, #tpu.memory_space<vmem>>
        %dma_wait3A_85 = arith.constant 0 : i32
        %dma_wait3A_86 = arith.constant 0 : i32
        %dma_wait3A_87 = tpu.memref_slice %arg11[%dma_wait3A_85, %dma_wait3A_86] : memref<10112x128xf32, #tpu.memory_space<vmem_shared>> -> memref<10112x128xf32, #tpu.memory_space<vmem_shared>>
        tpu.wait_indirect_dma semaphore(%run_scoped3A : memref<!tpu.dma_semaphore, #tpu.memory_space<semaphore_mem>>) src(%arg9 : memref<128x128xf32, #tpu.memory_space<vmem>>) dst(%dma_wait3A_87 : memref<10112x128xf32, #tpu.memory_space<vmem_shared>>)
        tpu.yield
      }) : () -> ()
      %add3A_58 = arith.constant 2 : i32
      %add3A_59 = arith.addi %mul3A_43, %add3A_58 : i32
      %dma_start3A_60 = arith.constant 0 : i32
      %dma_start3A_61 = tpu.memref_slice %arg7[%add3A_59, %dma_start3A_60] : memref<48x128xi32, #tpu.memory_space<vmem>> -> memref<1x128xi32, #tpu.memory_space<vmem>>
      %dma_start3A_62 = tpu.memref_squeeze %dma_start3A_61 : memref<1x128xi32, #tpu.memory_space<vmem>> -> memref<128xi32, #tpu.memory_space<vmem>>
      %dma_start3A_63 = arith.constant 0 : i32
      %dma_start3A_64 = arith.constant 0 : i32
      %dma_start3A_65 = tpu.memref_slice %arg2[%dma_start3A_63, %dma_start3A_64] : memref<10000x128xf32, #tpu.memory_space<hbm>> -> memref<10000x128xf32, #tpu.memory_space<hbm>>
      tpu.enqueue_indirect_dma source(%dma_start3A_65 : memref<10000x128xf32, #tpu.memory_space<hbm>>) target(%arg9 : memref<128x128xf32, #tpu.memory_space<vmem>>) offsets(%dma_start3A_62 : memref<128xi32, #tpu.memory_space<vmem>>) semaphore(%arg12 : memref<!tpu.dma_semaphore, #tpu.memory_space<semaphore_mem>>)
      %add3A_66 = arith.constant 1 : i32
      %add3A_67 = arith.addi %mul3A_43, %add3A_66 : i32
      %dma_wait3A_68 = arith.constant 0 : i32
      %dma_wait3A_69 = tpu.memref_slice %arg7[%add3A_67, %dma_wait3A_68] : memref<48x128xi32, #tpu.memory_space<vmem>> -> memref<1x128xi32, #tpu.memory_space<vmem>>
      %dma_wait3A_70 = tpu.memref_squeeze %dma_wait3A_69 : memref<1x128xi32, #tpu.memory_space<vmem>> -> memref<128xi32, #tpu.memory_space<vmem>>
      %dma_wait3A_71 = arith.constant 0 : i32
      %dma_wait3A_72 = arith.constant 0 : i32
      %dma_wait3A_73 = tpu.memref_slice %arg2[%dma_wait3A_71, %dma_wait3A_72] : memref<10000x128xf32, #tpu.memory_space<hbm>> -> memref<10000x128xf32, #tpu.memory_space<hbm>>
      tpu.wait_indirect_dma semaphore(%arg13 : memref<!tpu.dma_semaphore, #tpu.memory_space<semaphore_mem>>) src(%dma_wait3A_73 : memref<10000x128xf32, #tpu.memory_space<hbm>>) dst(%arg10 : memref<128x128xf32, #tpu.memory_space<vmem>>)
      %add3A_74 = arith.constant 1 : i32
      %add3A_75 = arith.addi %mul3A_43, %add3A_74 : i32
      "tpu.region"() ({
        %run_scoped3A = tpu.sem_alloc : memref<!tpu.dma_semaphore, #tpu.memory_space<semaphore_mem>>
        %dma_start3A_76 = arith.constant 0 : i32
        %dma_start3A_77 = tpu.memref_slice %arg8[%add3A_75, %dma_start3A_76] : memref<40x128xi32, #tpu.memory_space<vmem>> -> memref<1x128xi32, #tpu.memory_space<vmem>>
        %dma_start3A_78 = tpu.memref_squeeze %dma_start3A_77 : memref<1x128xi32, #tpu.memory_space<vmem>> -> memref<128xi32, #tpu.memory_space<vmem>>
        %dma_start3A_79 = arith.constant 0 : i32
        %dma_start3A_80 = arith.constant 0 : i32
        %dma_start3A_81 = tpu.memref_slice %arg11[%dma_start3A_79, %dma_start3A_80] : memref<10112x128xf32, #tpu.memory_space<vmem_shared>> -> memref<10112x128xf32, #tpu.memory_space<vmem_shared>>
        tpu.enqueue_indirect_dma source(%arg10 : memref<128x128xf32, #tpu.memory_space<vmem>>) target(%dma_start3A_81 : memref<10112x128xf32, #tpu.memory_space<vmem_shared>>) offsets(%dma_start3A_78 : memref<128xi32, #tpu.memory_space<vmem>>) semaphore(%run_scoped3A : memref<!tpu.dma_semaphore, #tpu.memory_space<semaphore_mem>>) {add = true}
        %dma_wait3A_82 = arith.constant 0 : i32
        %dma_wait3A_83 = tpu.memref_slice %arg8[%add3A_75, %dma_wait3A_82] : memref<40x128xi32, #tpu.memory_space<vmem>> -> memref<1x128xi32, #tpu.memory_space<vmem>>
        %dma_wait3A_84 = tpu.memref_squeeze %dma_wait3A_83 : memref<1x128xi32, #tpu.memory_space<vmem>> -> memref<128xi32, #tpu.memory_space<vmem>>
        %dma_wait3A_85 = arith.constant 0 : i32
        %dma_wait3A_86 = arith.constant 0 : i32
        %dma_wait3A_87 = tpu.memref_slice %arg11[%dma_wait3A_85, %dma_wait3A_86] : memref<10112x128xf32, #tpu.memory_space<vmem_shared>> -> memref<10112x128xf32, #tpu.memory_space<vmem_shared>>
        tpu.wait_indirect_dma semaphore(%run_scoped3A : memref<!tpu.dma_semaphore, #tpu.memory_space<semaphore_mem>>) src(%arg10 : memref<128x128xf32, #tpu.memory_space<vmem>>) dst(%dma_wait3A_87 : memref<10112x128xf32, #tpu.memory_space<vmem_shared>>)
        tpu.yield
      }) : () -> ()
    }
    %scan3A_32 = arith.constant 20 : i32
    %dma_wait3A_33 = arith.constant 40 : i32
    %dma_wait3A_34 = arith.constant 0 : i32
    %dma_wait3A_35 = tpu.memref_slice %arg7[%dma_wait3A_33, %dma_wait3A_34] : memref<48x128xi32, #tpu.memory_space<vmem>> -> memref<1x128xi32, #tpu.memory_space<vmem>>
    %dma_wait3A_36 = tpu.memref_squeeze %dma_wait3A_35 : memref<1x128xi32, #tpu.memory_space<vmem>> -> memref<128xi32, #tpu.memory_space<vmem>>
    %dma_wait3A_37 = arith.constant 0 : i32
    %dma_wait3A_38 = arith.constant 0 : i32
    %dma_wait3A_39 = tpu.memref_slice %arg2[%dma_wait3A_37, %dma_wait3A_38] : memref<10000x128xf32, #tpu.memory_space<hbm>> -> memref<10000x128xf32, #tpu.memory_space<hbm>>
    tpu.wait_indirect_dma semaphore(%arg12 : memref<!tpu.dma_semaphore, #tpu.memory_space<semaphore_mem>>) src(%dma_wait3A_39 : memref<10000x128xf32, #tpu.memory_space<hbm>>) dst(%arg9 : memref<128x128xf32, #tpu.memory_space<vmem>>)
    %barrier3A_40 = arith.constant 0 : index
    tpu.barrier barrier_id(%barrier3A_40)
    "tpu.region"() ({
      %run_scoped3A = tpu.sem_alloc : memref<!tpu.dma_semaphore, #tpu.memory_space<semaphore_mem>>
      %dma_start3A_41 = arith.constant 0 : i32
      %dma_start3A_42 = tpu.memref_slice %arg6[%arg0, %mul3A_2, %dma_start3A_41] : memref<2x10112x128xf32, #tpu.memory_space<hbm>> -> memref<1x632x128xf32, #tpu.memory_space<hbm>>
      %dma_start3A_43 = tpu.memref_squeeze %dma_start3A_42 : memref<1x632x128xf32, #tpu.memory_space<hbm>> -> memref<632x128xf32, #tpu.memory_space<hbm>>
      %dma_start3A_44 = arith.constant 0 : i32
      %dma_start3A_45 = tpu.memref_slice %arg11[%mul3A_2, %dma_start3A_44] : memref<10112x128xf32, #tpu.memory_space<vmem_shared>> -> memref<632x128xf32, #tpu.memory_space<vmem_shared>>
      tpu.enqueue_dma source(%dma_start3A_45 : memref<632x128xf32, #tpu.memory_space<vmem_shared>>) target(%dma_start3A_43 : memref<632x128xf32, #tpu.memory_space<hbm>>) target_semaphore(%run_scoped3A : memref<!tpu.dma_semaphore, #tpu.memory_space<semaphore_mem>>)
      %dma_wait3A_46 = arith.constant 0 : i32
      %dma_wait3A_47 = tpu.memref_slice %arg6[%arg0, %mul3A_2, %dma_wait3A_46] : memref<2x10112x128xf32, #tpu.memory_space<hbm>> -> memref<1x632x128xf32, #tpu.memory_space<hbm>>
      %dma_wait3A_48 = tpu.memref_squeeze %dma_wait3A_47 : memref<1x632x128xf32, #tpu.memory_space<hbm>> -> memref<632x128xf32, #tpu.memory_space<hbm>>
      %dma_wait3A_49 = arith.constant 0 : i32
      %dma_wait3A_50 = tpu.memref_slice %arg11[%mul3A_2, %dma_wait3A_49] : memref<10112x128xf32, #tpu.memory_space<vmem_shared>> -> memref<632x128xf32, #tpu.memory_space<vmem_shared>>
      tpu.wait_dma2 semaphore(%run_scoped3A : memref<!tpu.dma_semaphore, #tpu.memory_space<semaphore_mem>>) src(%dma_wait3A_50 : memref<632x128xf32, #tpu.memory_space<vmem_shared>>) dst(%dma_wait3A_48 : memref<632x128xf32, #tpu.memory_space<hbm>>)
      tpu.yield
    }) : () -> ()
    return
  }
}

#map = affine_map<(d0, d1) -> (0, 0)>
#map1 = affine_map<(d0, d1) -> (0, 0, 0)>
module attributes {stable_mosaic.version = 14 : i64} {
  func.func @_sc_segsum(%arg0: i32, %arg1: i32, %arg2: memref<10000x128xf32, #tpu.memory_space<hbm>>, %arg3: memref<32x88x128xi32, #tpu.memory_space<hbm>>, %arg4: memref<32x80x128xi32, #tpu.memory_space<hbm>>, %arg5: memref<10112x128xf32, #tpu.memory_space<hbm>>, %arg6: memref<2x10112x128xf32, #tpu.memory_space<hbm>>, %arg7: memref<48x128xi32, #tpu.memory_space<vmem>>, %arg8: memref<40x128xi32, #tpu.memory_space<vmem>>, %arg9: memref<128x128xf32, #tpu.memory_space<vmem>>, %arg10: memref<128x128xf32, #tpu.memory_space<vmem>>, %arg11: memref<10112x128xf32, #tpu.memory_space<vmem_shared>>, %arg12: memref<!tpu.dma_semaphore, #tpu.memory_space<semaphore_mem>>, %arg13: memref<!tpu.dma_semaphore, #tpu.memory_space<semaphore_mem>>) attributes {dimension_semantics = [#tpu.dimension_semantics<core_parallel>, #tpu.dimension_semantics<subcore_parallel>], iteration_bounds = array<i64: 2, 16>, scalar_prefetch = 0 : i64, scratch_operands = 7 : i64, tpu.core_type = #tpu.core_type<sc_vector_subcore>, window_params = [{transform_indices = #map}, {transform_indices = #map1}, {transform_indices = #map1}, {transform_indices = #map}, {transform_indices = #map1}]} {
    %mul3A = arith.constant 2 : i32
    %mul3A_0 = arith.muli %arg1, %mul3A : i32
    %add3A = arith.addi %mul3A_0, %arg0 : i32
    %mul3A_1 = arith.constant 632 : i32
    %mul3A_2 = arith.muli %arg1, %mul3A_1 : i32
    "tpu.region"() ({
      %run_scoped3A = tpu.sem_alloc : memref<!tpu.dma_semaphore, #tpu.memory_space<semaphore_mem>>
      %dma_start3A_41 = arith.constant 0 : i32
      %dma_start3A_42 = arith.constant 0 : i32
      %dma_start3A_43 = tpu.memref_slice %arg3[%add3A, %dma_start3A_41, %dma_start3A_42] : memref<32x88x128xi32, #tpu.memory_space<hbm>> -> memref<1x48x128xi32, #tpu.memory_space<hbm>>
      %dma_start3A_44 = tpu.memref_squeeze %dma_start3A_43 : memref<1x48x128xi32, #tpu.memory_space<hbm>> -> memref<48x128xi32, #tpu.memory_space<hbm>>
      %dma_start3A_45 = arith.constant 0 : i32
      %dma_start3A_46 = arith.constant 0 : i32
      %dma_start3A_47 = tpu.memref_slice %arg3[%add3A, %dma_start3A_45, %dma_start3A_46] : memref<32x88x128xi32, #tpu.memory_space<hbm>> -> memref<1x48x128xi32, #tpu.memory_space<hbm>>
      %dma_start3A_48 = tpu.memref_squeeze %dma_start3A_47 : memref<1x48x128xi32, #tpu.memory_space<hbm>> -> memref<48x128xi32, #tpu.memory_space<hbm>>
      tpu.enqueue_dma source(%dma_start3A_48 : memref<48x128xi32, #tpu.memory_space<hbm>>) target(%arg7 : memref<48x128xi32, #tpu.memory_space<vmem>>) target_semaphore(%run_scoped3A : memref<!tpu.dma_semaphore, #tpu.memory_space<semaphore_mem>>)
      %dma_wait3A_49 = arith.constant 0 : i32
      %dma_wait3A_50 = arith.constant 0 : i32
      %dma_wait3A_51 = tpu.memref_slice %arg3[%add3A, %dma_wait3A_49, %dma_wait3A_50] : memref<32x88x128xi32, #tpu.memory_space<hbm>> -> memref<1x48x128xi32, #tpu.memory_space<hbm>>
      %dma_wait3A_52 = tpu.memref_squeeze %dma_wait3A_51 : memref<1x48x128xi32, #tpu.memory_space<hbm>> -> memref<48x128xi32, #tpu.memory_space<hbm>>
      %dma_wait3A_53 = arith.constant 0 : i32
      %dma_wait3A_54 = arith.constant 0 : i32
      %dma_wait3A_55 = tpu.memref_slice %arg3[%add3A, %dma_wait3A_53, %dma_wait3A_54] : memref<32x88x128xi32, #tpu.memory_space<hbm>> -> memref<1x48x128xi32, #tpu.memory_space<hbm>>
      %dma_wait3A_56 = tpu.memref_squeeze %dma_wait3A_55 : memref<1x48x128xi32, #tpu.memory_space<hbm>> -> memref<48x128xi32, #tpu.memory_space<hbm>>
      tpu.wait_dma2 semaphore(%run_scoped3A : memref<!tpu.dma_semaphore, #tpu.memory_space<semaphore_mem>>) src(%dma_wait3A_56 : memref<48x128xi32, #tpu.memory_space<hbm>>) dst(%arg7 : memref<48x128xi32, #tpu.memory_space<vmem>>)
      tpu.yield
    }) : () -> ()
    "tpu.region"() ({
      %run_scoped3A = tpu.sem_alloc : memref<!tpu.dma_semaphore, #tpu.memory_space<semaphore_mem>>
      %dma_start3A_41 = arith.constant 0 : i32
      %dma_start3A_42 = arith.constant 0 : i32
      %dma_start3A_43 = tpu.memref_slice %arg4[%add3A, %dma_start3A_41, %dma_start3A_42] : memref<32x80x128xi32, #tpu.memory_space<hbm>> -> memref<1x40x128xi32, #tpu.memory_space<hbm>>
      %dma_start3A_44 = tpu.memref_squeeze %dma_start3A_43 : memref<1x40x128xi32, #tpu.memory_space<hbm>> -> memref<40x128xi32, #tpu.memory_space<hbm>>
      %dma_start3A_45 = arith.constant 0 : i32
      %dma_start3A_46 = arith.constant 0 : i32
      %dma_start3A_47 = tpu.memref_slice %arg4[%add3A, %dma_start3A_45, %dma_start3A_46] : memref<32x80x128xi32, #tpu.memory_space<hbm>> -> memref<1x40x128xi32, #tpu.memory_space<hbm>>
      %dma_start3A_48 = tpu.memref_squeeze %dma_start3A_47 : memref<1x40x128xi32, #tpu.memory_space<hbm>> -> memref<40x128xi32, #tpu.memory_space<hbm>>
      tpu.enqueue_dma source(%dma_start3A_48 : memref<40x128xi32, #tpu.memory_space<hbm>>) target(%arg8 : memref<40x128xi32, #tpu.memory_space<vmem>>) target_semaphore(%run_scoped3A : memref<!tpu.dma_semaphore, #tpu.memory_space<semaphore_mem>>)
      %dma_wait3A_49 = arith.constant 0 : i32
      %dma_wait3A_50 = arith.constant 0 : i32
      %dma_wait3A_51 = tpu.memref_slice %arg4[%add3A, %dma_wait3A_49, %dma_wait3A_50] : memref<32x80x128xi32, #tpu.memory_space<hbm>> -> memref<1x40x128xi32, #tpu.memory_space<hbm>>
      %dma_wait3A_52 = tpu.memref_squeeze %dma_wait3A_51 : memref<1x40x128xi32, #tpu.memory_space<hbm>> -> memref<40x128xi32, #tpu.memory_space<hbm>>
      %dma_wait3A_53 = arith.constant 0 : i32
      %dma_wait3A_54 = arith.constant 0 : i32
      %dma_wait3A_55 = tpu.memref_slice %arg4[%add3A, %dma_wait3A_53, %dma_wait3A_54] : memref<32x80x128xi32, #tpu.memory_space<hbm>> -> memref<1x40x128xi32, #tpu.memory_space<hbm>>
      %dma_wait3A_56 = tpu.memref_squeeze %dma_wait3A_55 : memref<1x40x128xi32, #tpu.memory_space<hbm>> -> memref<40x128xi32, #tpu.memory_space<hbm>>
      tpu.wait_dma2 semaphore(%run_scoped3A : memref<!tpu.dma_semaphore, #tpu.memory_space<semaphore_mem>>) src(%dma_wait3A_56 : memref<40x128xi32, #tpu.memory_space<hbm>>) dst(%arg8 : memref<40x128xi32, #tpu.memory_space<vmem>>)
      tpu.yield
    }) : () -> ()
    %dma_start3A = arith.constant 0 : i32
    %dma_start3A_3 = arith.constant 0 : i32
    %dma_start3A_4 = tpu.memref_slice %arg7[%dma_start3A, %dma_start3A_3] : memref<48x128xi32, #tpu.memory_space<vmem>> -> memref<1x128xi32, #tpu.memory_space<vmem>>
    %dma_start3A_5 = tpu.memref_squeeze %dma_start3A_4 : memref<1x128xi32, #tpu.memory_space<vmem>> -> memref<128xi32, #tpu.memory_space<vmem>>
    %dma_start3A_6 = arith.constant 0 : i32
    %dma_start3A_7 = arith.constant 0 : i32
    %dma_start3A_8 = tpu.memref_slice %arg2[%dma_start3A_6, %dma_start3A_7] : memref<10000x128xf32, #tpu.memory_space<hbm>> -> memref<10000x128xf32, #tpu.memory_space<hbm>>
    tpu.enqueue_indirect_dma source(%dma_start3A_8 : memref<10000x128xf32, #tpu.memory_space<hbm>>) target(%arg9 : memref<128x128xf32, #tpu.memory_space<vmem>>) offsets(%dma_start3A_5 : memref<128xi32, #tpu.memory_space<vmem>>) semaphore(%arg12 : memref<!tpu.dma_semaphore, #tpu.memory_space<semaphore_mem>>)
    "tpu.region"() ({
      %run_scoped3A = tpu.sem_alloc : memref<!tpu.dma_semaphore, #tpu.memory_space<semaphore_mem>>
      %dma_start3A_41 = arith.constant 0 : i32
      %dma_start3A_42 = tpu.memref_slice %arg11[%mul3A_2, %dma_start3A_41] : memref<10112x128xf32, #tpu.memory_space<vmem_shared>> -> memref<632x128xf32, #tpu.memory_space<vmem_shared>>
      %dma_start3A_43 = arith.constant 0 : i32
      %dma_start3A_44 = tpu.memref_slice %arg5[%mul3A_2, %dma_start3A_43] : memref<10112x128xf32, #tpu.memory_space<hbm>> -> memref<632x128xf32, #tpu.memory_space<hbm>>
      tpu.enqueue_dma source(%dma_start3A_44 : memref<632x128xf32, #tpu.memory_space<hbm>>) target(%dma_start3A_42 : memref<632x128xf32, #tpu.memory_space<vmem_shared>>) target_semaphore(%run_scoped3A : memref<!tpu.dma_semaphore, #tpu.memory_space<semaphore_mem>>)
      %dma_wait3A_45 = arith.constant 0 : i32
      %dma_wait3A_46 = tpu.memref_slice %arg11[%mul3A_2, %dma_wait3A_45] : memref<10112x128xf32, #tpu.memory_space<vmem_shared>> -> memref<632x128xf32, #tpu.memory_space<vmem_shared>>
      %dma_wait3A_47 = arith.constant 0 : i32
      %dma_wait3A_48 = tpu.memref_slice %arg5[%mul3A_2, %dma_wait3A_47] : memref<10112x128xf32, #tpu.memory_space<hbm>> -> memref<632x128xf32, #tpu.memory_space<hbm>>
      tpu.wait_dma2 semaphore(%run_scoped3A : memref<!tpu.dma_semaphore, #tpu.memory_space<semaphore_mem>>) src(%dma_wait3A_48 : memref<632x128xf32, #tpu.memory_space<hbm>>) dst(%dma_wait3A_46 : memref<632x128xf32, #tpu.memory_space<vmem_shared>>)
      tpu.yield
    }) : () -> ()
    %barrier3A = arith.constant 0 : index
    tpu.barrier barrier_id(%barrier3A)
    %scan3A = arith.constant 0 : i32
    %scan3A_9 = arith.constant 0 : i32
    %scan3A_10 = arith.constant 20 : i32
    %scan3A_11 = arith.addi %scan3A_9, %scan3A_10 : i32
    %scan3A_12 = arith.constant 1 : i32
    scf.for %scan3A_41 = %scan3A_9 to %scan3A_11 step %scan3A_12  : i32 {
      %mul3A_42 = arith.constant 2 : i32
      %mul3A_43 = arith.muli %mul3A_42, %scan3A_41 : i32
      %add3A_44 = arith.constant 1 : i32
      %add3A_45 = arith.addi %mul3A_43, %add3A_44 : i32
      %dma_start3A_46 = arith.constant 0 : i32
      %dma_start3A_47 = tpu.memref_slice %arg7[%add3A_45, %dma_start3A_46] : memref<48x128xi32, #tpu.memory_space<vmem>> -> memref<1x128xi32, #tpu.memory_space<vmem>>
      %dma_start3A_48 = tpu.memref_squeeze %dma_start3A_47 : memref<1x128xi32, #tpu.memory_space<vmem>> -> memref<128xi32, #tpu.memory_space<vmem>>
      %dma_start3A_49 = arith.constant 0 : i32
      %dma_start3A_50 = arith.constant 0 : i32
      %dma_start3A_51 = tpu.memref_slice %arg2[%dma_start3A_49, %dma_start3A_50] : memref<10000x128xf32, #tpu.memory_space<hbm>> -> memref<10000x128xf32, #tpu.memory_space<hbm>>
      tpu.enqueue_indirect_dma source(%dma_start3A_51 : memref<10000x128xf32, #tpu.memory_space<hbm>>) target(%arg10 : memref<128x128xf32, #tpu.memory_space<vmem>>) offsets(%dma_start3A_48 : memref<128xi32, #tpu.memory_space<vmem>>) semaphore(%arg13 : memref<!tpu.dma_semaphore, #tpu.memory_space<semaphore_mem>>)
      %dma_wait3A_52 = arith.constant 0 : i32
      %dma_wait3A_53 = tpu.memref_slice %arg7[%mul3A_43, %dma_wait3A_52] : memref<48x128xi32, #tpu.memory_space<vmem>> -> memref<1x128xi32, #tpu.memory_space<vmem>>
      %dma_wait3A_54 = tpu.memref_squeeze %dma_wait3A_53 : memref<1x128xi32, #tpu.memory_space<vmem>> -> memref<128xi32, #tpu.memory_space<vmem>>
      %dma_wait3A_55 = arith.constant 0 : i32
      %dma_wait3A_56 = arith.constant 0 : i32
      %dma_wait3A_57 = tpu.memref_slice %arg2[%dma_wait3A_55, %dma_wait3A_56] : memref<10000x128xf32, #tpu.memory_space<hbm>> -> memref<10000x128xf32, #tpu.memory_space<hbm>>
      tpu.wait_indirect_dma semaphore(%arg12 : memref<!tpu.dma_semaphore, #tpu.memory_space<semaphore_mem>>) src(%dma_wait3A_57 : memref<10000x128xf32, #tpu.memory_space<hbm>>) dst(%arg9 : memref<128x128xf32, #tpu.memory_space<vmem>>)
      "tpu.region"() ({
        %run_scoped3A = tpu.sem_alloc : memref<!tpu.dma_semaphore, #tpu.memory_space<semaphore_mem>>
        %dma_start3A_76 = arith.constant 0 : i32
        %dma_start3A_77 = tpu.memref_slice %arg8[%mul3A_43, %dma_start3A_76] : memref<40x128xi32, #tpu.memory_space<vmem>> -> memref<1x128xi32, #tpu.memory_space<vmem>>
        %dma_start3A_78 = tpu.memref_squeeze %dma_start3A_77 : memref<1x128xi32, #tpu.memory_space<vmem>> -> memref<128xi32, #tpu.memory_space<vmem>>
        %dma_start3A_79 = arith.constant 0 : i32
        %dma_start3A_80 = arith.constant 0 : i32
        %dma_start3A_81 = tpu.memref_slice %arg11[%dma_start3A_79, %dma_start3A_80] : memref<10112x128xf32, #tpu.memory_space<vmem_shared>> -> memref<10112x128xf32, #tpu.memory_space<vmem_shared>>
        tpu.enqueue_indirect_dma source(%arg9 : memref<128x128xf32, #tpu.memory_space<vmem>>) target(%dma_start3A_81 : memref<10112x128xf32, #tpu.memory_space<vmem_shared>>) offsets(%dma_start3A_78 : memref<128xi32, #tpu.memory_space<vmem>>) semaphore(%run_scoped3A : memref<!tpu.dma_semaphore, #tpu.memory_space<semaphore_mem>>) {add = true}
        %dma_wait3A_82 = arith.constant 0 : i32
        %dma_wait3A_83 = tpu.memref_slice %arg8[%mul3A_43, %dma_wait3A_82] : memref<40x128xi32, #tpu.memory_space<vmem>> -> memref<1x128xi32, #tpu.memory_space<vmem>>
        %dma_wait3A_84 = tpu.memref_squeeze %dma_wait3A_83 : memref<1x128xi32, #tpu.memory_space<vmem>> -> memref<128xi32, #tpu.memory_space<vmem>>
        %dma_wait3A_85 = arith.constant 0 : i32
        %dma_wait3A_86 = arith.constant 0 : i32
        %dma_wait3A_87 = tpu.memref_slice %arg11[%dma_wait3A_85, %dma_wait3A_86] : memref<10112x128xf32, #tpu.memory_space<vmem_shared>> -> memref<10112x128xf32, #tpu.memory_space<vmem_shared>>
        tpu.wait_indirect_dma semaphore(%run_scoped3A : memref<!tpu.dma_semaphore, #tpu.memory_space<semaphore_mem>>) src(%arg9 : memref<128x128xf32, #tpu.memory_space<vmem>>) dst(%dma_wait3A_87 : memref<10112x128xf32, #tpu.memory_space<vmem_shared>>)
        tpu.yield
      }) : () -> ()
      %add3A_58 = arith.constant 2 : i32
      %add3A_59 = arith.addi %mul3A_43, %add3A_58 : i32
      %dma_start3A_60 = arith.constant 0 : i32
      %dma_start3A_61 = tpu.memref_slice %arg7[%add3A_59, %dma_start3A_60] : memref<48x128xi32, #tpu.memory_space<vmem>> -> memref<1x128xi32, #tpu.memory_space<vmem>>
      %dma_start3A_62 = tpu.memref_squeeze %dma_start3A_61 : memref<1x128xi32, #tpu.memory_space<vmem>> -> memref<128xi32, #tpu.memory_space<vmem>>
      %dma_start3A_63 = arith.constant 0 : i32
      %dma_start3A_64 = arith.constant 0 : i32
      %dma_start3A_65 = tpu.memref_slice %arg2[%dma_start3A_63, %dma_start3A_64] : memref<10000x128xf32, #tpu.memory_space<hbm>> -> memref<10000x128xf32, #tpu.memory_space<hbm>>
      tpu.enqueue_indirect_dma source(%dma_start3A_65 : memref<10000x128xf32, #tpu.memory_space<hbm>>) target(%arg9 : memref<128x128xf32, #tpu.memory_space<vmem>>) offsets(%dma_start3A_62 : memref<128xi32, #tpu.memory_space<vmem>>) semaphore(%arg12 : memref<!tpu.dma_semaphore, #tpu.memory_space<semaphore_mem>>)
      %add3A_66 = arith.constant 1 : i32
      %add3A_67 = arith.addi %mul3A_43, %add3A_66 : i32
      %dma_wait3A_68 = arith.constant 0 : i32
      %dma_wait3A_69 = tpu.memref_slice %arg7[%add3A_67, %dma_wait3A_68] : memref<48x128xi32, #tpu.memory_space<vmem>> -> memref<1x128xi32, #tpu.memory_space<vmem>>
      %dma_wait3A_70 = tpu.memref_squeeze %dma_wait3A_69 : memref<1x128xi32, #tpu.memory_space<vmem>> -> memref<128xi32, #tpu.memory_space<vmem>>
      %dma_wait3A_71 = arith.constant 0 : i32
      %dma_wait3A_72 = arith.constant 0 : i32
      %dma_wait3A_73 = tpu.memref_slice %arg2[%dma_wait3A_71, %dma_wait3A_72] : memref<10000x128xf32, #tpu.memory_space<hbm>> -> memref<10000x128xf32, #tpu.memory_space<hbm>>
      tpu.wait_indirect_dma semaphore(%arg13 : memref<!tpu.dma_semaphore, #tpu.memory_space<semaphore_mem>>) src(%dma_wait3A_73 : memref<10000x128xf32, #tpu.memory_space<hbm>>) dst(%arg10 : memref<128x128xf32, #tpu.memory_space<vmem>>)
      %add3A_74 = arith.constant 1 : i32
      %add3A_75 = arith.addi %mul3A_43, %add3A_74 : i32
      "tpu.region"() ({
        %run_scoped3A = tpu.sem_alloc : memref<!tpu.dma_semaphore, #tpu.memory_space<semaphore_mem>>
        %dma_start3A_76 = arith.constant 0 : i32
        %dma_start3A_77 = tpu.memref_slice %arg8[%add3A_75, %dma_start3A_76] : memref<40x128xi32, #tpu.memory_space<vmem>> -> memref<1x128xi32, #tpu.memory_space<vmem>>
        %dma_start3A_78 = tpu.memref_squeeze %dma_start3A_77 : memref<1x128xi32, #tpu.memory_space<vmem>> -> memref<128xi32, #tpu.memory_space<vmem>>
        %dma_start3A_79 = arith.constant 0 : i32
        %dma_start3A_80 = arith.constant 0 : i32
        %dma_start3A_81 = tpu.memref_slice %arg11[%dma_start3A_79, %dma_start3A_80] : memref<10112x128xf32, #tpu.memory_space<vmem_shared>> -> memref<10112x128xf32, #tpu.memory_space<vmem_shared>>
        tpu.enqueue_indirect_dma source(%arg10 : memref<128x128xf32, #tpu.memory_space<vmem>>) target(%dma_start3A_81 : memref<10112x128xf32, #tpu.memory_space<vmem_shared>>) offsets(%dma_start3A_78 : memref<128xi32, #tpu.memory_space<vmem>>) semaphore(%run_scoped3A : memref<!tpu.dma_semaphore, #tpu.memory_space<semaphore_mem>>) {add = true}
        %dma_wait3A_82 = arith.constant 0 : i32
        %dma_wait3A_83 = tpu.memref_slice %arg8[%add3A_75, %dma_wait3A_82] : memref<40x128xi32, #tpu.memory_space<vmem>> -> memref<1x128xi32, #tpu.memory_space<vmem>>
        %dma_wait3A_84 = tpu.memref_squeeze %dma_wait3A_83 : memref<1x128xi32, #tpu.memory_space<vmem>> -> memref<128xi32, #tpu.memory_space<vmem>>
        %dma_wait3A_85 = arith.constant 0 : i32
        %dma_wait3A_86 = arith.constant 0 : i32
        %dma_wait3A_87 = tpu.memref_slice %arg11[%dma_wait3A_85, %dma_wait3A_86] : memref<10112x128xf32, #tpu.memory_space<vmem_shared>> -> memref<10112x128xf32, #tpu.memory_space<vmem_shared>>
        tpu.wait_indirect_dma semaphore(%run_scoped3A : memref<!tpu.dma_semaphore, #tpu.memory_space<semaphore_mem>>) src(%arg10 : memref<128x128xf32, #tpu.memory_space<vmem>>) dst(%dma_wait3A_87 : memref<10112x128xf32, #tpu.memory_space<vmem_shared>>)
        tpu.yield
      }) : () -> ()
    }
    %scan3A_13 = arith.constant 20 : i32
    %dma_wait3A = arith.constant 40 : i32
    %dma_wait3A_14 = arith.constant 0 : i32
    %dma_wait3A_15 = tpu.memref_slice %arg7[%dma_wait3A, %dma_wait3A_14] : memref<48x128xi32, #tpu.memory_space<vmem>> -> memref<1x128xi32, #tpu.memory_space<vmem>>
    %dma_wait3A_16 = tpu.memref_squeeze %dma_wait3A_15 : memref<1x128xi32, #tpu.memory_space<vmem>> -> memref<128xi32, #tpu.memory_space<vmem>>
    %dma_wait3A_17 = arith.constant 0 : i32
    %dma_wait3A_18 = arith.constant 0 : i32
    %dma_wait3A_19 = tpu.memref_slice %arg2[%dma_wait3A_17, %dma_wait3A_18] : memref<10000x128xf32, #tpu.memory_space<hbm>> -> memref<10000x128xf32, #tpu.memory_space<hbm>>
    tpu.wait_indirect_dma semaphore(%arg12 : memref<!tpu.dma_semaphore, #tpu.memory_space<semaphore_mem>>) src(%dma_wait3A_19 : memref<10000x128xf32, #tpu.memory_space<hbm>>) dst(%arg9 : memref<128x128xf32, #tpu.memory_space<vmem>>)
    "tpu.region"() ({
      %run_scoped3A = tpu.sem_alloc : memref<!tpu.dma_semaphore, #tpu.memory_space<semaphore_mem>>
      %dma_start3A_41 = arith.constant 40 : i32
      %dma_start3A_42 = arith.constant 0 : i32
      %dma_start3A_43 = tpu.memref_slice %arg3[%add3A, %dma_start3A_41, %dma_start3A_42] : memref<32x88x128xi32, #tpu.memory_space<hbm>> -> memref<1x48x128xi32, #tpu.memory_space<hbm>>
      %dma_start3A_44 = tpu.memref_squeeze %dma_start3A_43 : memref<1x48x128xi32, #tpu.memory_space<hbm>> -> memref<48x128xi32, #tpu.memory_space<hbm>>
      %dma_start3A_45 = arith.constant 40 : i32
      %dma_start3A_46 = arith.constant 0 : i32
      %dma_start3A_47 = tpu.memref_slice %arg3[%add3A, %dma_start3A_45, %dma_start3A_46] : memref<32x88x128xi32, #tpu.memory_space<hbm>> -> memref<1x48x128xi32, #tpu.memory_space<hbm>>
      %dma_start3A_48 = tpu.memref_squeeze %dma_start3A_47 : memref<1x48x128xi32, #tpu.memory_space<hbm>> -> memref<48x128xi32, #tpu.memory_space<hbm>>
      tpu.enqueue_dma source(%dma_start3A_48 : memref<48x128xi32, #tpu.memory_space<hbm>>) target(%arg7 : memref<48x128xi32, #tpu.memory_space<vmem>>) target_semaphore(%run_scoped3A : memref<!tpu.dma_semaphore, #tpu.memory_space<semaphore_mem>>)
      %dma_wait3A_49 = arith.constant 40 : i32
      %dma_wait3A_50 = arith.constant 0 : i32
      %dma_wait3A_51 = tpu.memref_slice %arg3[%add3A, %dma_wait3A_49, %dma_wait3A_50] : memref<32x88x128xi32, #tpu.memory_space<hbm>> -> memref<1x48x128xi32, #tpu.memory_space<hbm>>
      %dma_wait3A_52 = tpu.memref_squeeze %dma_wait3A_51 : memref<1x48x128xi32, #tpu.memory_space<hbm>> -> memref<48x128xi32, #tpu.memory_space<hbm>>
      %dma_wait3A_53 = arith.constant 40 : i32
      %dma_wait3A_54 = arith.constant 0 : i32
      %dma_wait3A_55 = tpu.memref_slice %arg3[%add3A, %dma_wait3A_53, %dma_wait3A_54] : memref<32x88x128xi32, #tpu.memory_space<hbm>> -> memref<1x48x128xi32, #tpu.memory_space<hbm>>
      %dma_wait3A_56 = tpu.memref_squeeze %dma_wait3A_55 : memref<1x48x128xi32, #tpu.memory_space<hbm>> -> memref<48x128xi32, #tpu.memory_space<hbm>>
      tpu.wait_dma2 semaphore(%run_scoped3A : memref<!tpu.dma_semaphore, #tpu.memory_space<semaphore_mem>>) src(%dma_wait3A_56 : memref<48x128xi32, #tpu.memory_space<hbm>>) dst(%arg7 : memref<48x128xi32, #tpu.memory_space<vmem>>)
      tpu.yield
    }) : () -> ()
    "tpu.region"() ({
      %run_scoped3A = tpu.sem_alloc : memref<!tpu.dma_semaphore, #tpu.memory_space<semaphore_mem>>
      %dma_start3A_41 = arith.constant 40 : i32
      %dma_start3A_42 = arith.constant 0 : i32
      %dma_start3A_43 = tpu.memref_slice %arg4[%add3A, %dma_start3A_41, %dma_start3A_42] : memref<32x80x128xi32, #tpu.memory_space<hbm>> -> memref<1x40x128xi32, #tpu.memory_space<hbm>>
      %dma_start3A_44 = tpu.memref_squeeze %dma_start3A_43 : memref<1x40x128xi32, #tpu.memory_space<hbm>> -> memref<40x128xi32, #tpu.memory_space<hbm>>
      %dma_start3A_45 = arith.constant 40 : i32
      %dma_start3A_46 = arith.constant 0 : i32
      %dma_start3A_47 = tpu.memref_slice %arg4[%add3A, %dma_start3A_45, %dma_start3A_46] : memref<32x80x128xi32, #tpu.memory_space<hbm>> -> memref<1x40x128xi32, #tpu.memory_space<hbm>>
      %dma_start3A_48 = tpu.memref_squeeze %dma_start3A_47 : memref<1x40x128xi32, #tpu.memory_space<hbm>> -> memref<40x128xi32, #tpu.memory_space<hbm>>
      tpu.enqueue_dma source(%dma_start3A_48 : memref<40x128xi32, #tpu.memory_space<hbm>>) target(%arg8 : memref<40x128xi32, #tpu.memory_space<vmem>>) target_semaphore(%run_scoped3A : memref<!tpu.dma_semaphore, #tpu.memory_space<semaphore_mem>>)
      %dma_wait3A_49 = arith.constant 40 : i32
      %dma_wait3A_50 = arith.constant 0 : i32
      %dma_wait3A_51 = tpu.memref_slice %arg4[%add3A, %dma_wait3A_49, %dma_wait3A_50] : memref<32x80x128xi32, #tpu.memory_space<hbm>> -> memref<1x40x128xi32, #tpu.memory_space<hbm>>
      %dma_wait3A_52 = tpu.memref_squeeze %dma_wait3A_51 : memref<1x40x128xi32, #tpu.memory_space<hbm>> -> memref<40x128xi32, #tpu.memory_space<hbm>>
      %dma_wait3A_53 = arith.constant 40 : i32
      %dma_wait3A_54 = arith.constant 0 : i32
      %dma_wait3A_55 = tpu.memref_slice %arg4[%add3A, %dma_wait3A_53, %dma_wait3A_54] : memref<32x80x128xi32, #tpu.memory_space<hbm>> -> memref<1x40x128xi32, #tpu.memory_space<hbm>>
      %dma_wait3A_56 = tpu.memref_squeeze %dma_wait3A_55 : memref<1x40x128xi32, #tpu.memory_space<hbm>> -> memref<40x128xi32, #tpu.memory_space<hbm>>
      tpu.wait_dma2 semaphore(%run_scoped3A : memref<!tpu.dma_semaphore, #tpu.memory_space<semaphore_mem>>) src(%dma_wait3A_56 : memref<40x128xi32, #tpu.memory_space<hbm>>) dst(%arg8 : memref<40x128xi32, #tpu.memory_space<vmem>>)
      tpu.yield
    }) : () -> ()
    %dma_start3A_20 = arith.constant 0 : i32
    %dma_start3A_21 = arith.constant 0 : i32
    %dma_start3A_22 = tpu.memref_slice %arg7[%dma_start3A_20, %dma_start3A_21] : memref<48x128xi32, #tpu.memory_space<vmem>> -> memref<1x128xi32, #tpu.memory_space<vmem>>
    %dma_start3A_23 = tpu.memref_squeeze %dma_start3A_22 : memref<1x128xi32, #tpu.memory_space<vmem>> -> memref<128xi32, #tpu.memory_space<vmem>>
    %dma_start3A_24 = arith.constant 0 : i32
    %dma_start3A_25 = arith.constant 0 : i32
    %dma_start3A_26 = tpu.memref_slice %arg2[%dma_start3A_24, %dma_start3A_25] : memref<10000x128xf32, #tpu.memory_space<hbm>> -> memref<10000x128xf32, #tpu.memory_space<hbm>>
    tpu.enqueue_indirect_dma source(%dma_start3A_26 : memref<10000x128xf32, #tpu.memory_space<hbm>>) target(%arg9 : memref<128x128xf32, #tpu.memory_space<vmem>>) offsets(%dma_start3A_23 : memref<128xi32, #tpu.memory_space<vmem>>) semaphore(%arg12 : memref<!tpu.dma_semaphore, #tpu.memory_space<semaphore_mem>>)
    %scan3A_27 = arith.constant 0 : i32
    %scan3A_28 = arith.constant 0 : i32
    %scan3A_29 = arith.constant 20 : i32
    %scan3A_30 = arith.addi %scan3A_28, %scan3A_29 : i32
    %scan3A_31 = arith.constant 1 : i32
    scf.for %scan3A_41 = %scan3A_28 to %scan3A_30 step %scan3A_31  : i32 {
      %mul3A_42 = arith.constant 2 : i32
      %mul3A_43 = arith.muli %mul3A_42, %scan3A_41 : i32
      %add3A_44 = arith.constant 1 : i32
      %add3A_45 = arith.addi %mul3A_43, %add3A_44 : i32
      %dma_start3A_46 = arith.constant 0 : i32
      %dma_start3A_47 = tpu.memref_slice %arg7[%add3A_45, %dma_start3A_46] : memref<48x128xi32, #tpu.memory_space<vmem>> -> memref<1x128xi32, #tpu.memory_space<vmem>>
      %dma_start3A_48 = tpu.memref_squeeze %dma_start3A_47 : memref<1x128xi32, #tpu.memory_space<vmem>> -> memref<128xi32, #tpu.memory_space<vmem>>
      %dma_start3A_49 = arith.constant 0 : i32
      %dma_start3A_50 = arith.constant 0 : i32
      %dma_start3A_51 = tpu.memref_slice %arg2[%dma_start3A_49, %dma_start3A_50] : memref<10000x128xf32, #tpu.memory_space<hbm>> -> memref<10000x128xf32, #tpu.memory_space<hbm>>
      tpu.enqueue_indirect_dma source(%dma_start3A_51 : memref<10000x128xf32, #tpu.memory_space<hbm>>) target(%arg10 : memref<128x128xf32, #tpu.memory_space<vmem>>) offsets(%dma_start3A_48 : memref<128xi32, #tpu.memory_space<vmem>>) semaphore(%arg13 : memref<!tpu.dma_semaphore, #tpu.memory_space<semaphore_mem>>)
      %dma_wait3A_52 = arith.constant 0 : i32
      %dma_wait3A_53 = tpu.memref_slice %arg7[%mul3A_43, %dma_wait3A_52] : memref<48x128xi32, #tpu.memory_space<vmem>> -> memref<1x128xi32, #tpu.memory_space<vmem>>
      %dma_wait3A_54 = tpu.memref_squeeze %dma_wait3A_53 : memref<1x128xi32, #tpu.memory_space<vmem>> -> memref<128xi32, #tpu.memory_space<vmem>>
      %dma_wait3A_55 = arith.constant 0 : i32
      %dma_wait3A_56 = arith.constant 0 : i32
      %dma_wait3A_57 = tpu.memref_slice %arg2[%dma_wait3A_55, %dma_wait3A_56] : memref<10000x128xf32, #tpu.memory_space<hbm>> -> memref<10000x128xf32, #tpu.memory_space<hbm>>
      tpu.wait_indirect_dma semaphore(%arg12 : memref<!tpu.dma_semaphore, #tpu.memory_space<semaphore_mem>>) src(%dma_wait3A_57 : memref<10000x128xf32, #tpu.memory_space<hbm>>) dst(%arg9 : memref<128x128xf32, #tpu.memory_space<vmem>>)
      "tpu.region"() ({
        %run_scoped3A = tpu.sem_alloc : memref<!tpu.dma_semaphore, #tpu.memory_space<semaphore_mem>>
        %dma_start3A_76 = arith.constant 0 : i32
        %dma_start3A_77 = tpu.memref_slice %arg8[%mul3A_43, %dma_start3A_76] : memref<40x128xi32, #tpu.memory_space<vmem>> -> memref<1x128xi32, #tpu.memory_space<vmem>>
        %dma_start3A_78 = tpu.memref_squeeze %dma_start3A_77 : memref<1x128xi32, #tpu.memory_space<vmem>> -> memref<128xi32, #tpu.memory_space<vmem>>
        %dma_start3A_79 = arith.constant 0 : i32
        %dma_start3A_80 = arith.constant 0 : i32
        %dma_start3A_81 = tpu.memref_slice %arg11[%dma_start3A_79, %dma_start3A_80] : memref<10112x128xf32, #tpu.memory_space<vmem_shared>> -> memref<10112x128xf32, #tpu.memory_space<vmem_shared>>
        tpu.enqueue_indirect_dma source(%arg9 : memref<128x128xf32, #tpu.memory_space<vmem>>) target(%dma_start3A_81 : memref<10112x128xf32, #tpu.memory_space<vmem_shared>>) offsets(%dma_start3A_78 : memref<128xi32, #tpu.memory_space<vmem>>) semaphore(%run_scoped3A : memref<!tpu.dma_semaphore, #tpu.memory_space<semaphore_mem>>) {add = true}
        %dma_wait3A_82 = arith.constant 0 : i32
        %dma_wait3A_83 = tpu.memref_slice %arg8[%mul3A_43, %dma_wait3A_82] : memref<40x128xi32, #tpu.memory_space<vmem>> -> memref<1x128xi32, #tpu.memory_space<vmem>>
        %dma_wait3A_84 = tpu.memref_squeeze %dma_wait3A_83 : memref<1x128xi32, #tpu.memory_space<vmem>> -> memref<128xi32, #tpu.memory_space<vmem>>
        %dma_wait3A_85 = arith.constant 0 : i32
        %dma_wait3A_86 = arith.constant 0 : i32
        %dma_wait3A_87 = tpu.memref_slice %arg11[%dma_wait3A_85, %dma_wait3A_86] : memref<10112x128xf32, #tpu.memory_space<vmem_shared>> -> memref<10112x128xf32, #tpu.memory_space<vmem_shared>>
        tpu.wait_indirect_dma semaphore(%run_scoped3A : memref<!tpu.dma_semaphore, #tpu.memory_space<semaphore_mem>>) src(%arg9 : memref<128x128xf32, #tpu.memory_space<vmem>>) dst(%dma_wait3A_87 : memref<10112x128xf32, #tpu.memory_space<vmem_shared>>)
        tpu.yield
      }) : () -> ()
      %add3A_58 = arith.constant 2 : i32
      %add3A_59 = arith.addi %mul3A_43, %add3A_58 : i32
      %dma_start3A_60 = arith.constant 0 : i32
      %dma_start3A_61 = tpu.memref_slice %arg7[%add3A_59, %dma_start3A_60] : memref<48x128xi32, #tpu.memory_space<vmem>> -> memref<1x128xi32, #tpu.memory_space<vmem>>
      %dma_start3A_62 = tpu.memref_squeeze %dma_start3A_61 : memref<1x128xi32, #tpu.memory_space<vmem>> -> memref<128xi32, #tpu.memory_space<vmem>>
      %dma_start3A_63 = arith.constant 0 : i32
      %dma_start3A_64 = arith.constant 0 : i32
      %dma_start3A_65 = tpu.memref_slice %arg2[%dma_start3A_63, %dma_start3A_64] : memref<10000x128xf32, #tpu.memory_space<hbm>> -> memref<10000x128xf32, #tpu.memory_space<hbm>>
      tpu.enqueue_indirect_dma source(%dma_start3A_65 : memref<10000x128xf32, #tpu.memory_space<hbm>>) target(%arg9 : memref<128x128xf32, #tpu.memory_space<vmem>>) offsets(%dma_start3A_62 : memref<128xi32, #tpu.memory_space<vmem>>) semaphore(%arg12 : memref<!tpu.dma_semaphore, #tpu.memory_space<semaphore_mem>>)
      %add3A_66 = arith.constant 1 : i32
      %add3A_67 = arith.addi %mul3A_43, %add3A_66 : i32
      %dma_wait3A_68 = arith.constant 0 : i32
      %dma_wait3A_69 = tpu.memref_slice %arg7[%add3A_67, %dma_wait3A_68] : memref<48x128xi32, #tpu.memory_space<vmem>> -> memref<1x128xi32, #tpu.memory_space<vmem>>
      %dma_wait3A_70 = tpu.memref_squeeze %dma_wait3A_69 : memref<1x128xi32, #tpu.memory_space<vmem>> -> memref<128xi32, #tpu.memory_space<vmem>>
      %dma_wait3A_71 = arith.constant 0 : i32
      %dma_wait3A_72 = arith.constant 0 : i32
      %dma_wait3A_73 = tpu.memref_slice %arg2[%dma_wait3A_71, %dma_wait3A_72] : memref<10000x128xf32, #tpu.memory_space<hbm>> -> memref<10000x128xf32, #tpu.memory_space<hbm>>
      tpu.wait_indirect_dma semaphore(%arg13 : memref<!tpu.dma_semaphore, #tpu.memory_space<semaphore_mem>>) src(%dma_wait3A_73 : memref<10000x128xf32, #tpu.memory_space<hbm>>) dst(%arg10 : memref<128x128xf32, #tpu.memory_space<vmem>>)
      %add3A_74 = arith.constant 1 : i32
      %add3A_75 = arith.addi %mul3A_43, %add3A_74 : i32
      "tpu.region"() ({
        %run_scoped3A = tpu.sem_alloc : memref<!tpu.dma_semaphore, #tpu.memory_space<semaphore_mem>>
        %dma_start3A_76 = arith.constant 0 : i32
        %dma_start3A_77 = tpu.memref_slice %arg8[%add3A_75, %dma_start3A_76] : memref<40x128xi32, #tpu.memory_space<vmem>> -> memref<1x128xi32, #tpu.memory_space<vmem>>
        %dma_start3A_78 = tpu.memref_squeeze %dma_start3A_77 : memref<1x128xi32, #tpu.memory_space<vmem>> -> memref<128xi32, #tpu.memory_space<vmem>>
        %dma_start3A_79 = arith.constant 0 : i32
        %dma_start3A_80 = arith.constant 0 : i32
        %dma_start3A_81 = tpu.memref_slice %arg11[%dma_start3A_79, %dma_start3A_80] : memref<10112x128xf32, #tpu.memory_space<vmem_shared>> -> memref<10112x128xf32, #tpu.memory_space<vmem_shared>>
        tpu.enqueue_indirect_dma source(%arg10 : memref<128x128xf32, #tpu.memory_space<vmem>>) target(%dma_start3A_81 : memref<10112x128xf32, #tpu.memory_space<vmem_shared>>) offsets(%dma_start3A_78 : memref<128xi32, #tpu.memory_space<vmem>>) semaphore(%run_scoped3A : memref<!tpu.dma_semaphore, #tpu.memory_space<semaphore_mem>>) {add = true}
        %dma_wait3A_82 = arith.constant 0 : i32
        %dma_wait3A_83 = tpu.memref_slice %arg8[%add3A_75, %dma_wait3A_82] : memref<40x128xi32, #tpu.memory_space<vmem>> -> memref<1x128xi32, #tpu.memory_space<vmem>>
        %dma_wait3A_84 = tpu.memref_squeeze %dma_wait3A_83 : memref<1x128xi32, #tpu.memory_space<vmem>> -> memref<128xi32, #tpu.memory_space<vmem>>
        %dma_wait3A_85 = arith.constant 0 : i32
        %dma_wait3A_86 = arith.constant 0 : i32
        %dma_wait3A_87 = tpu.memref_slice %arg11[%dma_wait3A_85, %dma_wait3A_86] : memref<10112x128xf32, #tpu.memory_space<vmem_shared>> -> memref<10112x128xf32, #tpu.memory_space<vmem_shared>>
        tpu.wait_indirect_dma semaphore(%run_scoped3A : memref<!tpu.dma_semaphore, #tpu.memory_space<semaphore_mem>>) src(%arg10 : memref<128x128xf32, #tpu.memory_space<vmem>>) dst(%dma_wait3A_87 : memref<10112x128xf32, #tpu.memory_space<vmem_shared>>)
        tpu.yield
      }) : () -> ()
    }
    %scan3A_32 = arith.constant 20 : i32
    %dma_wait3A_33 = arith.constant 40 : i32
    %dma_wait3A_34 = arith.constant 0 : i32
    %dma_wait3A_35 = tpu.memref_slice %arg7[%dma_wait3A_33, %dma_wait3A_34] : memref<48x128xi32, #tpu.memory_space<vmem>> -> memref<1x128xi32, #tpu.memory_space<vmem>>
    %dma_wait3A_36 = tpu.memref_squeeze %dma_wait3A_35 : memref<1x128xi32, #tpu.memory_space<vmem>> -> memref<128xi32, #tpu.memory_space<vmem>>
    %dma_wait3A_37 = arith.constant 0 : i32
    %dma_wait3A_38 = arith.constant 0 : i32
    %dma_wait3A_39 = tpu.memref_slice %arg2[%dma_wait3A_37, %dma_wait3A_38] : memref<10000x128xf32, #tpu.memory_space<hbm>> -> memref<10000x128xf32, #tpu.memory_space<hbm>>
    tpu.wait_indirect_dma semaphore(%arg12 : memref<!tpu.dma_semaphore, #tpu.memory_space<semaphore_mem>>) src(%dma_wait3A_39 : memref<10000x128xf32, #tpu.memory_space<hbm>>) dst(%arg9 : memref<128x128xf32, #tpu.memory_space<vmem>>)
    %barrier3A_40 = arith.constant 0 : index
    tpu.barrier barrier_id(%barrier3A_40)
    "tpu.region"() ({
      %run_scoped3A = tpu.sem_alloc : memref<!tpu.dma_semaphore, #tpu.memory_space<semaphore_mem>>
      %dma_start3A_41 = arith.constant 0 : i32
      %dma_start3A_42 = tpu.memref_slice %arg6[%arg0, %mul3A_2, %dma_start3A_41] : memref<2x10112x128xf32, #tpu.memory_space<hbm>> -> memref<1x632x128xf32, #tpu.memory_space<hbm>>
      %dma_start3A_43 = tpu.memref_squeeze %dma_start3A_42 : memref<1x632x128xf32, #tpu.memory_space<hbm>> -> memref<632x128xf32, #tpu.memory_space<hbm>>
      %dma_start3A_44 = arith.constant 0 : i32
      %dma_start3A_45 = tpu.memref_slice %arg11[%mul3A_2, %dma_start3A_44] : memref<10112x128xf32, #tpu.memory_space<vmem_shared>> -> memref<632x128xf32, #tpu.memory_space<vmem_shared>>
      tpu.enqueue_dma source(%dma_start3A_45 : memref<632x128xf32, #tpu.memory_space<vmem_shared>>) target(%dma_start3A_43 : memref<632x128xf32, #tpu.memory_space<hbm>>) target_semaphore(%run_scoped3A : memref<!tpu.dma_semaphore, #tpu.memory_space<semaphore_mem>>)
      %dma_wait3A_46 = arith.constant 0 : i32
      %dma_wait3A_47 = tpu.memref_slice %arg6[%arg0, %mul3A_2, %dma_wait3A_46] : memref<2x10112x128xf32, #tpu.memory_space<hbm>> -> memref<1x632x128xf32, #tpu.memory_space<hbm>>
      %dma_wait3A_48 = tpu.memref_squeeze %dma_wait3A_47 : memref<1x632x128xf32, #tpu.memory_space<hbm>> -> memref<632x128xf32, #tpu.memory_space<hbm>>
      %dma_wait3A_49 = arith.constant 0 : i32
      %dma_wait3A_50 = tpu.memref_slice %arg11[%mul3A_2, %dma_wait3A_49] : memref<10112x128xf32, #tpu.memory_space<vmem_shared>> -> memref<632x128xf32, #tpu.memory_space<vmem_shared>>
      tpu.wait_dma2 semaphore(%run_scoped3A : memref<!tpu.dma_semaphore, #tpu.memory_space<semaphore_mem>>) src(%dma_wait3A_50 : memref<632x128xf32, #tpu.memory_space<vmem_shared>>) dst(%dma_wait3A_48 : memref<632x128xf32, #tpu.memory_space<hbm>>)
      tpu.yield
    }) : () -> ()
    return
  }
}

module attributes {stable_mosaic.version = 14 : i64} {
  func.func @_tc_mm_body(%arg0: i32, %arg1: memref<2000x128xf32, #tpu.memory_space<vmem>>, %arg2: memref<128x128xf32, #tpu.memory_space<vmem>>, %arg3: memref<2000x128xf32, #tpu.memory_space<vmem>>) attributes {dimension_semantics = [#tpu.dimension_semantics<arbitrary>], iteration_bounds = array<i64: 5>, scalar_prefetch = 0 : i64, scratch_operands = 0 : i64, tpu.core_type = #tpu.core_type<tc>, window_params = [{transform_indices = @transform_0, window_bounds = array<i64: 2000, 128>}, {pipeline_mode = #tpu.pipeline_mode<synchronous>, transform_indices = @transform_1, window_bounds = array<i64: 128, 128>}, {transform_indices = @transform_2, window_bounds = array<i64: 2000, 128>}]} {
    %get3A = arith.constant 0 : index
    %get3A_0 = arith.constant 0 : index
    %get3A_1 = vector.load %arg1[%get3A, %get3A_0] : memref<2000x128xf32, #tpu.memory_space<vmem>>, vector<2000x128xf32>
    %get3A_2 = arith.constant 0 : index
    %get3A_3 = arith.constant 0 : index
    %get3A_4 = vector.load %arg2[%get3A_2, %get3A_3] : memref<128x128xf32, #tpu.memory_space<vmem>>, vector<128x128xf32>
    %dot_general3A = arith.constant dense<0.000000e+00> : vector<2000x128xf32>
    %dot_general3A_5 = tpu.matmul %get3A_1, %get3A_4, %dot_general3A {dimension_numbers = #tpu.dot_dimension_numbers<[1], [0], [0], [1], [0, 0, 1, 1], [], []>, transpose_lhs_hint = false} : vector<2000x128xf32>, vector<128x128xf32>, vector<2000x128xf32> -> vector<2000x128xf32>
    %swap3A = arith.constant 0 : index
    %swap3A_6 = arith.constant 0 : index
    %swap3A_7 = vector.load %arg3[%swap3A, %swap3A_6] : memref<2000x128xf32, #tpu.memory_space<vmem>>, vector<2000x128xf32>
    tpu.vector_store %arg3[%swap3A, %swap3A_6], %dot_general3A_5 {strides = array<i32>} : memref<2000x128xf32, #tpu.memory_space<vmem>>, vector<2000x128xf32>,
    return
  }
  func.func @transform_0(%arg0: i32) -> (i32, i32) {
    %c0_i32 = arith.constant 0 : i32
    %c0_i32_0 = arith.constant 0 : i32
    return %arg0, %c0_i32 : i32, i32
  }
  func.func @transform_1(%arg0: i32) -> (i32, i32) {
    %c0_i32 = arith.constant 0 : i32
    %c0_i32_0 = arith.constant 0 : i32
    %c0_i32_1 = arith.constant 0 : i32
    return %c0_i32, %c0_i32_0 : i32, i32
  }
  func.func @transform_2(%arg0: i32) -> (i32, i32) {
    %c0_i32 = arith.constant 0 : i32
    %c0_i32_0 = arith.constant 0 : i32
    return %arg0, %c0_i32 : i32, i32
  }
}

module attributes {stable_mosaic.version = 14 : i64} {
  func.func @_tc_scale_body(%arg0: i32, %arg1: memref<2000x128xf32, #tpu.memory_space<vmem>>, %arg2: memref<2x2000x128xf32, #tpu.memory_space<vmem>>, %arg3: memref<2000x128xf32, #tpu.memory_space<vmem>>, %arg4: memref<2000x8xf32, #tpu.memory_space<vmem>>) attributes {dimension_semantics = [#tpu.dimension_semantics<arbitrary>], iteration_bounds = array<i64: 5>, scalar_prefetch = 0 : i64, scratch_operands = 0 : i64, tpu.core_type = #tpu.core_type<tc>, window_params = [{transform_indices = @transform_0, window_bounds = array<i64: 2000, 128>}, {transform_indices = @transform_1, window_bounds = array<i64: 2, 2000, 128>}, {transform_indices = @transform_2, window_bounds = array<i64: 2000, 128>}, {transform_indices = @transform_3, window_bounds = array<i64: 2000, 8>}]} {
    %get3A = arith.constant 0 : index
    %get3A_0 = arith.constant 0 : index
    %get3A_1 = arith.constant 0 : index
    %get3A_2 = vector.load %arg2[%get3A, %get3A_0, %get3A_1] : memref<2x2000x128xf32, #tpu.memory_space<vmem>>, vector<1x2000x1xf32>
    %get3A_3 = vector.shape_cast %get3A_2 : vector<1x2000x1xf32> to vector<2000x1xf32>
    %get3A_4 = arith.constant 1 : index
    %get3A_5 = arith.constant 0 : index
    %get3A_6 = arith.constant 0 : index
    %get3A_7 = vector.load %arg2[%get3A_4, %get3A_5, %get3A_6] : memref<2x2000x128xf32, #tpu.memory_space<vmem>>, vector<1x2000x1xf32>
    %get3A_8 = vector.shape_cast %get3A_7 : vector<1x2000x1xf32> to vector<2000x1xf32>
    %add3A = arith.addf %get3A_3, %get3A_8 : vector<2000x1xf32>
    %add3A_9 = arith.constant 1.000000e+00 : f32
    %add3A_10 = vector.broadcast %add3A_9 : f32 to vector<2000x1xf32>
    %add3A_11 = arith.addf %add3A, %add3A_10 : vector<2000x1xf32>
    %rsqrt3A = math.rsqrt %add3A_11 : vector<2000x1xf32>
    %get3A_12 = arith.constant 0 : index
    %get3A_13 = arith.constant 0 : index
    %get3A_14 = vector.load %arg1[%get3A_12, %get3A_13] : memref<2000x128xf32, #tpu.memory_space<vmem>>, vector<2000x128xf32>
    %mul3A = vector.broadcast %rsqrt3A : vector<2000x1xf32> to vector<2000x128xf32>
    %mul3A_15 = arith.mulf %mul3A, %get3A_14 : vector<2000x128xf32>
    %swap3A = arith.constant 0 : index
    %swap3A_16 = arith.constant 0 : index
    %swap3A_17 = vector.load %arg3[%swap3A, %swap3A_16] : memref<2000x128xf32, #tpu.memory_space<vmem>>, vector<2000x128xf32>
    tpu.vector_store %arg3[%swap3A, %swap3A_16], %mul3A_15 {strides = array<i32>} : memref<2000x128xf32, #tpu.memory_space<vmem>>, vector<2000x128xf32>,
    %broadcast_in_dim3A = vector.shape_cast %rsqrt3A : vector<2000x1xf32> to vector<2000x1xf32>
    %broadcast_in_dim3A_18 = vector.broadcast %broadcast_in_dim3A : vector<2000x1xf32> to vector<2000x8xf32>
    %swap3A_19 = arith.constant 0 : index
    %swap3A_20 = arith.constant 0 : index
    %swap3A_21 = vector.load %arg4[%swap3A_19, %swap3A_20] : memref<2000x8xf32, #tpu.memory_space<vmem>>, vector<2000x8xf32>
    tpu.vector_store %arg4[%swap3A_19, %swap3A_20], %broadcast_in_dim3A_18 {strides = array<i32>} : memref<2000x8xf32, #tpu.memory_space<vmem>>, vector<2000x8xf32>,
    return
  }
  func.func @transform_0(%arg0: i32) -> (i32, i32) {
    %c0_i32 = arith.constant 0 : i32
    %c0_i32_0 = arith.constant 0 : i32
    return %arg0, %c0_i32 : i32, i32
  }
  func.func @transform_1(%arg0: i32) -> (i32, i32, i32) {
    %c0_i32 = arith.constant 0 : i32
    %c0_i32_0 = arith.constant 0 : i32
    %c0_i32_1 = arith.constant 0 : i32
    return %c0_i32, %arg0, %c0_i32_0 : i32, i32, i32
  }
  func.func @transform_2(%arg0: i32) -> (i32, i32) {
    %c0_i32 = arith.constant 0 : i32
    %c0_i32_0 = arith.constant 0 : i32
    return %arg0, %c0_i32 : i32, i32
  }
  func.func @transform_3(%arg0: i32) -> (i32, i32) {
    %c0_i32 = arith.constant 0 : i32
    %c0_i32_0 = arith.constant 0 : i32
    return %arg0, %c0_i32 : i32, i32
  }
}

module attributes {stable_mosaic.version = 14 : i64} {
  func.func @_tc_mid_body(%arg0: i32, %arg1: memref<2x2000x128xf32, #tpu.memory_space<vmem>>, %arg2: memref<2000x128xf32, #tpu.memory_space<vmem>>, %arg3: memref<2000x8xf32, #tpu.memory_space<vmem>>, %arg4: memref<1x128xf32, #tpu.memory_space<vmem>>, %arg5: memref<1x128xf32, #tpu.memory_space<vmem>>, %arg6: memref<1x128xf32, #tpu.memory_space<vmem>>, %arg7: memref<128x128xf32, #tpu.memory_space<vmem>>, %arg8: memref<2000x128xf32, #tpu.memory_space<vmem>>) attributes {dimension_semantics = [#tpu.dimension_semantics<arbitrary>], iteration_bounds = array<i64: 5>, scalar_prefetch = 0 : i64, scratch_operands = 0 : i64, tpu.core_type = #tpu.core_type<tc>, window_params = [{transform_indices = @transform_0, window_bounds = array<i64: 2, 2000, 128>}, {transform_indices = @transform_1, window_bounds = array<i64: 2000, 128>}, {transform_indices = @transform_2, window_bounds = array<i64: 2000, 8>}, {pipeline_mode = #tpu.pipeline_mode<synchronous>, transform_indices = @transform_3, window_bounds = array<i64: 1, 128>}, {pipeline_mode = #tpu.pipeline_mode<synchronous>, transform_indices = @transform_4, window_bounds = array<i64: 1, 128>}, {pipeline_mode = #tpu.pipeline_mode<synchronous>, transform_indices = @transform_5, window_bounds = array<i64: 1, 128>}, {pipeline_mode = #tpu.pipeline_mode<synchronous>, transform_indices = @transform_6, window_bounds = array<i64: 128, 128>}, {transform_indices = @transform_7, window_bounds = array<i64: 2000, 128>}]} {
    %get3A = arith.constant 0 : index
    %get3A_0 = arith.constant 0 : index
    %get3A_1 = vector.load %arg3[%get3A, %get3A_0] : memref<2000x8xf32, #tpu.memory_space<vmem>>, vector<2000x1xf32>
    %get3A_2 = arith.constant 0 : index
    %get3A_3 = arith.constant 0 : index
    %get3A_4 = arith.constant 0 : index
    %get3A_5 = vector.load %arg1[%get3A_2, %get3A_3, %get3A_4] : memref<2x2000x128xf32, #tpu.memory_space<vmem>>, vector<1x2000x128xf32>
    %get3A_6 = vector.shape_cast %get3A_5 : vector<1x2000x128xf32> to vector<2000x128xf32>
    %get3A_7 = arith.constant 1 : index
    %get3A_8 = arith.constant 0 : index
    %get3A_9 = arith.constant 0 : index
    %get3A_10 = vector.load %arg1[%get3A_7, %get3A_8, %get3A_9] : memref<2x2000x128xf32, #tpu.memory_space<vmem>>, vector<1x2000x128xf32>
    %get3A_11 = vector.shape_cast %get3A_10 : vector<1x2000x128xf32> to vector<2000x128xf32>
    %add3A = arith.addf %get3A_6, %get3A_11 : vector<2000x128xf32>
    %get3A_12 = arith.constant 0 : index
    %get3A_13 = arith.constant 0 : index
    %get3A_14 = vector.load %arg2[%get3A_12, %get3A_13] : memref<2000x128xf32, #tpu.memory_space<vmem>>, vector<2000x128xf32>
    %add3A_15 = arith.addf %add3A, %get3A_14 : vector<2000x128xf32>
    %mul3A = vector.broadcast %get3A_1 : vector<2000x1xf32> to vector<2000x128xf32>
    %mul3A_16 = arith.mulf %mul3A, %add3A_15 : vector<2000x128xf32>
    %get3A_17 = arith.constant 0 : index
    %get3A_18 = arith.constant 0 : index
    %get3A_19 = vector.load %arg4[%get3A_17, %get3A_18] : memref<1x128xf32, #tpu.memory_space<vmem>>, vector<1x128xf32>
    %add3A_20 = vector.broadcast %get3A_19 : vector<1x128xf32> to vector<2000x128xf32>
    %add3A_21 = arith.addf %mul3A_16, %add3A_20 : vector<2000x128xf32>
    %get3A_22 = arith.constant 0 : index
    %get3A_23 = arith.constant 0 : index
    %get3A_24 = vector.load %arg5[%get3A_22, %get3A_23] : memref<1x128xf32, #tpu.memory_space<vmem>>, vector<1x128xf32>
    %mul3A_25 = arith.constant 0.999994993 : f32
    %mul3A_26 = vector.broadcast %mul3A_25 : f32 to vector<2000x128xf32>
    %mul3A_27 = arith.mulf %add3A_21, %mul3A_26 : vector<2000x128xf32>
    %mul3A_28 = vector.broadcast %get3A_24 : vector<1x128xf32> to vector<2000x128xf32>
    %mul3A_29 = arith.mulf %mul3A_28, %mul3A_27 : vector<2000x128xf32>
    %get3A_30 = arith.constant 0 : index
    %get3A_31 = arith.constant 0 : index
    %get3A_32 = vector.load %arg6[%get3A_30, %get3A_31] : memref<1x128xf32, #tpu.memory_space<vmem>>, vector<1x128xf32>
    %add3A_33 = vector.broadcast %get3A_32 : vector<1x128xf32> to vector<2000x128xf32>
    %add3A_34 = arith.addf %mul3A_29, %add3A_33 : vector<2000x128xf32>
    %logistic3A = arith.negf %add3A_34 : vector<2000x128xf32>
    %logistic3A_35 = math.exp %logistic3A : vector<2000x128xf32>
    %logistic3A_36 = arith.constant 1.000000e+00 : f32
    %logistic3A_37 = vector.broadcast %logistic3A_36 : f32 to vector<2000x128xf32>
    %logistic3A_38 = arith.addf %logistic3A_37, %logistic3A_35 : vector<2000x128xf32>
    %logistic3A_39 = arith.divf %logistic3A_37, %logistic3A_38 : vector<2000x128xf32>
    %mul3A_40 = arith.mulf %add3A_34, %logistic3A_39 : vector<2000x128xf32>
    %get3A_41 = arith.constant 0 : index
    %get3A_42 = arith.constant 0 : index
    %get3A_43 = vector.load %arg7[%get3A_41, %get3A_42] : memref<128x128xf32, #tpu.memory_space<vmem>>, vector<128x128xf32>
    %dot_general3A = arith.constant dense<0.000000e+00> : vector<2000x128xf32>
    %dot_general3A_44 = tpu.matmul %mul3A_40, %get3A_43, %dot_general3A {dimension_numbers = #tpu.dot_dimension_numbers<[1], [0], [0], [1], [0, 0, 1, 1], [], []>, transpose_lhs_hint = false} : vector<2000x128xf32>, vector<128x128xf32>, vector<2000x128xf32> -> vector<2000x128xf32>
    %mul3A_45 = vector.broadcast %get3A_1 : vector<2000x1xf32> to vector<2000x128xf32>
    %mul3A_46 = arith.mulf %mul3A_45, %dot_general3A_44 : vector<2000x128xf32>
    %swap3A = arith.constant 0 : index
    %swap3A_47 = arith.constant 0 : index
    %swap3A_48 = vector.load %arg8[%swap3A, %swap3A_47] : memref<2000x128xf32, #tpu.memory_space<vmem>>, vector<2000x128xf32>
    tpu.vector_store %arg8[%swap3A, %swap3A_47], %mul3A_46 {strides = array<i32>} : memref<2000x128xf32, #tpu.memory_space<vmem>>, vector<2000x128xf32>,
    return
  }
  func.func @transform_0(%arg0: i32) -> (i32, i32, i32) {
    %c0_i32 = arith.constant 0 : i32
    %c0_i32_0 = arith.constant 0 : i32
    %c0_i32_1 = arith.constant 0 : i32
    return %c0_i32, %arg0, %c0_i32_0 : i32, i32, i32
  }
  func.func @transform_1(%arg0: i32) -> (i32, i32) {
    %c0_i32 = arith.constant 0 : i32
    %c0_i32_0 = arith.constant 0 : i32
    return %arg0, %c0_i32 : i32, i32
  }
  func.func @transform_2(%arg0: i32) -> (i32, i32) {
    %c0_i32 = arith.constant 0 : i32
    %c0_i32_0 = arith.constant 0 : i32
    return %arg0, %c0_i32 : i32, i32
  }
  func.func @transform_3(%arg0: i32) -> (i32, i32) {
    %c0_i32 = arith.constant 0 : i32
    %c0_i32_0 = arith.constant 0 : i32
    %c0_i32_1 = arith.constant 0 : i32
    return %c0_i32, %c0_i32_0 : i32, i32
  }
  func.func @transform_4(%arg0: i32) -> (i32, i32) {
    %c0_i32 = arith.constant 0 : i32
    %c0_i32_0 = arith.constant 0 : i32
    %c0_i32_1 = arith.constant 0 : i32
    return %c0_i32, %c0_i32_0 : i32, i32
  }
  func.func @transform_5(%arg0: i32) -> (i32, i32) {
    %c0_i32 = arith.constant 0 : i32
    %c0_i32_0 = arith.constant 0 : i32
    %c0_i32_1 = arith.constant 0 : i32
    return %c0_i32, %c0_i32_0 : i32, i32
  }
  func.func @transform_6(%arg0: i32) -> (i32, i32) {
    %c0_i32 = arith.constant 0 : i32
    %c0_i32_0 = arith.constant 0 : i32
    %c0_i32_1 = arith.constant 0 : i32
    return %c0_i32, %c0_i32_0 : i32, i32
  }
  func.func @transform_7(%arg0: i32) -> (i32, i32) {
    %c0_i32 = arith.constant 0 : i32
    %c0_i32_0 = arith.constant 0 : i32
    return %arg0, %c0_i32 : i32, i32
  }
}

module attributes {stable_mosaic.version = 14 : i64} {
  func.func @_tc_fin_body(%arg0: i32, %arg1: memref<2x2000x128xf32, #tpu.memory_space<vmem>>, %arg2: memref<2000x128xf32, #tpu.memory_space<vmem>>, %arg3: memref<2000x8xf32, #tpu.memory_space<vmem>>, %arg4: memref<1x128xf32, #tpu.memory_space<vmem>>, %arg5: memref<2000x128xf32, #tpu.memory_space<vmem>>) attributes {dimension_semantics = [#tpu.dimension_semantics<arbitrary>], iteration_bounds = array<i64: 5>, scalar_prefetch = 0 : i64, scratch_operands = 0 : i64, tpu.core_type = #tpu.core_type<tc>, window_params = [{transform_indices = @transform_0, window_bounds = array<i64: 2, 2000, 128>}, {transform_indices = @transform_1, window_bounds = array<i64: 2000, 128>}, {transform_indices = @transform_2, window_bounds = array<i64: 2000, 8>}, {pipeline_mode = #tpu.pipeline_mode<synchronous>, transform_indices = @transform_3, window_bounds = array<i64: 1, 128>}, {transform_indices = @transform_4, window_bounds = array<i64: 2000, 128>}]} {
    %get3A = arith.constant 0 : index
    %get3A_0 = arith.constant 0 : index
    %get3A_1 = vector.load %arg3[%get3A, %get3A_0] : memref<2000x8xf32, #tpu.memory_space<vmem>>, vector<2000x1xf32>
    %get3A_2 = arith.constant 0 : index
    %get3A_3 = arith.constant 0 : index
    %get3A_4 = arith.constant 0 : index
    %get3A_5 = vector.load %arg1[%get3A_2, %get3A_3, %get3A_4] : memref<2x2000x128xf32, #tpu.memory_space<vmem>>, vector<1x2000x128xf32>
    %get3A_6 = vector.shape_cast %get3A_5 : vector<1x2000x128xf32> to vector<2000x128xf32>
    %get3A_7 = arith.constant 1 : index
    %get3A_8 = arith.constant 0 : index
    %get3A_9 = arith.constant 0 : index
    %get3A_10 = vector.load %arg1[%get3A_7, %get3A_8, %get3A_9] : memref<2x2000x128xf32, #tpu.memory_space<vmem>>, vector<1x2000x128xf32>
    %get3A_11 = vector.shape_cast %get3A_10 : vector<1x2000x128xf32> to vector<2000x128xf32>
    %add3A = arith.addf %get3A_6, %get3A_11 : vector<2000x128xf32>
    %get3A_12 = arith.constant 0 : index
    %get3A_13 = arith.constant 0 : index
    %get3A_14 = vector.load %arg2[%get3A_12, %get3A_13] : memref<2000x128xf32, #tpu.memory_space<vmem>>, vector<2000x128xf32>
    %add3A_15 = arith.addf %add3A, %get3A_14 : vector<2000x128xf32>
    %mul3A = vector.broadcast %get3A_1 : vector<2000x1xf32> to vector<2000x128xf32>
    %mul3A_16 = arith.mulf %mul3A, %add3A_15 : vector<2000x128xf32>
    %get3A_17 = arith.constant 0 : index
    %get3A_18 = arith.constant 0 : index
    %get3A_19 = vector.load %arg4[%get3A_17, %get3A_18] : memref<1x128xf32, #tpu.memory_space<vmem>>, vector<1x128xf32>
    %add3A_20 = vector.broadcast %get3A_19 : vector<1x128xf32> to vector<2000x128xf32>
    %add3A_21 = arith.addf %mul3A_16, %add3A_20 : vector<2000x128xf32>
    %swap3A = arith.constant 0 : index
    %swap3A_22 = arith.constant 0 : index
    %swap3A_23 = vector.load %arg5[%swap3A, %swap3A_22] : memref<2000x128xf32, #tpu.memory_space<vmem>>, vector<2000x128xf32>
    tpu.vector_store %arg5[%swap3A, %swap3A_22], %add3A_21 {strides = array<i32>} : memref<2000x128xf32, #tpu.memory_space<vmem>>, vector<2000x128xf32>,
    return
  }
  func.func @transform_0(%arg0: i32) -> (i32, i32, i32) {
    %c0_i32 = arith.constant 0 : i32
    %c0_i32_0 = arith.constant 0 : i32
    %c0_i32_1 = arith.constant 0 : i32
    return %c0_i32, %arg0, %c0_i32_0 : i32, i32, i32
  }
  func.func @transform_1(%arg0: i32) -> (i32, i32) {
    %c0_i32 = arith.constant 0 : i32
    %c0_i32_0 = arith.constant 0 : i32
    return %arg0, %c0_i32 : i32, i32
  }
  func.func @transform_2(%arg0: i32) -> (i32, i32) {
    %c0_i32 = arith.constant 0 : i32
    %c0_i32_0 = arith.constant 0 : i32
    return %arg0, %c0_i32 : i32, i32
  }
  func.func @transform_3(%arg0: i32) -> (i32, i32) {
    %c0_i32 = arith.constant 0 : i32
    %c0_i32_0 = arith.constant 0 : i32
    %c0_i32_1 = arith.constant 0 : i32
    return %c0_i32, %c0_i32_0 : i32, i32
  }
  func.func @transform_4(%arg0: i32) -> (i32, i32) {
    %c0_i32 = arith.constant 0 : i32
    %c0_i32_0 = arith.constant 0 : i32
    return %arg0, %c0_i32 : i32, i32
  }
}

</mosaic_0001>

<sc_bundles>
// kernel: kernel.11.cloned.1.call-start
scs
__scs_entry_jumppad:
0x0: {  	(pc) =	sbr.rel $0x88, $3  }
0x1: {  	(tag) =	ssettag $0x0;
	lr =	simm.s32 $0x1  }
0x2: {  	[smem:$0x3F95] =	sst lr;
	_ =	strace $0xD0000000  }
0x3: {  	_ = 	snop  }
0x4: {  	_ = 	snop  }
0x5: {  	_ = 	snop  }
0x6: {  	_ = 	snop  }
0x7: {  	_ = 	snop  }
__scs_overlays_trampoline_lowered:
0x8: {  	[smem:$0x3FA4] =	sst s0  }
0x9: {  	[smem:$0x3FA5] =	sst s1  }
0xa: {  	[smem:$0x3FA6] =	sst s2  }
0xb: {  	[smem:$0x3FA7] =	sst s3  }
0xc: {  	[smem:$0x3FA8] =	sst s4  }
0xd: {  	[smem:$0x3FA9] =	sst s5  }
0xe: {  	[smem:$0x3FAA] =	sst s6  }
0xf: {  	[smem:$0x3FAB] =	sst s7  }
0x10: {  	[smem:$0x3FAC] =	sst s8  }
0x11: {  	[smem:$0x3FAD] =	sst s9;
	s0 =	simm.s32 @!p0 $0x0  }
0x12: {  	s1 =	sld [smem:$0x3F93];
	s0 =	simm.s32 @p0 $0x1  }
0x13: {  	[smem:$0x3FAE] =	sst s0;
	s0 =	simm.s32 @!p1 $0x0  }
0x14: {  	s2 =	sld [smem:$0x3F92];
	s0 =	simm.s32 @p1 $0x1  }
0x15: {  	[smem:$0x3FAF] =	sst s0;
	s0 =	simm.s32 @!p2 $0x0  }
0x16: {  	s3 =	sld [smem:$0x3FDB];
	s0 =	simm.s32 @p2 $0x1  }
0x17: {  	s4 =	simm.s32 $0x1BF5;
	[smem:$0x3FB1] =	sst s0  }
0x18: {  	s0 =	sld [smem:$0x3F94];
	_ =	swait.ge [sflag:s4], $0x0  }
0x19: {  	s7 =	sld [smem:$0x3F95]  }
0x1a: {  	s8 =	sadd.s32 $0xFFFFE003, lr  }
0x1b: {  	s9 =	sadd.s32 $0xFFFFFEF7, lr;
	s5 =	simm.s32 $0xFFFFFFFF;
	p2 =	slt.u32 s8, $0xFFFFF086  }
0x1c: {  	p1 =	slt.u32 s9, $0xF7A;
	s5 =	simm.s32 @!p2 $0x0  }
0x1d: {  	s5 =	simm.s32 @p1 $0x1;
	p0 =	seq.s32 s7, s2  }
0x1e: {  	s7 =	smul.u32 @!p0 $0xF7A, s2;
	p2 =	seq.s32 @!p0 s5, $0x0  }
0x1f: {  	s9 =	smul.u32 $0xF7A, s1;
	s8 =	simm.s32 @!p0 $0x1BF5;
	p2 =	por !p2, p0  }
0x20: {  	[sflag:s8] =	ssyncset.s32 @!p0 $0xFFFFF086;
	s6 =	sadd.s32 @!p0 s3, s7;
	s7 =	simm.s32 @!p0 $0x108  }
0x21: {  	s3 =	sadd.s32 s3, s9;
	s6 =	sadd.s32 @!p0 $0x88, s6;
	s7 =	simm.s32 @p2 $0x1082  }
0x22: {  	[simem:s7], [sflag:s8] =	dma.local @!p0 [hbm:s6], $0xF7A  }
0x23: {  	s9 =	sor.u32 $0xD0000000, s2;
	s6 =	simm.s32 $0x108;
	_ =	swait.ge @!p0 [sflag:s8], $0x0  }
0x24: {  	s3 =	sadd.s32 $0x88, s3;
	s6 =	simm.s32 @!p1 $0x1082;
	[sflag:s4] =	ssyncset.s32 $0xFFFFF086  }
0x25: {  	[simem:s6], [sflag:s4] =	dma.local [hbm:s3], $0xF7A  }
0x26: {  	[smem:$0x3F95] =	sst s1;
	(tag) =	ssettag s2;
	_ =	strace s9  }
0x27: {  	s1 =	sld [smem:$0x3FA5]  }
0x28: {  	s2 =	sld [smem:$0x3FA6]  }
0x29: {  	s4 =	sld [smem:$0x3FA8]  }
0x2a: {  	p0 =	seq.s32 s5, $0x0;
	s5 =	sld [smem:$0x3FA9]  }
0x2b: {  	s6 =	sld [smem:$0x3FAA]  }
0x2c: {  	s7 =	sld [smem:$0x3FAB]  }
0x2d: {  	s3 =	simm.s32 $0x108;
	s8 =	sld [smem:$0x3FAC]  }
0x2e: {  	s3 =	simm.s32 @!p0 $0x1082;
	s9 =	sld [smem:$0x3FAD]  }
0x2f: {  	lr =	sadd.s32 s0, s3;
	s0 =	sld [smem:$0x3FA4]  }
0x30: {  	s3 =	sld [smem:$0x3FA7]  }
0x31: {  	[smem:$0x3FB0] =	sst s10  }
0x32: {  	s10 =	sld [smem:$0x3FAE];
	_ =	sdelay $0x3  }
0x33: {  	p0 =	seq.s32 s10, $0x1;
	s10 =	sld [smem:$0x3FB0];
	_ =	sdelay $0x3  }
0x34: {  	[smem:$0x3FB0] =	sst s10  }
0x35: {  	s10 =	sld [smem:$0x3FAF];
	_ =	sdelay $0x3  }
0x36: {  	p1 =	seq.s32 s10, $0x1;
	s10 =	sld [smem:$0x3FB0];
	_ =	sdelay $0x3  }
0x37: {  	[smem:$0x3FB0] =	sst s10  }
0x38: {  	s10 =	sld [smem:$0x3FB1]  }
0x39: {  	_ = 	snop;
	(pc) =	sbr.ind lr, $3  }
0x3a: {  	_ = 	snop  }
0x3b: {  	_ = 	snop  }
0x3c: {  	p2 =	seq.s32 s10, $0x1;
	s10 =	sld [smem:$0x3FB0]  }
0x3d: {  	_ =	shalt  }
0x3e: {  	_ =	shalt  }
0x3f: {  	_ =	shalt  }
0x40: {  	_ =	shalt  }
0x41: {  	_ =	shalt  }
0x42: {  	_ =	shalt  }
0x43: {  	_ =	shalt  }
0x44: {  	_ =	shalt  }
0x45: {  	_ =	shalt  }
0x46: {  	_ =	shalt  }
0x47: {  	_ =	shalt  }
0x48: {  	_ =	shalt  }
0x49: {  	_ =	shalt  }
0x4a: {  	_ =	shalt  }
0x4b: {  	_ =	shalt  }
0x4c: {  	_ =	shalt  }
0x4d: {  	_ =	shalt  }
0x4e: {  	_ =	shalt  }
0x4f: {  	_ =	shalt  }
0x50: {  	_ =	shalt  }
0x51: {  	_ =	shalt  }
0x52: {  	_ =	shalt  }
0x53: {  	_ =	shalt  }
0x54: {  	_ =	shalt  }
0x55: {  	_ =	shalt  }
0x56: {  	_ =	shalt  }
0x57: {  	_ =	shalt  }
0x58: {  	_ =	shalt  }
0x59: {  	_ =	shalt  }
0x5a: {  	_ =	shalt  }
0x5b: {  	_ =	shalt  }
0x5c: {  	_ =	shalt  }
0x5d: {  	_ =	shalt  }
0x5e: {  	_ =	shalt  }
0x5f: {  	_ =	shalt  }
0x60: {  	_ =	shalt  }
0x61: {  	_ =	shalt  }
0x62: {  	_ =	shalt  }
0x63: {  	_ =	shalt  }
0x64: {  	_ =	shalt  }
0x65: {  	_ =	shalt  }
0x66: {  	_ =	shalt  }
0x67: {  	_ =	shalt  }
0x68: {  	_ =	shalt  }
0x69: {  	_ =	shalt  }
0x6a: {  	_ =	shalt  }
0x6b: {  	_ =	shalt  }
0x6c: {  	_ =	shalt  }
0x6d: {  	_ =	shalt  }
0x6e: {  	_ =	shalt  }
0x6f: {  	_ =	shalt  }
0x70: {  	_ =	shalt  }
0x71: {  	_ =	shalt  }
0x72: {  	_ =	shalt  }
0x73: {  	_ =	shalt  }
0x74: {  	_ =	shalt  }
0x75: {  	_ =	shalt  }
0x76: {  	_ =	shalt  }
0x77: {  	_ =	shalt  }
0x78: {  	_ =	shalt  }
0x79: {  	_ =	shalt  }
0x7a: {  	_ =	shalt  }
0x7b: {  	_ =	shalt  }
0x7c: {  	_ =	shalt  }
0x7d: {  	_ =	shalt  }
0x7e: {  	_ =	shalt  }
0x7f: {  	_ =	shalt  }
0x80: {  	_ =	shalt  }
0x81: {  	_ =	shalt  }
0x82: {  	_ =	shalt  }
0x83: {  	_ =	shalt  }
0x84: {  	_ =	shalt  }
0x85: {  	_ =	shalt  }
0x86: {  	_ =	shalt  }
0x87: {  	_ =	shalt  }
.Lfunc_end0:
.L_simem_size_0:
called_computation_lowered:
.L_overlay_start_0:
0x88: {  	s2 =	sld [smem:$0x3FD9]  }
0x89: {  	s3 =	sld [smem:$0x3FFE];
	_ =	sdelay $0x1  }
0x8a: {  	s1 =	srdreg.scid  }
0x8b: {  	s0 =	sand.u32 $0x1, s1  }
0x8c: {  	s17 =	sshll.u32 s0, $0xA;
	s2 =	sadd.s32 s3, s2  }
0x8d: {  	s2 =	sadd.s32 s2, s17  }
0x8e: {  	[smem:$0x3FBC] =	sst s2  }
0x8f: {  	_ = 	snop  }
0x90: {  	s2 =	sld [smem:$0x3FD0];
	(tm) =	ssettm $0x1  }
0x91: {  	s18 =	sld [smem:$0x3FFB];
	_ =	sdelay $0x3  }
0x92: {  	_ =	strace s18  }
0x93: {  	s3 =	sld [smem:$0x3FFC];
	_ =	sdelay $0x3  }
0x94: {  	_ =	strace s3  }
0x95: {  	s3 =	sld [smem:$0x3FFD];
	_ =	sdelay $0x3  }
0x96: {  	_ =	strace s3  }
0x97: {  	_ =	strace $0x8FFFFFFF  }
0x98: {  	s19 =	sld [smem:$0x3FDB];
	_ =	sdelay $0x1  }
0x99: {  	s4 =	simm.s32 $_scs_section_size  }
0x9a: {  	s5 =	simm.s32 $_size__tile_overlayer_lowered;
	s6 =	simm.s32 $_tile_overlayer_lowered  }
0x9b: {  	s22 =	simm.s32 $0x1BFF;
	s21 =	sshll.u32 s6, $0x1;
	s3 =	sadd.s32 s4, s19  }
0x9c: {  	s7 =	simm.s32 $0x0;
	s20 =	sshll.u32 s5, $0x1;
	s5 =	sadd.s32 s21, s3  }
0x9d: {  	[timem:s7], [sflag:s22] =	dma.local [hbm:s5], s20  }
0x9e: {  	_ =	swait.ge [sflag:s22], s20  }
0x9f: {  	s4 =	ssub.s32 $0x0, s20;
	[sflag:s22] =	ssyncset.done $0x0  }
0xa0: {  	[sflag:s22] =	ssyncadd.s32 s4;
	_ =	sdelay $0x1  }
0xa1: {  	s23 =	simm.s32 $0x1B8B  }
0xa2: {  	_ =	swait.ge [sflag:s23], $0x1  }
0xa3: {  	[sflag:s23] =	ssyncset.done $0x0  }
0xa4: {  	s25 =	simm.s32 $0x1B8E;
	s24 =	sld [smem:$0x3FFE];
	[sflag:s23] =	ssyncadd.s32 $0xFFFFFFFF  }
0xa5: {  	s26 =	simm.s32 $execute0_lowered;
	[smem:$0x3FD2] =	sst s25  }
0xa6: {  	s5 =	sshll.u32 s26, $0x1;
	_ =	strace $0x80000046;
	[dreg:$0x1] =	wrdreg $0xFFFFFFFF  }
0xa7: {  	s28 =	simm.s32 $_size_execute0_lowered;
	s3 =	sadd.s32 s3, s5;
	[dreg:$0x0] =	wrdreg $0x0  }
0xa8: {  	s5 =	sshll.u32 s28, $0x1;
	[dreg:$0x2] =	wrdreg s3  }
0xa9: {  	[dreg:$0x3] =	wrdreg s5  }
0xaa: {  	[dreg:$0x4] =	wrdreg $0xC0  }
0xab: {  	_ =	task [dreg:s7], $0x5FFFF  }
0xac: {  	[dreg:$0x1] =	wrdreg $0xFFFFFFFF  }
0xad: {  	[dreg:$0x0] =	wrdreg $0x60  }
0xae: {  	[dreg:$0x2] =	wrdreg s24  }
0xaf: {  	[dreg:$0x3] =	wrdreg s2  }
0xb0: {  	[dreg:$0x4] =	wrdreg $0x68000  }
0xb1: {  	[dreg:$0x5] =	wrdreg $0x9  }
0xb2: {  	_ =	task.clear_ibuf [dreg:s7], $0x6FFFF;
	_ =	strace $0x90000046  }
0xb3: {  	s29 =	simm.s32 $0x9;
	_ =	strace $0x80000048  }
0xb4: {  	_ =	swait.ge [sflag:s29], $0x1  }
0xb5: {  	[sflag:s29] =	ssyncadd.s32 $0xFFFFFFFF  }
0xb6: {  	_ =	strace $0x90000048  }
0xb7: {  	_ =	sfence  }
0xb8: {  	s30 =	sld [smem:$0x0];
	_ =	sdelay $0x2  }
0xb9: {  	s31 =	sshll.u32 s1, $0xD;
	s1 =	sshrl.u32 s1, $0x2  }
0xba: {  	s3 =	sand.u32 $0x4000, s31;
	s1 =	sadd.s32 s1, s30  }
0xbb: {  	s0 =	sor.u32 s3, s0;
	s1 =	sshll.u32 s1, $0x11  }
0xbc: {  	s0 =	sor.u32 s1, s0  }
0xbd: {  	s0 =	sadd.s32 $0x8F2B, s0  }
0xbe: {  	[sflag:s0] =	ssyncadd.remote.s32 $0x1  }
0xbf: {  	_ =	sfence.sel $0xFFFF  }
0xc0: {  	[dreg:$0x0] =	wrdreg $0xFFFFFFFF;
	(pc) =	sbr.abs _section_cstart, $3  }
0xc1: {  	[dreg:$0x1] =	wrdreg $0xFFFFFFFF  }
0xc2: {  	_ =	task.clear_ibuf [dreg:s7], $0x2FFFF;
	_ =	strace $0x9FFFFFFF  }
0xc3: {  	(tm) =	ssettm $0x7FFFFFFF  }
tec
execute0_lowered:
.L_overlay_start_1:
0x0: {  	(tag) =	ssettag $0x1  }
0x1: {  	s5 =	rddreg [dreg:$0x0]  }
0x2: {  	s1 =	srdreg.scid;
	s2 =	rddreg [dreg:$0x1]  }
0x3: {  	s0 =	stileid.u32;
	s3 =	rddreg [dreg:$0x2];
	s4 =	simm.s32 $0x0  }
0x4: {  	s13 =	simm.s32 $0x80;
	s14 =	simm.s32 $0x100;
	s15 =	simm.s32 $0x180  }
0x5: {  	s16 =	simm.s32 $0x200;
	s17 =	simm.s32 $0x280;
	s18 =	simm.s32 $0x300  }
0x6: {  	s19 =	simm.s32 $0x380;
	s20 =	simm.s32 $0x1;
	s21 =	simm.s32 $0x0  }
0x7: {  	s6 =	sand.u32 $0x1, s1;
	s26 =	sshll.u32 s0, $0x1;
	s8 =	smul.u32 $0x13C00, s0  }
0x8: {  	[smem:$0x7FF] =	sst s4;
	s28 =	smul.u32 $0x4F000, s0;
	s31 =	sshll.u32 s0, $0x6  }
0x9: {  	s1 =	sor.u32 s6, s26;
	s9 =	smul.u32 $0x13C000, s6;
	s6 =	ssub.s32 $0x2, s6  }
0xa: {  	s7 =	smul.u32 $0x500, s1;
	s1 =	rddreg [dreg:$0x3];
	_ =	strace $0x80000047  }
0xb: {  	s10 =	sshrl.u32 s8, $0x3;
	s29 =	sshrl.u32 s6, $0x1;
	s30 =	sshrl.u32 s28, $0x2  }
0xc: {  	s8 =	sadd.s32 s8, s9;
	s10 =	sadd.s32 s10, s5;
	s11 =	ssub.s32 s6, s29  }
0xd: {  	s12 =	sadd.s32 s30, s3;
	s6 =	sor.u32 $0x1C02, s31;
	s7 =	sadd.s32 s7, s5  }
0xe: {  	s8 =	sshrl.u32 s8, $0x3;
	s9 =	smax.u32 s11, $0x1;
	s11 =	simm.s32 $0x2  }
0xf: {  	s8 =	sadd.s32 s8, s5;
	s5 =	sadd.s32 $0xDC00, s10;
	s7 =	sadd.s32 $0x3C00, s7  }
0x10: {  	s10 =	sshrl.u32 s12, $0x3;
	s12 =	simm.s32 $0x2800;
	s8 =	sadd.s32 $0x35400, s8  }
.LBB2_1:
0x11: {  	[spmem:s10], [sflag:s6] =	dma.local [hbm:s5], $0x2780  }
0x12: {  	_ =	swait.ge [sflag:s11], $0x2780  }
0x13: {  	[sflag:s11] =	ssyncset.done $0x0  }
0x14: {  	[sflag:s11] =	ssyncadd.s32 $0xFFFFD880  }
0x15: {  	[tilespmem:s4], [sflag:$0x2] =	stream.linear.gather [hbm4b:s7+s4], $0x2800, $0x38;
	[tilespmem:$0x1A400] =	vst v63  }
0x16: {  	_ =	swait.ge [sflag:s11], $0x2800  }
0x17: {  	[sflag:s11] =	ssyncset.done $0x0  }
0x18: {  	[sflag:s11] =	ssyncadd.s32 $0xFFFFD800  }
0x19: {  	[tilespmem:s12], [sflag:$0x2] =	stream.linear.gather [hbm4b:s2+s4], $0x4000, $0x38;
	[tilespmem:$0x1A400] =	vst v63  }
0x1a: {  	_ =	swait.ge [sflag:s11], $0x4000  }
0x1b: {  	[sflag:s11] =	ssyncset.done $0x0  }
0x1c: {  	[sflag:s11] =	ssyncadd.s32 $0xFFFFC000  }
0x1d: {  	[bflag:$0x0] =	sbarrier.arrive $0xFFFF  }
0x1e: {  	[spmem:s3] =	stream.indirect.scatter.add.f32 [tilespmem:s12], [sflag:$0x1], $0x80, s4, s13, $0xb8;
	[tilespmem:$0x1A400] =	vst v63  }
0x1f: {  	_ = 	snop  }
0x20: {  	[spmem:s3] =	stream.indirect.scatter.add.f32 [tilespmem:s12], [sflag:$0x1], $0x80, s13, s13, $0xb8;
	[tilespmem:$0x1A400] =	vst v63  }
0x21: {  	_ = 	snop  }
0x22: {  	[spmem:s3] =	stream.indirect.scatter.add.f32 [tilespmem:s12], [sflag:$0x1], $0x80, s14, s13, $0xb8;
	[tilespmem:$0x1A400] =	vst v63  }
0x23: {  	_ = 	snop  }
0x24: {  	[spmem:s3] =	stream.indirect.scatter.add.f32 [tilespmem:s12], [sflag:$0x1], $0x80, s15, s13, $0xb8;
	[tilespmem:$0x1A400] =	vst v63  }
0x25: {  	_ = 	snop  }
0x26: {  	[spmem:s3] =	stream.indirect.scatter.add.f32 [tilespmem:s12], [sflag:$0x1], $0x80, s16, s13, $0xb8;
	[tilespmem:$0x1A400] =	vst v63  }
0x27: {  	_ = 	snop  }
0x28: {  	[spmem:s3] =	stream.indirect.scatter.add.f32 [tilespmem:s12], [sflag:$0x1], $0x80, s17, s13, $0xb8;
	[tilespmem:$0x1A400] =	vst v63  }
0x29: {  	_ = 	snop  }
0x2a: {  	[spmem:s3] =	stream.indirect.scatter.add.f32 [tilespmem:s12], [sflag:$0x1], $0x80, s18, s13, $0xb8;
	[tilespmem:$0x1A400] =	vst v63  }
0x2b: {  	_ = 	snop  }
0x2c: {  	[spmem:s3] =	stream.indirect.scatter.add.f32 [tilespmem:s12], [sflag:$0x1], $0x80, s19, s13, $0xb8;
	[tilespmem:$0x1A400] =	vst v63  }
0x2d: {  	s22 =	simm.s32 $0x400  }
0x2e: {  	[spmem:s3] =	stream.indirect.scatter.add.f32 [tilespmem:s12], [sflag:$0x1], $0x80, s22, s13, $0xb8;
	[tilespmem:$0x1A400] =	vst v63  }
0x2f: {  	_ =	swait.ge [sflag:s20], $0x4000  }
0x30: {  	s22 =	simm.s32 $0x1200;
	[sflag:s20] =	ssyncset.done $0x0  }
.LBB2_2:
0x31: {  	s23 =	sshra.s32 s22, $0x2;
	[sflag:s20] =	ssyncadd.s32 $0xFFFFC000;
	p0 =	sne.s32 s22, $0x9E00  }
0x32: {  	[spmem:s3] =	stream.indirect.scatter.add.f32 [tilespmem:s12], [sflag:$0x1], $0x80, s23, s13, $0xb8;
	[tilespmem:$0x1A400] =	vst v63  }
.Ltmp0:
0x33: {  	_ = 	snop;
	(pc) =	sbr.rel @p0 .LBB2_2-.Ltmp0, $4  }
0x34: {  	_ = 	snop  }
0x35: {  	s22 =	sadd.s32 $0x200, s22  }
0x36: {  	_ =	swait.ge [sflag:s20], $0x4000  }
0x37: {  	[sflag:s20] =	ssyncset.done $0x0  }
0x38: {  	[sflag:s20] =	ssyncadd.s32 $0xFFFFC000  }
0x39: {  	_ =	swait.ge [sflag:s20], $0x4000  }
0x3a: {  	[sflag:s20] =	ssyncset.done $0x0  }
0x3b: {  	[sflag:s20] =	ssyncadd.s32 $0xFFFFC000  }
0x3c: {  	_ =	swait.ge [sflag:s20], $0x4000  }
0x3d: {  	[sflag:s20] =	ssyncset.done $0x0  }
0x3e: {  	[sflag:s20] =	ssyncadd.s32 $0xFFFFC000  }
0x3f: {  	_ =	swait.ge [sflag:s20], $0x4000  }
0x40: {  	[sflag:s20] =	ssyncset.done $0x0  }
0x41: {  	[sflag:s20] =	ssyncadd.s32 $0xFFFFC000  }
0x42: {  	_ =	swait.ge [sflag:s20], $0x4000  }
0x43: {  	[sflag:s20] =	ssyncset.done $0x0  }
0x44: {  	[sflag:s20] =	ssyncadd.s32 $0xFFFFC000  }
0x45: {  	_ =	swait.ge [sflag:s20], $0x4000  }
0x46: {  	[sflag:s20] =	ssyncset.done $0x0  }
0x47: {  	[sflag:s20] =	ssyncadd.s32 $0xFFFFC000  }
0x48: {  	_ =	swait.ge [sflag:s20], $0x4000  }
0x49: {  	[sflag:s20] =	ssyncset.done $0x0  }
0x4a: {  	[sflag:s20] =	ssyncadd.s32 $0xFFFFC000  }
0x4b: {  	_ =	swait.ge [sflag:s20], $0x4000  }
0x4c: {  	[sflag:s20] =	ssyncset.done $0x0  }
0x4d: {  	[sflag:s20] =	ssyncadd.s32 $0xFFFFC000  }
0x4e: {  	_ =	swait.ge [sflag:s20], $0x4000  }
0x4f: {  	s21 =	sadd.s32 $0x1, s21;
	[sflag:s20] =	ssyncset.done $0x0  }
0x50: {  	p0 =	sne.s32 s21, s9;
	[sflag:s20] =	ssyncadd.s32 $0xFFFFC000  }
.Ltmp1:
0x51: {  	[bflag:$0x0] =	sbarrier.arrive $0xFFFF;
	(pc) =	sbr.rel @p0 .LBB2_1-.Ltmp1, $4  }
0x52: {  	[hbm:s8], [sflag:s6] =	dma.local [spmem:s10], $0x2780  }
0x53: {  	_ =	swait.ge [sflag:s11], $0x2780  }
0x54: {  	[sflag:s11] =	ssyncset.done $0x0  }
0x55: {  	[sflag:s11] =	ssyncadd.s32 $0xFFFFD880  }
0x56: {  	_ =	sfence.sel $0x180000  }
0x57: {  	[bflag:$0x0] =	sbarrier.arrive $0xFFFF  }
0x58: {  	p0 =	sne.s32 s0, $0x0;
	_ =	strace $0x90000047  }
0x59: {  	s0 =	sadd.s32 @!p0 $0x100000, s1;
	[bflag:$0x2] =	sbarrier.arrive $0xFFFF  }
0x5a: {  	[sflag:s0] =	ssyncadd.tile.s32 @!p0 $0x1;
	_ =	shalt  }
.Lfunc_end2:
_tile_overlayer_lowered:
.L_overlay_start_2:
0x5b: {  	(tag) =	ssettag $0x2  }
0x5c: {  	s0 =	rddreg [dreg:$0x0];
	s2 =	stileid.u32  }
0x5d: {  	s1 =	rddreg [dreg:$0x1];
	p0 =	sne.s32 s2, $0x0  }
0x5e: {  	s3 =	rddreg [dreg:$0x2];
	[bflag:$0x3] =	sbarrier.arrive $0xFFFF;
	s2 =	simm.s32 @!p0 $0x1C02  }
0x5f: {  	[timem:s3], [sflag:s2] =	dma.local @!p0 [hbm:s0], s1  }
0x60: {  	s0 =	simm.s32 @!p0 $0x2  }
0x61: {  	_ =	swait.ge @!p0 [sflag:s0], s1  }
0x62: {  	s1 =	ssub.s32 @!p0 $0x0, s1;
	[sflag:s0] =	ssyncset.done @!p0 $0x0  }
0x63: {  	[sflag:s0] =	ssyncadd.s32 @!p0 s1  }
0x64: {  	[bflag:$0x3] =	sbarrier.arrive $0xFFFF  }
0x65: {  	_ =	shalt  }

// kernel: kernel.14.cloned.1.call-start
scs
__scs_entry_jumppad:
0x0: {  	(pc) =	sbr.rel $0x88, $3  }
0x1: {  	(tag) =	ssettag $0x0;
	lr =	simm.s32 $0x1  }
0x2: {  	[smem:$0x3F95] =	sst lr;
	_ =	strace $0xD0000000  }
0x3: {  	_ = 	snop  }
0x4: {  	_ = 	snop  }
0x5: {  	_ = 	snop  }
0x6: {  	_ = 	snop  }
0x7: {  	_ = 	snop  }
__scs_overlays_trampoline_lowered:
0x8: {  	[smem:$0x3FA4] =	sst s0  }
0x9: {  	[smem:$0x3FA5] =	sst s1  }
0xa: {  	[smem:$0x3FA6] =	sst s2  }
0xb: {  	[smem:$0x3FA7] =	sst s3  }
0xc: {  	[smem:$0x3FA8] =	sst s4  }
0xd: {  	[smem:$0x3FA9] =	sst s5  }
0xe: {  	[smem:$0x3FAA] =	sst s6  }
0xf: {  	[smem:$0x3FAB] =	sst s7  }
0x10: {  	[smem:$0x3FAC] =	sst s8  }
0x11: {  	[smem:$0x3FAD] =	sst s9;
	s0 =	simm.s32 @!p0 $0x0  }
0x12: {  	s1 =	sld [smem:$0x3F93];
	s0 =	simm.s32 @p0 $0x1  }
0x13: {  	[smem:$0x3FAE] =	sst s0;
	s0 =	simm.s32 @!p1 $0x0  }
0x14: {  	s2 =	sld [smem:$0x3F92];
	s0 =	simm.s32 @p1 $0x1  }
0x15: {  	[smem:$0x3FAF] =	sst s0;
	s0 =	simm.s32 @!p2 $0x0  }
0x16: {  	s3 =	sld [smem:$0x3FDB];
	s0 =	simm.s32 @p2 $0x1  }
0x17: {  	s4 =	simm.s32 $0x1BF5;
	[smem:$0x3FB1] =	sst s0  }
0x18: {  	s0 =	sld [smem:$0x3F94];
	_ =	swait.ge [sflag:s4], $0x0  }
0x19: {  	s7 =	sld [smem:$0x3F95]  }
0x1a: {  	s8 =	sadd.s32 $0xFFFFE003, lr  }
0x1b: {  	s9 =	sadd.s32 $0xFFFFFEF7, lr;
	s5 =	simm.s32 $0xFFFFFFFF;
	p2 =	slt.u32 s8, $0xFFFFF086  }
0x1c: {  	p1 =	slt.u32 s9, $0xF7A;
	s5 =	simm.s32 @!p2 $0x0  }
0x1d: {  	s5 =	simm.s32 @p1 $0x1;
	p0 =	seq.s32 s7, s2  }
0x1e: {  	s7 =	smul.u32 @!p0 $0xF7A, s2;
	p2 =	seq.s32 @!p0 s5, $0x0  }
0x1f: {  	s9 =	smul.u32 $0xF7A, s1;
	s8 =	simm.s32 @!p0 $0x1BF5;
	p2 =	por !p2, p0  }
0x20: {  	[sflag:s8] =	ssyncset.s32 @!p0 $0xFFFFF086;
	s6 =	sadd.s32 @!p0 s3, s7;
	s7 =	simm.s32 @!p0 $0x108  }
0x21: {  	s3 =	sadd.s32 s3, s9;
	s6 =	sadd.s32 @!p0 $0x88, s6;
	s7 =	simm.s32 @p2 $0x1082  }
0x22: {  	[simem:s7], [sflag:s8] =	dma.local @!p0 [hbm:s6], $0xF7A  }
0x23: {  	s9 =	sor.u32 $0xD0000000, s2;
	s6 =	simm.s32 $0x108;
	_ =	swait.ge @!p0 [sflag:s8], $0x0  }
0x24: {  	s3 =	sadd.s32 $0x88, s3;
	s6 =	simm.s32 @!p1 $0x1082;
	[sflag:s4] =	ssyncset.s32 $0xFFFFF086  }
0x25: {  	[simem:s6], [sflag:s4] =	dma.local [hbm:s3], $0xF7A  }
0x26: {  	[smem:$0x3F95] =	sst s1;
	(tag) =	ssettag s2;
	_ =	strace s9  }
0x27: {  	s1 =	sld [smem:$0x3FA5]  }
0x28: {  	s2 =	sld [smem:$0x3FA6]  }
0x29: {  	s4 =	sld [smem:$0x3FA8]  }
0x2a: {  	p0 =	seq.s32 s5, $0x0;
	s5 =	sld [smem:$0x3FA9]  }
0x2b: {  	s6 =	sld [smem:$0x3FAA]  }
0x2c: {  	s7 =	sld [smem:$0x3FAB]  }
0x2d: {  	s3 =	simm.s32 $0x108;
	s8 =	sld [smem:$0x3FAC]  }
0x2e: {  	s3 =	simm.s32 @!p0 $0x1082;
	s9 =	sld [smem:$0x3FAD]  }
0x2f: {  	lr =	sadd.s32 s0, s3;
	s0 =	sld [smem:$0x3FA4]  }
0x30: {  	s3 =	sld [smem:$0x3FA7]  }
0x31: {  	[smem:$0x3FB0] =	sst s10  }
0x32: {  	s10 =	sld [smem:$0x3FAE];
	_ =	sdelay $0x3  }
0x33: {  	p0 =	seq.s32 s10, $0x1;
	s10 =	sld [smem:$0x3FB0];
	_ =	sdelay $0x3  }
0x34: {  	[smem:$0x3FB0] =	sst s10  }
0x35: {  	s10 =	sld [smem:$0x3FAF];
	_ =	sdelay $0x3  }
0x36: {  	p1 =	seq.s32 s10, $0x1;
	s10 =	sld [smem:$0x3FB0];
	_ =	sdelay $0x3  }
0x37: {  	[smem:$0x3FB0] =	sst s10  }
0x38: {  	s10 =	sld [smem:$0x3FB1]  }
0x39: {  	_ = 	snop;
	(pc) =	sbr.ind lr, $3  }
0x3a: {  	_ = 	snop  }
0x3b: {  	_ = 	snop  }
0x3c: {  	p2 =	seq.s32 s10, $0x1;
	s10 =	sld [smem:$0x3FB0]  }
0x3d: {  	_ =	shalt  }
0x3e: {  	_ =	shalt  }
0x3f: {  	_ =	shalt  }
0x40: {  	_ =	shalt  }
0x41: {  	_ =	shalt  }
0x42: {  	_ =	shalt  }
0x43: {  	_ =	shalt  }
0x44: {  	_ =	shalt  }
0x45: {  	_ =	shalt  }
0x46: {  	_ =	shalt  }
0x47: {  	_ =	shalt  }
0x48: {  	_ =	shalt  }
0x49: {  	_ =	shalt  }
0x4a: {  	_ =	shalt  }
0x4b: {  	_ =	shalt  }
0x4c: {  	_ =	shalt  }
0x4d: {  	_ =	shalt  }
0x4e: {  	_ =	shalt  }
0x4f: {  	_ =	shalt  }
0x50: {  	_ =	shalt  }
0x51: {  	_ =	shalt  }
0x52: {  	_ =	shalt  }
0x53: {  	_ =	shalt  }
0x54: {  	_ =	shalt  }
0x55: {  	_ =	shalt  }
0x56: {  	_ =	shalt  }
0x57: {  	_ =	shalt  }
0x58: {  	_ =	shalt  }
0x59: {  	_ =	shalt  }
0x5a: {  	_ =	shalt  }
0x5b: {  	_ =	shalt  }
0x5c: {  	_ =	shalt  }
0x5d: {  	_ =	shalt  }
0x5e: {  	_ =	shalt  }
0x5f: {  	_ =	shalt  }
0x60: {  	_ =	shalt  }
0x61: {  	_ =	shalt  }
0x62: {  	_ =	shalt  }
0x63: {  	_ =	shalt  }
0x64: {  	_ =	shalt  }
0x65: {  	_ =	shalt  }
0x66: {  	_ =	shalt  }
0x67: {  	_ =	shalt  }
0x68: {  	_ =	shalt  }
0x69: {  	_ =	shalt  }
0x6a: {  	_ =	shalt  }
0x6b: {  	_ =	shalt  }
0x6c: {  	_ =	shalt  }
0x6d: {  	_ =	shalt  }
0x6e: {  	_ =	shalt  }
0x6f: {  	_ =	shalt  }
0x70: {  	_ =	shalt  }
0x71: {  	_ =	shalt  }
0x72: {  	_ =	shalt  }
0x73: {  	_ =	shalt  }
0x74: {  	_ =	shalt  }
0x75: {  	_ =	shalt  }
0x76: {  	_ =	shalt  }
0x77: {  	_ =	shalt  }
0x78: {  	_ =	shalt  }
0x79: {  	_ =	shalt  }
0x7a: {  	_ =	shalt  }
0x7b: {  	_ =	shalt  }
0x7c: {  	_ =	shalt  }
0x7d: {  	_ =	shalt  }
0x7e: {  	_ =	shalt  }
0x7f: {  	_ =	shalt  }
0x80: {  	_ =	shalt  }
0x81: {  	_ =	shalt  }
0x82: {  	_ =	shalt  }
0x83: {  	_ =	shalt  }
0x84: {  	_ =	shalt  }
0x85: {  	_ =	shalt  }
0x86: {  	_ =	shalt  }
0x87: {  	_ =	shalt  }
.Lfunc_end0:
.L_simem_size_0:
called_computation.1_lowered:
.L_overlay_start_0:
0x88: {  	s2 =	sld [smem:$0x3FD9]  }
0x89: {  	s3 =	sld [smem:$0x3FFE];
	_ =	sdelay $0x1  }
0x8a: {  	s1 =	srdreg.scid  }
0x8b: {  	s0 =	sand.u32 $0x1, s1  }
0x8c: {  	s17 =	sshll.u32 s0, $0xA;
	s2 =	sadd.s32 s3, s2  }
0x8d: {  	s2 =	sadd.s32 s2, s17  }
0x8e: {  	[smem:$0x3FBC] =	sst s2  }
0x8f: {  	_ = 	snop  }
0x90: {  	s2 =	sld [smem:$0x3FD0];
	(tm) =	ssettm $0x1  }
0x91: {  	s18 =	sld [smem:$0x3FFB];
	_ =	sdelay $0x3  }
0x92: {  	_ =	strace s18  }
0x93: {  	s3 =	sld [smem:$0x3FFC];
	_ =	sdelay $0x3  }
0x94: {  	_ =	strace s3  }
0x95: {  	s3 =	sld [smem:$0x3FFD];
	_ =	sdelay $0x3  }
0x96: {  	_ =	strace s3  }
0x97: {  	_ =	strace $0x8FFFFFFF  }
0x98: {  	s19 =	sld [smem:$0x3FDB];
	_ =	sdelay $0x1  }
0x99: {  	s4 =	simm.s32 $_scs_section_size  }
0x9a: {  	s5 =	simm.s32 $_size__tile_overlayer_lowered;
	s6 =	simm.s32 $_tile_overlayer_lowered  }
0x9b: {  	s22 =	simm.s32 $0x1BFF;
	s21 =	sshll.u32 s6, $0x1;
	s3 =	sadd.s32 s4, s19  }
0x9c: {  	s7 =	simm.s32 $0x0;
	s20 =	sshll.u32 s5, $0x1;
	s5 =	sadd.s32 s21, s3  }
0x9d: {  	[timem:s7], [sflag:s22] =	dma.local [hbm:s5], s20  }
0x9e: {  	_ =	swait.ge [sflag:s22], s20  }
0x9f: {  	s4 =	ssub.s32 $0x0, s20;
	[sflag:s22] =	ssyncset.done $0x0  }
0xa0: {  	[sflag:s22] =	ssyncadd.s32 s4;
	_ =	sdelay $0x1  }
0xa1: {  	s23 =	simm.s32 $0x1B8B  }
0xa2: {  	_ =	swait.ge [sflag:s23], $0x1  }
0xa3: {  	[sflag:s23] =	ssyncset.done $0x0  }
0xa4: {  	s25 =	simm.s32 $0x1B8E;
	s24 =	sld [smem:$0x3FFE];
	[sflag:s23] =	ssyncadd.s32 $0xFFFFFFFF  }
0xa5: {  	s26 =	simm.s32 $execute0_lowered;
	[smem:$0x3FD2] =	sst s25  }
0xa6: {  	s5 =	sshll.u32 s26, $0x1;
	_ =	strace $0x80000049;
	[dreg:$0x1] =	wrdreg $0xFFFFFFFF  }
0xa7: {  	s28 =	simm.s32 $_size_execute0_lowered;
	s3 =	sadd.s32 s3, s5;
	[dreg:$0x0] =	wrdreg $0x0  }
0xa8: {  	s5 =	sshll.u32 s28, $0x1;
	[dreg:$0x2] =	wrdreg s3  }
0xa9: {  	[dreg:$0x3] =	wrdreg s5  }
0xaa: {  	[dreg:$0x4] =	wrdreg $0xC0  }
0xab: {  	_ =	task [dreg:s7], $0x5FFFF  }
0xac: {  	[dreg:$0x1] =	wrdreg $0xFFFFFFFF  }
0xad: {  	[dreg:$0x0] =	wrdreg $0x60  }
0xae: {  	[dreg:$0x2] =	wrdreg s2  }
0xaf: {  	[dreg:$0x3] =	wrdreg s24  }
0xb0: {  	[dreg:$0x4] =	wrdreg $0xAC000  }
0xb1: {  	[dreg:$0x5] =	wrdreg $0x9  }
0xb2: {  	_ =	task.clear_ibuf [dreg:s7], $0x6FFFF;
	_ =	strace $0x90000049  }
0xb3: {  	s29 =	simm.s32 $0x9;
	_ =	strace $0x8000004B  }
0xb4: {  	_ =	swait.ge [sflag:s29], $0x1  }
0xb5: {  	[sflag:s29] =	ssyncadd.s32 $0xFFFFFFFF  }
0xb6: {  	_ =	strace $0x9000004B  }
0xb7: {  	_ =	sfence  }
0xb8: {  	s30 =	sld [smem:$0x0];
	_ =	sdelay $0x2  }
0xb9: {  	s31 =	sshll.u32 s1, $0xD;
	s1 =	sshrl.u32 s1, $0x2  }
0xba: {  	s3 =	sand.u32 $0x4000, s31;
	s1 =	sadd.s32 s1, s30  }
0xbb: {  	s0 =	sor.u32 s3, s0;
	s1 =	sshll.u32 s1, $0x11  }
0xbc: {  	s0 =	sor.u32 s1, s0  }
0xbd: {  	s0 =	sadd.s32 $0x8F2B, s0  }
0xbe: {  	[sflag:s0] =	ssyncadd.remote.s32 $0x1  }
0xbf: {  	_ =	sfence.sel $0xFFFF  }
0xc0: {  	[dreg:$0x0] =	wrdreg $0xFFFFFFFF;
	(pc) =	sbr.abs _section_cstart, $3  }
0xc1: {  	[dreg:$0x1] =	wrdreg $0xFFFFFFFF  }
0xc2: {  	_ =	task.clear_ibuf [dreg:s7], $0x2FFFF;
	_ =	strace $0x9FFFFFFF  }
0xc3: {  	(tm) =	ssettm $0x7FFFFFFF  }
tec
execute0_lowered:
.L_overlay_start_1:
0x0: {  	(tag) =	ssettag $0x1  }
0x1: {  	s1 =	srdreg.scid;
	s2 =	rddreg [dreg:$0x0]  }
0x2: {  	s0 =	stileid.u32;
	s6 =	rddreg [dreg:$0x1]  }
0x3: {  	s3 =	rddreg [dreg:$0x2];
	s4 =	simm.s32 $0x0;
	s14 =	simm.s32 $0x80  }
0x4: {  	s15 =	simm.s32 $0x2C00;
	s18 =	simm.s32 $0x6C00;
	s19 =	simm.s32 $0x1  }
0x5: {  	s20 =	simm.s32 $0x2;
	s21 =	simm.s32 $0x0;
	s9 =	smul.u32 $0x13C00, s0  }
0x6: {  	s5 =	sand.u32 $0x1, s1;
	s23 =	sshll.u32 s0, $0x1;
	s28 =	smul.u32 $0x4F000, s0  }
0x7: {  	[smem:$0x7FF] =	sst s4;
	s1 =	sor.u32 s5, s23;
	s10 =	smul.u32 $0x13C000, s5  }
0x8: {  	s16 =	sshll.u32 s0, $0x6;
	s5 =	ssub.s32 $0x2, s5;
	s7 =	smul.u32 $0x2C00, s1  }
0x9: {  	s16 =	sor.u32 $0x1C03, s16;
	s8 =	smul.u32 $0x2800, s1;
	s1 =	rddreg [dreg:$0x3]  }
0xa: {  	_ =	strace $0x8000004A;
	s25 =	sshrl.u32 s9, $0x3;
	s30 =	sshrl.u32 s5, $0x1  }
0xb: {  	s31 =	sshrl.u32 s28, $0x2;
	s26 =	sadd.s32 s9, s10;
	s13 =	ssub.s32 s5, s30  }
0xc: {  	s17 =	sadd.s32 s31, s3;
	s7 =	sshrl.u32 s7, $0x3;
	s24 =	sshrl.u32 s8, $0x3  }
0xd: {  	s8 =	sshrl.u32 s26, $0x3;
	s17 =	sshrl.u32 s17, $0x3;
	s11 =	sadd.s32 s7, s6  }
0xe: {  	s12 =	sadd.s32 s24, s6;
	s7 =	sadd.s32 s25, s6;
	s29 =	sadd.s32 s8, s6  }
0xf: {  	s5 =	sadd.s32 $0x84400, s11;
	s6 =	sadd.s32 $0x3C00, s12;
	s7 =	sadd.s32 $0xDC00, s7  }
0x10: {  	s8 =	sadd.s32 $0x84680, s11;
	s9 =	sadd.s32 $0x3E80, s12;
	s10 =	sadd.s32 $0x35400, s29  }
0x11: {  	s11 =	smax.u32 s13, $0x1;
	s12 =	simm.s32 $0x3;
	s13 =	simm.s32 $0x1800  }
.LBB2_1:
0x12: {  	[tilespmem:s4], [sflag:$0x3] =	stream.linear.gather [hbm4b:s5+s4], $0x1800, $0x38;
	[tilespmem:$0x1E800] =	vst v63  }
0x13: {  	_ =	swait.ge [sflag:s12], $0x1800  }
0x14: {  	[sflag:s12] =	ssyncset.done $0x0  }
0x15: {  	[sflag:s12] =	ssyncadd.s32 $0xFFFFE800  }
0x16: {  	[tilespmem:s13], [sflag:$0x3] =	stream.linear.gather [hbm4b:s6+s4], $0x1400, $0x38;
	[tilespmem:$0x1E800] =	vst v63  }
0x17: {  	_ =	swait.ge [sflag:s12], $0x1400  }
0x18: {  	[sflag:s12] =	ssyncset.done $0x0  }
0x19: {  	[sflag:s12] =	ssyncadd.s32 $0xFFFFEC00  }
0x1a: {  	[tilespmem:s15], [sflag:$0x1] =	stream.indirect.gather [hbm4b:s2+s14], $0x80, s4, s14, $0xb8;
	[tilespmem:$0x1E800] =	vst v63  }
0x1b: {  	[spmem:s17], [sflag:s16] =	dma.local [hbm:s7], $0x2780  }
0x1c: {  	_ =	swait.ge [sflag:s12], $0x2780  }
0x1d: {  	[sflag:s12] =	ssyncset.done $0x0  }
0x1e: {  	[sflag:s12] =	ssyncadd.s32 $0xFFFFD880  }
0x1f: {  	s22 =	simm.s32 $0x80;
	[bflag:$0x0] =	sbarrier.arrive $0xFFFF  }
0x20: {  	[tilespmem:s18], [sflag:$0x2] =	stream.indirect.gather [hbm4b:s2+s14], $0x80, s22, s14, $0xb8;
	[tilespmem:$0x1E800] =	vst v63  }
0x21: {  	_ =	swait.ge [sflag:s19], $0x4000  }
0x22: {  	[sflag:s19] =	ssyncset.done $0x0  }
0x23: {  	s29 =	simm.s32 $0x1800;
	[sflag:s19] =	ssyncadd.s32 $0xFFFFC000  }
0x24: {  	[spmem:s3] =	stream.indirect.scatter.add.f32 [tilespmem:s15], [sflag:$0x3], $0x80, s29, s14, $0xb8;
	[tilespmem:$0x1E800] =	vst v63  }
0x25: {  	_ =	swait.ge [sflag:s12], $0x4000  }
0x26: {  	[sflag:s12] =	ssyncset.done $0x0  }
0x27: {  	s30 =	simm.s32 $0x100;
	[sflag:s12] =	ssyncadd.s32 $0xFFFFC000  }
0x28: {  	[tilespmem:s15], [sflag:$0x1] =	stream.indirect.gather [hbm4b:s2+s14], $0x80, s30, s14, $0xb8;
	[tilespmem:$0x1E800] =	vst v63  }
0x29: {  	_ =	swait.ge [sflag:s20], $0x4000  }
0x2a: {  	[sflag:s20] =	ssyncset.done $0x0  }
0x2b: {  	s31 =	simm.s32 $0x1880;
	[sflag:s20] =	ssyncadd.s32 $0xFFFFC000  }
0x2c: {  	[spmem:s3] =	stream.indirect.scatter.add.f32 [tilespmem:s18], [sflag:$0x3], $0x80, s31, s14, $0xb8;
	[tilespmem:$0x1E800] =	vst v63  }
0x2d: {  	_ =	swait.ge [sflag:s12], $0x4000  }
0x2e: {  	s23 =	simm.s32 $0x800;
	s22 =	simm.s32 $0x100;
	[sflag:s12] =	ssyncset.done $0x0  }
.LBB2_2:
0x2f: {  	s24 =	sadd.s32 $0x80, s22  }
0x30: {  	[sflag:s12] =	ssyncadd.s32 $0xFFFFC000;
	s25 =	smov.u32 s23;
	s26 =	sadd.s32 $0x400, s23  }
0x31: {  	[tilespmem:s18], [sflag:$0x2] =	stream.indirect.gather [hbm4b:s2+s14], $0x80, s24, s14, $0xb8;
	[tilespmem:$0x1E800] =	vst v63  }
0x32: {  	p0 =	sne.s32 s23, $0x4C00;
	_ =	swait.ge [sflag:s19], $0x4000  }
0x33: {  	[sflag:s19] =	ssyncset.done $0x0  }
0x34: {  	s23 =	sadd.s32 $0x1800, s22;
	[sflag:s19] =	ssyncadd.s32 $0xFFFFC000  }
0x35: {  	[spmem:s3] =	stream.indirect.scatter.add.f32 [tilespmem:s15], [sflag:$0x3], $0x80, s23, s14, $0xb8;
	[tilespmem:$0x1E800] =	vst v63  }
0x36: {  	_ =	swait.ge [sflag:s12], $0x4000  }
0x37: {  	[sflag:s12] =	ssyncset.done $0x0  }
0x38: {  	s23 =	sadd.s32 $0x100, s22;
	[sflag:s12] =	ssyncadd.s32 $0xFFFFC000  }
0x39: {  	[tilespmem:s15], [sflag:$0x1] =	stream.indirect.gather [hbm4b:s2+s14], $0x80, s23, s14, $0xb8;
	[tilespmem:$0x1E800] =	vst v63  }
0x3a: {  	_ =	swait.ge [sflag:s20], $0x4000  }
.Ltmp0:
0x3b: {  	[sflag:s20] =	ssyncset.done $0x0;
	(pc) =	sbr.rel @p0 .LBB2_2-.Ltmp0, $4  }
0x3c: {  	s22 =	sadd.s32 $0x1880, s22;
	[sflag:s20] =	ssyncadd.s32 $0xFFFFC000  }
0x3d: {  	[spmem:s3] =	stream.indirect.scatter.add.f32 [tilespmem:s18], [sflag:$0x3], $0x80, s22, s14, $0xb8;
	[tilespmem:$0x1E800] =	vst v63  }
0x3e: {  	_ =	swait.ge [sflag:s12], $0x4000  }
0x3f: {  	s23 =	smov.u32 s26;
	s22 =	sshra.s32 s25, $0x2;
	[sflag:s12] =	ssyncset.done $0x0  }
0x40: {  	s23 =	sadd.s32 $0x80, s22;
	[sflag:s12] =	ssyncadd.s32 $0xFFFFC000  }
0x41: {  	[tilespmem:s18], [sflag:$0x2] =	stream.indirect.gather [hbm4b:s2+s14], $0x80, s23, s14, $0xb8;
	[tilespmem:$0x1E800] =	vst v63  }
0x42: {  	_ =	swait.ge [sflag:s19], $0x4000  }
0x43: {  	[sflag:s19] =	ssyncset.done $0x0  }
0x44: {  	s31 =	sadd.s32 $0x1800, s22;
	[sflag:s19] =	ssyncadd.s32 $0xFFFFC000  }
0x45: {  	[spmem:s3] =	stream.indirect.scatter.add.f32 [tilespmem:s15], [sflag:$0x3], $0x80, s31, s14, $0xb8;
	[tilespmem:$0x1E800] =	vst v63  }
0x46: {  	_ =	swait.ge [sflag:s12], $0x4000  }
0x47: {  	[sflag:s12] =	ssyncset.done $0x0  }
0x48: {  	s24 =	sadd.s32 $0x100, s22;
	[sflag:s12] =	ssyncadd.s32 $0xFFFFC000  }
0x49: {  	[tilespmem:s15], [sflag:$0x1] =	stream.indirect.gather [hbm4b:s2+s14], $0x80, s24, s14, $0xb8;
	[tilespmem:$0x1E800] =	vst v63  }
0x4a: {  	_ =	swait.ge [sflag:s20], $0x4000  }
0x4b: {  	[sflag:s20] =	ssyncset.done $0x0  }
0x4c: {  	s25 =	sadd.s32 $0x1880, s22;
	[sflag:s20] =	ssyncadd.s32 $0xFFFFC000  }
0x4d: {  	[spmem:s3] =	stream.indirect.scatter.add.f32 [tilespmem:s18], [sflag:$0x3], $0x80, s25, s14, $0xb8;
	[tilespmem:$0x1E800] =	vst v63  }
0x4e: {  	_ =	swait.ge [sflag:s12], $0x4000  }
0x4f: {  	[sflag:s12] =	ssyncset.done $0x0  }
0x50: {  	[sflag:s12] =	ssyncadd.s32 $0xFFFFC000  }
0x51: {  	_ =	swait.ge [sflag:s19], $0x4000  }
0x52: {  	[sflag:s19] =	ssyncset.done $0x0  }
0x53: {  	s26 =	simm.s32 $0x0;
	[sflag:s19] =	ssyncadd.s32 $0xFFFFC000  }
0x54: {  	[tilespmem:s26], [sflag:$0x3] =	stream.linear.gather [hbm4b:s8+s26], $0x1800, $0x38;
	[tilespmem:$0x1E800] =	vst v63  }
0x55: {  	_ =	swait.ge [sflag:s12], $0x1800  }
0x56: {  	[sflag:s12] =	ssyncset.done $0x0  }
0x57: {  	[sflag:s12] =	ssyncadd.s32 $0xFFFFE800  }
0x58: {  	[tilespmem:s13], [sflag:$0x3] =	stream.linear.gather [hbm4b:s9+s26], $0x1400, $0x38;
	[tilespmem:$0x1E800] =	vst v63  }
0x59: {  	_ =	swait.ge [sflag:s12], $0x1400  }
0x5a: {  	[sflag:s12] =	ssyncset.done $0x0  }
0x5b: {  	[sflag:s12] =	ssyncadd.s32 $0xFFFFEC00  }
0x5c: {  	[tilespmem:s15], [sflag:$0x1] =	stream.indirect.gather [hbm4b:s2+s14], $0x80, s26, s14, $0xb8;
	[tilespmem:$0x1E800] =	vst v63  }
0x5d: {  	s28 =	simm.s32 $0x80  }
0x5e: {  	[tilespmem:s18], [sflag:$0x2] =	stream.indirect.gather [hbm4b:s2+s14], $0x80, s28, s14, $0xb8;
	[tilespmem:$0x1E800] =	vst v63  }
0x5f: {  	_ =	swait.ge [sflag:s19], $0x4000  }
0x60: {  	[sflag:s19] =	ssyncset.done $0x0  }
0x61: {  	s29 =	simm.s32 $0x1800;
	[sflag:s19] =	ssyncadd.s32 $0xFFFFC000  }
0x62: {  	[spmem:s3] =	stream.indirect.scatter.add.f32 [tilespmem:s15], [sflag:$0x3], $0x80, s29, s14, $0xb8;
	[tilespmem:$0x1E800] =	vst v63  }
0x63: {  	_ =	swait.ge [sflag:s12], $0x4000  }
0x64: {  	[sflag:s12] =	ssyncset.done $0x0  }
0x65: {  	s30 =	simm.s32 $0x100;
	[sflag:s12] =	ssyncadd.s32 $0xFFFFC000  }
0x66: {  	[tilespmem:s15], [sflag:$0x1] =	stream.indirect.gather [hbm4b:s2+s14], $0x80, s30, s14, $0xb8;
	[tilespmem:$0x1E800] =	vst v63  }
0x67: {  	_ =	swait.ge [sflag:s20], $0x4000  }
0x68: {  	[sflag:s20] =	ssyncset.done $0x0  }
0x69: {  	s31 =	simm.s32 $0x1880;
	[sflag:s20] =	ssyncadd.s32 $0xFFFFC000  }
0x6a: {  	[spmem:s3] =	stream.indirect.scatter.add.f32 [tilespmem:s18], [sflag:$0x3], $0x80, s31, s14, $0xb8;
	[tilespmem:$0x1E800] =	vst v63  }
0x6b: {  	_ =	swait.ge [sflag:s12], $0x4000  }
0x6c: {  	s22 =	simm.s32 $0x100;
	s23 =	simm.s32 $0x800;
	[sflag:s12] =	ssyncset.done $0x0  }
.LBB2_4:
0x6d: {  	s24 =	sadd.s32 $0x80, s22  }
0x6e: {  	[sflag:s12] =	ssyncadd.s32 $0xFFFFC000;
	s25 =	smov.u32 s23;
	s26 =	sadd.s32 $0x400, s23  }
0x6f: {  	[tilespmem:s18], [sflag:$0x2] =	stream.indirect.gather [hbm4b:s2+s14], $0x80, s24, s14, $0xb8;
	[tilespmem:$0x1E800] =	vst v63  }
0x70: {  	p0 =	sne.s32 s23, $0x4C00;
	_ =	swait.ge [sflag:s19], $0x4000  }
0x71: {  	[sflag:s19] =	ssyncset.done $0x0  }
0x72: {  	s23 =	sadd.s32 $0x1800, s22;
	[sflag:s19] =	ssyncadd.s32 $0xFFFFC000  }
0x73: {  	[spmem:s3] =	stream.indirect.scatter.add.f32 [tilespmem:s15], [sflag:$0x3], $0x80, s23, s14, $0xb8;
	[tilespmem:$0x1E800] =	vst v63  }
0x74: {  	_ =	swait.ge [sflag:s12], $0x4000  }
0x75: {  	[sflag:s12] =	ssyncset.done $0x0  }
0x76: {  	s23 =	sadd.s32 $0x100, s22;
	[sflag:s12] =	ssyncadd.s32 $0xFFFFC000  }
0x77: {  	[tilespmem:s15], [sflag:$0x1] =	stream.indirect.gather [hbm4b:s2+s14], $0x80, s23, s14, $0xb8;
	[tilespmem:$0x1E800] =	vst v63  }
0x78: {  	_ =	swait.ge [sflag:s20], $0x4000  }
.Ltmp1:
0x79: {  	[sflag:s20] =	ssyncset.done $0x0;
	(pc) =	sbr.rel @p0 .LBB2_4-.Ltmp1, $4  }
0x7a: {  	s22 =	sadd.s32 $0x1880, s22;
	[sflag:s20] =	ssyncadd.s32 $0xFFFFC000  }
0x7b: {  	[spmem:s3] =	stream.indirect.scatter.add.f32 [tilespmem:s18], [sflag:$0x3], $0x80, s22, s14, $0xb8;
	[tilespmem:$0x1E800] =	vst v63  }
0x7c: {  	_ =	swait.ge [sflag:s12], $0x4000  }
0x7d: {  	s23 =	smov.u32 s26;
	s22 =	sshra.s32 s25, $0x2;
	[sflag:s12] =	ssyncset.done $0x0  }
0x7e: {  	s23 =	sadd.s32 $0x80, s22;
	[sflag:s12] =	ssyncadd.s32 $0xFFFFC000  }
0x7f: {  	[tilespmem:s18], [sflag:$0x2] =	stream.indirect.gather [hbm4b:s2+s14], $0x80, s23, s14, $0xb8;
	[tilespmem:$0x1E800] =	vst v63  }
0x80: {  	_ =	swait.ge [sflag:s19], $0x4000  }
0x81: {  	[sflag:s19] =	ssyncset.done $0x0  }
0x82: {  	s29 =	sadd.s32 $0x1800, s22;
	[sflag:s19] =	ssyncadd.s32 $0xFFFFC000  }
0x83: {  	[spmem:s3] =	stream.indirect.scatter.add.f32 [tilespmem:s15], [sflag:$0x3], $0x80, s29, s14, $0xb8;
	[tilespmem:$0x1E800] =	vst v63  }
0x84: {  	_ =	swait.ge [sflag:s12], $0x4000  }
0x85: {  	[sflag:s12] =	ssyncset.done $0x0  }
0x86: {  	s30 =	sadd.s32 $0x100, s22;
	[sflag:s12] =	ssyncadd.s32 $0xFFFFC000  }
0x87: {  	[tilespmem:s15], [sflag:$0x1] =	stream.indirect.gather [hbm4b:s2+s14], $0x80, s30, s14, $0xb8;
	[tilespmem:$0x1E800] =	vst v63  }
0x88: {  	_ =	swait.ge [sflag:s20], $0x4000  }
0x89: {  	[sflag:s20] =	ssyncset.done $0x0  }
0x8a: {  	s31 =	sadd.s32 $0x1880, s22;
	[sflag:s20] =	ssyncadd.s32 $0xFFFFC000  }
0x8b: {  	[spmem:s3] =	stream.indirect.scatter.add.f32 [tilespmem:s18], [sflag:$0x3], $0x80, s31, s14, $0xb8;
	[tilespmem:$0x1E800] =	vst v63  }
0x8c: {  	_ =	swait.ge [sflag:s12], $0x4000  }
0x8d: {  	[sflag:s12] =	ssyncset.done $0x0  }
0x8e: {  	[sflag:s12] =	ssyncadd.s32 $0xFFFFC000  }
0x8f: {  	_ =	swait.ge [sflag:s19], $0x4000  }
0x90: {  	s21 =	sadd.s32 $0x1, s21;
	[sflag:s19] =	ssyncset.done $0x0  }
0x91: {  	p0 =	sne.s32 s21, s11;
	[sflag:s19] =	ssyncadd.s32 $0xFFFFC000  }
.Ltmp2:
0x92: {  	[bflag:$0x0] =	sbarrier.arrive $0xFFFF;
	(pc) =	sbr.rel @p0 .LBB2_1-.Ltmp2, $4  }
0x93: {  	[hbm:s10], [sflag:s16] =	dma.local [spmem:s17], $0x2780  }
0x94: {  	_ =	swait.ge [sflag:s12], $0x2780  }
0x95: {  	[sflag:s12] =	ssyncset.done $0x0  }
0x96: {  	[sflag:s12] =	ssyncadd.s32 $0xFFFFD880  }
0x97: {  	_ =	sfence.sel $0x180000  }
0x98: {  	[bflag:$0x0] =	sbarrier.arrive $0xFFFF  }
0x99: {  	p0 =	sne.s32 s0, $0x0;
	_ =	strace $0x9000004A  }
0x9a: {  	s0 =	sadd.s32 @!p0 $0x100000, s1;
	[bflag:$0x2] =	sbarrier.arrive $0xFFFF  }
0x9b: {  	[sflag:s0] =	ssyncadd.tile.s32 @!p0 $0x1;
	_ =	shalt  }
.Lfunc_end2:
_tile_overlayer_lowered:
.L_overlay_start_2:
0x9c: {  	(tag) =	ssettag $0x2  }
0x9d: {  	s0 =	rddreg [dreg:$0x0];
	s2 =	stileid.u32  }
0x9e: {  	s1 =	rddreg [dreg:$0x1];
	p0 =	sne.s32 s2, $0x0  }
0x9f: {  	s3 =	rddreg [dreg:$0x2];
	[bflag:$0x3] =	sbarrier.arrive $0xFFFF;
	s2 =	simm.s32 @!p0 $0x1C03  }
0xa0: {  	[timem:s3], [sflag:s2] =	dma.local @!p0 [hbm:s0], s1  }
0xa1: {  	s0 =	simm.s32 @!p0 $0x3  }
0xa2: {  	_ =	swait.ge @!p0 [sflag:s0], s1  }
0xa3: {  	s1 =	ssub.s32 @!p0 $0x0, s1;
	[sflag:s0] =	ssyncset.done @!p0 $0x0  }
0xa4: {  	[sflag:s0] =	ssyncadd.s32 @!p0 s1  }
0xa5: {  	[bflag:$0x3] =	sbarrier.arrive $0xFFFF  }
0xa6: {  	_ =	shalt  }

// kernel: kernel.17.cloned.1.call-start
scs
__scs_entry_jumppad:
0x0: {  	(pc) =	sbr.rel $0x88, $3  }
0x1: {  	(tag) =	ssettag $0x0;
	lr =	simm.s32 $0x1  }
0x2: {  	[smem:$0x3F95] =	sst lr;
	_ =	strace $0xD0000000  }
0x3: {  	_ = 	snop  }
0x4: {  	_ = 	snop  }
0x5: {  	_ = 	snop  }
0x6: {  	_ = 	snop  }
0x7: {  	_ = 	snop  }
__scs_overlays_trampoline_lowered:
0x8: {  	[smem:$0x3FA4] =	sst s0  }
0x9: {  	[smem:$0x3FA5] =	sst s1  }
0xa: {  	[smem:$0x3FA6] =	sst s2  }
0xb: {  	[smem:$0x3FA7] =	sst s3  }
0xc: {  	[smem:$0x3FA8] =	sst s4  }
0xd: {  	[smem:$0x3FA9] =	sst s5  }
0xe: {  	[smem:$0x3FAA] =	sst s6  }
0xf: {  	[smem:$0x3FAB] =	sst s7  }
0x10: {  	[smem:$0x3FAC] =	sst s8  }
0x11: {  	[smem:$0x3FAD] =	sst s9;
	s0 =	simm.s32 @!p0 $0x0  }
0x12: {  	s1 =	sld [smem:$0x3F93];
	s0 =	simm.s32 @p0 $0x1  }
0x13: {  	[smem:$0x3FAE] =	sst s0;
	s0 =	simm.s32 @!p1 $0x0  }
0x14: {  	s2 =	sld [smem:$0x3F92];
	s0 =	simm.s32 @p1 $0x1  }
0x15: {  	[smem:$0x3FAF] =	sst s0;
	s0 =	simm.s32 @!p2 $0x0  }
0x16: {  	s3 =	sld [smem:$0x3FDB];
	s0 =	simm.s32 @p2 $0x1  }
0x17: {  	s4 =	simm.s32 $0x1BF5;
	[smem:$0x3FB1] =	sst s0  }
0x18: {  	s0 =	sld [smem:$0x3F94];
	_ =	swait.ge [sflag:s4], $0x0  }
0x19: {  	s7 =	sld [smem:$0x3F95]  }
0x1a: {  	s8 =	sadd.s32 $0xFFFFE003, lr  }
0x1b: {  	s9 =	sadd.s32 $0xFFFFFEF7, lr;
	s5 =	simm.s32 $0xFFFFFFFF;
	p2 =	slt.u32 s8, $0xFFFFF086  }
0x1c: {  	p1 =	slt.u32 s9, $0xF7A;
	s5 =	simm.s32 @!p2 $0x0  }
0x1d: {  	s5 =	simm.s32 @p1 $0x1;
	p0 =	seq.s32 s7, s2  }
0x1e: {  	s7 =	smul.u32 @!p0 $0xF7A, s2;
	p2 =	seq.s32 @!p0 s5, $0x0  }
0x1f: {  	s9 =	smul.u32 $0xF7A, s1;
	s8 =	simm.s32 @!p0 $0x1BF5;
	p2 =	por !p2, p0  }
0x20: {  	[sflag:s8] =	ssyncset.s32 @!p0 $0xFFFFF086;
	s6 =	sadd.s32 @!p0 s3, s7;
	s7 =	simm.s32 @!p0 $0x108  }
0x21: {  	s3 =	sadd.s32 s3, s9;
	s6 =	sadd.s32 @!p0 $0x88, s6;
	s7 =	simm.s32 @p2 $0x1082  }
0x22: {  	[simem:s7], [sflag:s8] =	dma.local @!p0 [hbm:s6], $0xF7A  }
0x23: {  	s9 =	sor.u32 $0xD0000000, s2;
	s6 =	simm.s32 $0x108;
	_ =	swait.ge @!p0 [sflag:s8], $0x0  }
0x24: {  	s3 =	sadd.s32 $0x88, s3;
	s6 =	simm.s32 @!p1 $0x1082;
	[sflag:s4] =	ssyncset.s32 $0xFFFFF086  }
0x25: {  	[simem:s6], [sflag:s4] =	dma.local [hbm:s3], $0xF7A  }
0x26: {  	[smem:$0x3F95] =	sst s1;
	(tag) =	ssettag s2;
	_ =	strace s9  }
0x27: {  	s1 =	sld [smem:$0x3FA5]  }
0x28: {  	s2 =	sld [smem:$0x3FA6]  }
0x29: {  	s4 =	sld [smem:$0x3FA8]  }
0x2a: {  	p0 =	seq.s32 s5, $0x0;
	s5 =	sld [smem:$0x3FA9]  }
0x2b: {  	s6 =	sld [smem:$0x3FAA]  }
0x2c: {  	s7 =	sld [smem:$0x3FAB]  }
0x2d: {  	s3 =	simm.s32 $0x108;
	s8 =	sld [smem:$0x3FAC]  }
0x2e: {  	s3 =	simm.s32 @!p0 $0x1082;
	s9 =	sld [smem:$0x3FAD]  }
0x2f: {  	lr =	sadd.s32 s0, s3;
	s0 =	sld [smem:$0x3FA4]  }
0x30: {  	s3 =	sld [smem:$0x3FA7]  }
0x31: {  	[smem:$0x3FB0] =	sst s10  }
0x32: {  	s10 =	sld [smem:$0x3FAE];
	_ =	sdelay $0x3  }
0x33: {  	p0 =	seq.s32 s10, $0x1;
	s10 =	sld [smem:$0x3FB0];
	_ =	sdelay $0x3  }
0x34: {  	[smem:$0x3FB0] =	sst s10  }
0x35: {  	s10 =	sld [smem:$0x3FAF];
	_ =	sdelay $0x3  }
0x36: {  	p1 =	seq.s32 s10, $0x1;
	s10 =	sld [smem:$0x3FB0];
	_ =	sdelay $0x3  }
0x37: {  	[smem:$0x3FB0] =	sst s10  }
0x38: {  	s10 =	sld [smem:$0x3FB1]  }
0x39: {  	_ = 	snop;
	(pc) =	sbr.ind lr, $3  }
0x3a: {  	_ = 	snop  }
0x3b: {  	_ = 	snop  }
0x3c: {  	p2 =	seq.s32 s10, $0x1;
	s10 =	sld [smem:$0x3FB0]  }
0x3d: {  	_ =	shalt  }
0x3e: {  	_ =	shalt  }
0x3f: {  	_ =	shalt  }
0x40: {  	_ =	shalt  }
0x41: {  	_ =	shalt  }
0x42: {  	_ =	shalt  }
0x43: {  	_ =	shalt  }
0x44: {  	_ =	shalt  }
0x45: {  	_ =	shalt  }
0x46: {  	_ =	shalt  }
0x47: {  	_ =	shalt  }
0x48: {  	_ =	shalt  }
0x49: {  	_ =	shalt  }
0x4a: {  	_ =	shalt  }
0x4b: {  	_ =	shalt  }
0x4c: {  	_ =	shalt  }
0x4d: {  	_ =	shalt  }
0x4e: {  	_ =	shalt  }
0x4f: {  	_ =	shalt  }
0x50: {  	_ =	shalt  }
0x51: {  	_ =	shalt  }
0x52: {  	_ =	shalt  }
0x53: {  	_ =	shalt  }
0x54: {  	_ =	shalt  }
0x55: {  	_ =	shalt  }
0x56: {  	_ =	shalt  }
0x57: {  	_ =	shalt  }
0x58: {  	_ =	shalt  }
0x59: {  	_ =	shalt  }
0x5a: {  	_ =	shalt  }
0x5b: {  	_ =	shalt  }
0x5c: {  	_ =	shalt  }
0x5d: {  	_ =	shalt  }
0x5e: {  	_ =	shalt  }
0x5f: {  	_ =	shalt  }
0x60: {  	_ =	shalt  }
0x61: {  	_ =	shalt  }
0x62: {  	_ =	shalt  }
0x63: {  	_ =	shalt  }
0x64: {  	_ =	shalt  }
0x65: {  	_ =	shalt  }
0x66: {  	_ =	shalt  }
0x67: {  	_ =	shalt  }
0x68: {  	_ =	shalt  }
0x69: {  	_ =	shalt  }
0x6a: {  	_ =	shalt  }
0x6b: {  	_ =	shalt  }
0x6c: {  	_ =	shalt  }
0x6d: {  	_ =	shalt  }
0x6e: {  	_ =	shalt  }
0x6f: {  	_ =	shalt  }
0x70: {  	_ =	shalt  }
0x71: {  	_ =	shalt  }
0x72: {  	_ =	shalt  }
0x73: {  	_ =	shalt  }
0x74: {  	_ =	shalt  }
0x75: {  	_ =	shalt  }
0x76: {  	_ =	shalt  }
0x77: {  	_ =	shalt  }
0x78: {  	_ =	shalt  }
0x79: {  	_ =	shalt  }
0x7a: {  	_ =	shalt  }
0x7b: {  	_ =	shalt  }
0x7c: {  	_ =	shalt  }
0x7d: {  	_ =	shalt  }
0x7e: {  	_ =	shalt  }
0x7f: {  	_ =	shalt  }
0x80: {  	_ =	shalt  }
0x81: {  	_ =	shalt  }
0x82: {  	_ =	shalt  }
0x83: {  	_ =	shalt  }
0x84: {  	_ =	shalt  }
0x85: {  	_ =	shalt  }
0x86: {  	_ =	shalt  }
0x87: {  	_ =	shalt  }
.Lfunc_end0:
.L_simem_size_0:
called_computation.2_lowered:
.L_overlay_start_0:
0x88: {  	s2 =	sld [smem:$0x3FD9]  }
0x89: {  	s3 =	sld [smem:$0x3FFE];
	_ =	sdelay $0x1  }
0x8a: {  	s1 =	srdreg.scid  }
0x8b: {  	s0 =	sand.u32 $0x1, s1  }
0x8c: {  	s17 =	sshll.u32 s0, $0xA;
	s2 =	sadd.s32 s3, s2  }
0x8d: {  	s2 =	sadd.s32 s2, s17  }
0x8e: {  	[smem:$0x3FBC] =	sst s2  }
0x8f: {  	_ = 	snop  }
0x90: {  	s2 =	sld [smem:$0x3FD0];
	(tm) =	ssettm $0x1  }
0x91: {  	s18 =	sld [smem:$0x3FFB];
	_ =	sdelay $0x3  }
0x92: {  	_ =	strace s18  }
0x93: {  	s3 =	sld [smem:$0x3FFC];
	_ =	sdelay $0x3  }
0x94: {  	_ =	strace s3  }
0x95: {  	s3 =	sld [smem:$0x3FFD];
	_ =	sdelay $0x3  }
0x96: {  	_ =	strace s3  }
0x97: {  	_ =	strace $0x8FFFFFFF  }
0x98: {  	s19 =	sld [smem:$0x3FDB];
	_ =	sdelay $0x1  }
0x99: {  	s4 =	simm.s32 $_scs_section_size  }
0x9a: {  	s5 =	simm.s32 $_size__tile_overlayer_lowered;
	s6 =	simm.s32 $_tile_overlayer_lowered  }
0x9b: {  	s22 =	simm.s32 $0x1BFF;
	s21 =	sshll.u32 s6, $0x1;
	s3 =	sadd.s32 s4, s19  }
0x9c: {  	s7 =	simm.s32 $0x0;
	s20 =	sshll.u32 s5, $0x1;
	s5 =	sadd.s32 s21, s3  }
0x9d: {  	[timem:s7], [sflag:s22] =	dma.local [hbm:s5], s20  }
0x9e: {  	_ =	swait.ge [sflag:s22], s20  }
0x9f: {  	s4 =	ssub.s32 $0x0, s20;
	[sflag:s22] =	ssyncset.done $0x0  }
0xa0: {  	[sflag:s22] =	ssyncadd.s32 s4;
	_ =	sdelay $0x1  }
0xa1: {  	s23 =	simm.s32 $0x1B8B  }
0xa2: {  	_ =	swait.ge [sflag:s23], $0x1  }
0xa3: {  	[sflag:s23] =	ssyncset.done $0x0  }
0xa4: {  	s25 =	simm.s32 $0x1B8E;
	s24 =	sld [smem:$0x3FFE];
	[sflag:s23] =	ssyncadd.s32 $0xFFFFFFFF  }
0xa5: {  	s26 =	simm.s32 $execute0_lowered;
	[smem:$0x3FD2] =	sst s25  }
0xa6: {  	s5 =	sshll.u32 s26, $0x1;
	_ =	strace $0x8000004C;
	[dreg:$0x1] =	wrdreg $0xFFFFFFFF  }
0xa7: {  	s28 =	simm.s32 $_size_execute0_lowered;
	s3 =	sadd.s32 s3, s5;
	[dreg:$0x0] =	wrdreg $0x0  }
0xa8: {  	s5 =	sshll.u32 s28, $0x1;
	[dreg:$0x2] =	wrdreg s3  }
0xa9: {  	[dreg:$0x3] =	wrdreg s5  }
0xaa: {  	[dreg:$0x4] =	wrdreg $0xC0  }
0xab: {  	_ =	task [dreg:s7], $0x5FFFF  }
0xac: {  	[dreg:$0x1] =	wrdreg $0xFFFFFFFF  }
0xad: {  	[dreg:$0x0] =	wrdreg $0x60  }
0xae: {  	[dreg:$0x2] =	wrdreg s2  }
0xaf: {  	[dreg:$0x3] =	wrdreg s24  }
0xb0: {  	[dreg:$0x4] =	wrdreg $0xAC000  }
0xb1: {  	[dreg:$0x5] =	wrdreg $0x9  }
0xb2: {  	_ =	task.clear_ibuf [dreg:s7], $0x6FFFF;
	_ =	strace $0x9000004C  }
0xb3: {  	s29 =	simm.s32 $0x9;
	_ =	strace $0x8000004E  }
0xb4: {  	_ =	swait.ge [sflag:s29], $0x1  }
0xb5: {  	[sflag:s29] =	ssyncadd.s32 $0xFFFFFFFF  }
0xb6: {  	_ =	strace $0x9000004E  }
0xb7: {  	_ =	sfence  }
0xb8: {  	s30 =	sld [smem:$0x0];
	_ =	sdelay $0x2  }
0xb9: {  	s31 =	sshll.u32 s1, $0xD;
	s1 =	sshrl.u32 s1, $0x2  }
0xba: {  	s3 =	sand.u32 $0x4000, s31;
	s1 =	sadd.s32 s1, s30  }
0xbb: {  	s0 =	sor.u32 s3, s0;
	s1 =	sshll.u32 s1, $0x11  }
0xbc: {  	s0 =	sor.u32 s1, s0  }
0xbd: {  	s0 =	sadd.s32 $0x8F2B, s0  }
0xbe: {  	[sflag:s0] =	ssyncadd.remote.s32 $0x1  }
0xbf: {  	_ =	sfence.sel $0xFFFF  }
0xc0: {  	[dreg:$0x0] =	wrdreg $0xFFFFFFFF;
	(pc) =	sbr.abs _section_cstart, $3  }
0xc1: {  	[dreg:$0x1] =	wrdreg $0xFFFFFFFF  }
0xc2: {  	_ =	task.clear_ibuf [dreg:s7], $0x2FFFF;
	_ =	strace $0x9FFFFFFF  }
0xc3: {  	(tm) =	ssettm $0x7FFFFFFF  }
tec
execute0_lowered:
.L_overlay_start_1:
0x0: {  	(tag) =	ssettag $0x1  }
0x1: {  	s1 =	srdreg.scid;
	s2 =	rddreg [dreg:$0x0]  }
0x2: {  	s0 =	stileid.u32;
	s6 =	rddreg [dreg:$0x1]  }
0x3: {  	s3 =	rddreg [dreg:$0x2];
	s4 =	simm.s32 $0x0;
	s14 =	simm.s32 $0x80  }
0x4: {  	s15 =	simm.s32 $0x2C00;
	s18 =	simm.s32 $0x6C00;
	s19 =	simm.s32 $0x1  }
0x5: {  	s20 =	simm.s32 $0x2;
	s21 =	simm.s32 $0x0;
	s9 =	smul.u32 $0x13C00, s0  }
0x6: {  	s5 =	sand.u32 $0x1, s1;
	s23 =	sshll.u32 s0, $0x1;
	s28 =	smul.u32 $0x4F000, s0  }
0x7: {  	[smem:$0x7FF] =	sst s4;
	s1 =	sor.u32 s5, s23;
	s10 =	smul.u32 $0x13C000, s5  }
0x8: {  	s16 =	sshll.u32 s0, $0x6;
	s5 =	ssub.s32 $0x2, s5;
	s7 =	smul.u32 $0x2C00, s1  }
0x9: {  	s16 =	sor.u32 $0x1C03, s16;
	s8 =	smul.u32 $0x2800, s1;
	s1 =	rddreg [dreg:$0x3]  }
0xa: {  	_ =	strace $0x8000004D;
	s25 =	sshrl.u32 s9, $0x3;
	s30 =	sshrl.u32 s5, $0x1  }
0xb: {  	s31 =	sshrl.u32 s28, $0x2;
	s26 =	sadd.s32 s9, s10;
	s13 =	ssub.s32 s5, s30  }
0xc: {  	s17 =	sadd.s32 s31, s3;
	s7 =	sshrl.u32 s7, $0x3;
	s24 =	sshrl.u32 s8, $0x3  }
0xd: {  	s8 =	sshrl.u32 s26, $0x3;
	s17 =	sshrl.u32 s17, $0x3;
	s11 =	sadd.s32 s7, s6  }
0xe: {  	s12 =	sadd.s32 s24, s6;
	s7 =	sadd.s32 s25, s6;
	s29 =	sadd.s32 s8, s6  }
0xf: {  	s5 =	sadd.s32 $0x84400, s11;
	s6 =	sadd.s32 $0x3C00, s12;
	s7 =	sadd.s32 $0xDC00, s7  }
0x10: {  	s8 =	sadd.s32 $0x84680, s11;
	s9 =	sadd.s32 $0x3E80, s12;
	s10 =	sadd.s32 $0x35400, s29  }
0x11: {  	s11 =	smax.u32 s13, $0x1;
	s12 =	simm.s32 $0x3;
	s13 =	simm.s32 $0x1800  }
.LBB2_1:
0x12: {  	[tilespmem:s4], [sflag:$0x3] =	stream.linear.gather [hbm4b:s5+s4], $0x1800, $0x38;
	[tilespmem:$0x1E800] =	vst v63  }
0x13: {  	_ =	swait.ge [sflag:s12], $0x1800  }
0x14: {  	[sflag:s12] =	ssyncset.done $0x0  }
0x15: {  	[sflag:s12] =	ssyncadd.s32 $0xFFFFE800  }
0x16: {  	[tilespmem:s13], [sflag:$0x3] =	stream.linear.gather [hbm4b:s6+s4], $0x1400, $0x38;
	[tilespmem:$0x1E800] =	vst v63  }
0x17: {  	_ =	swait.ge [sflag:s12], $0x1400  }
0x18: {  	[sflag:s12] =	ssyncset.done $0x0  }
0x19: {  	[sflag:s12] =	ssyncadd.s32 $0xFFFFEC00  }
0x1a: {  	[tilespmem:s15], [sflag:$0x1] =	stream.indirect.gather [hbm4b:s2+s14], $0x80, s4, s14, $0xb8;
	[tilespmem:$0x1E800] =	vst v63  }
0x1b: {  	[spmem:s17], [sflag:s16] =	dma.local [hbm:s7], $0x2780  }
0x1c: {  	_ =	swait.ge [sflag:s12], $0x2780  }
0x1d: {  	[sflag:s12] =	ssyncset.done $0x0  }
0x1e: {  	[sflag:s12] =	ssyncadd.s32 $0xFFFFD880  }
0x1f: {  	s22 =	simm.s32 $0x80;
	[bflag:$0x0] =	sbarrier.arrive $0xFFFF  }
0x20: {  	[tilespmem:s18], [sflag:$0x2] =	stream.indirect.gather [hbm4b:s2+s14], $0x80, s22, s14, $0xb8;
	[tilespmem:$0x1E800] =	vst v63  }
0x21: {  	_ =	swait.ge [sflag:s19], $0x4000  }
0x22: {  	[sflag:s19] =	ssyncset.done $0x0  }
0x23: {  	s29 =	simm.s32 $0x1800;
	[sflag:s19] =	ssyncadd.s32 $0xFFFFC000  }
0x24: {  	[spmem:s3] =	stream.indirect.scatter.add.f32 [tilespmem:s15], [sflag:$0x3], $0x80, s29, s14, $0xb8;
	[tilespmem:$0x1E800] =	vst v63  }
0x25: {  	_ =	swait.ge [sflag:s12], $0x4000  }
0x26: {  	[sflag:s12] =	ssyncset.done $0x0  }
0x27: {  	s30 =	simm.s32 $0x100;
	[sflag:s12] =	ssyncadd.s32 $0xFFFFC000  }
0x28: {  	[tilespmem:s15], [sflag:$0x1] =	stream.indirect.gather [hbm4b:s2+s14], $0x80, s30, s14, $0xb8;
	[tilespmem:$0x1E800] =	vst v63  }
0x29: {  	_ =	swait.ge [sflag:s20], $0x4000  }
0x2a: {  	[sflag:s20] =	ssyncset.done $0x0  }
0x2b: {  	s31 =	simm.s32 $0x1880;
	[sflag:s20] =	ssyncadd.s32 $0xFFFFC000  }
0x2c: {  	[spmem:s3] =	stream.indirect.scatter.add.f32 [tilespmem:s18], [sflag:$0x3], $0x80, s31, s14, $0xb8;
	[tilespmem:$0x1E800] =	vst v63  }
0x2d: {  	_ =	swait.ge [sflag:s12], $0x4000  }
0x2e: {  	s23 =	simm.s32 $0x800;
	s22 =	simm.s32 $0x100;
	[sflag:s12] =	ssyncset.done $0x0  }
.LBB2_2:
0x2f: {  	s24 =	sadd.s32 $0x80, s22  }
0x30: {  	[sflag:s12] =	ssyncadd.s32 $0xFFFFC000;
	s25 =	smov.u32 s23;
	s26 =	sadd.s32 $0x400, s23  }
0x31: {  	[tilespmem:s18], [sflag:$0x2] =	stream.indirect.gather [hbm4b:s2+s14], $0x80, s24, s14, $0xb8;
	[tilespmem:$0x1E800] =	vst v63  }
0x32: {  	p0 =	sne.s32 s23, $0x4C00;
	_ =	swait.ge [sflag:s19], $0x4000  }
0x33: {  	[sflag:s19] =	ssyncset.done $0x0  }
0x34: {  	s23 =	sadd.s32 $0x1800, s22;
	[sflag:s19] =	ssyncadd.s32 $0xFFFFC000  }
0x35: {  	[spmem:s3] =	stream.indirect.scatter.add.f32 [tilespmem:s15], [sflag:$0x3], $0x80, s23, s14, $0xb8;
	[tilespmem:$0x1E800] =	vst v63  }
0x36: {  	_ =	swait.ge [sflag:s12], $0x4000  }
0x37: {  	[sflag:s12] =	ssyncset.done $0x0  }
0x38: {  	s23 =	sadd.s32 $0x100, s22;
	[sflag:s12] =	ssyncadd.s32 $0xFFFFC000  }
0x39: {  	[tilespmem:s15], [sflag:$0x1] =	stream.indirect.gather [hbm4b:s2+s14], $0x80, s23, s14, $0xb8;
	[tilespmem:$0x1E800] =	vst v63  }
0x3a: {  	_ =	swait.ge [sflag:s20], $0x4000  }
.Ltmp0:
0x3b: {  	[sflag:s20] =	ssyncset.done $0x0;
	(pc) =	sbr.rel @p0 .LBB2_2-.Ltmp0, $4  }
0x3c: {  	s22 =	sadd.s32 $0x1880, s22;
	[sflag:s20] =	ssyncadd.s32 $0xFFFFC000  }
0x3d: {  	[spmem:s3] =	stream.indirect.scatter.add.f32 [tilespmem:s18], [sflag:$0x3], $0x80, s22, s14, $0xb8;
	[tilespmem:$0x1E800] =	vst v63  }
0x3e: {  	_ =	swait.ge [sflag:s12], $0x4000  }
0x3f: {  	s23 =	smov.u32 s26;
	s22 =	sshra.s32 s25, $0x2;
	[sflag:s12] =	ssyncset.done $0x0  }
0x40: {  	s23 =	sadd.s32 $0x80, s22;
	[sflag:s12] =	ssyncadd.s32 $0xFFFFC000  }
0x41: {  	[tilespmem:s18], [sflag:$0x2] =	stream.indirect.gather [hbm4b:s2+s14], $0x80, s23, s14, $0xb8;
	[tilespmem:$0x1E800] =	vst v63  }
0x42: {  	_ =	swait.ge [sflag:s19], $0x4000  }
0x43: {  	[sflag:s19] =	ssyncset.done $0x0  }
0x44: {  	s31 =	sadd.s32 $0x1800, s22;
	[sflag:s19] =	ssyncadd.s32 $0xFFFFC000  }
0x45: {  	[spmem:s3] =	stream.indirect.scatter.add.f32 [tilespmem:s15], [sflag:$0x3], $0x80, s31, s14, $0xb8;
	[tilespmem:$0x1E800] =	vst v63  }
0x46: {  	_ =	swait.ge [sflag:s12], $0x4000  }
0x47: {  	[sflag:s12] =	ssyncset.done $0x0  }
0x48: {  	s24 =	sadd.s32 $0x100, s22;
	[sflag:s12] =	ssyncadd.s32 $0xFFFFC000  }
0x49: {  	[tilespmem:s15], [sflag:$0x1] =	stream.indirect.gather [hbm4b:s2+s14], $0x80, s24, s14, $0xb8;
	[tilespmem:$0x1E800] =	vst v63  }
0x4a: {  	_ =	swait.ge [sflag:s20], $0x4000  }
0x4b: {  	[sflag:s20] =	ssyncset.done $0x0  }
0x4c: {  	s25 =	sadd.s32 $0x1880, s22;
	[sflag:s20] =	ssyncadd.s32 $0xFFFFC000  }
0x4d: {  	[spmem:s3] =	stream.indirect.scatter.add.f32 [tilespmem:s18], [sflag:$0x3], $0x80, s25, s14, $0xb8;
	[tilespmem:$0x1E800] =	vst v63  }
0x4e: {  	_ =	swait.ge [sflag:s12], $0x4000  }
0x4f: {  	[sflag:s12] =	ssyncset.done $0x0  }
0x50: {  	[sflag:s12] =	ssyncadd.s32 $0xFFFFC000  }
0x51: {  	_ =	swait.ge [sflag:s19], $0x4000  }
0x52: {  	[sflag:s19] =	ssyncset.done $0x0  }
0x53: {  	s26 =	simm.s32 $0x0;
	[sflag:s19] =	ssyncadd.s32 $0xFFFFC000  }
0x54: {  	[tilespmem:s26], [sflag:$0x3] =	stream.linear.gather [hbm4b:s8+s26], $0x1800, $0x38;
	[tilespmem:$0x1E800] =	vst v63  }
0x55: {  	_ =	swait.ge [sflag:s12], $0x1800  }
0x56: {  	[sflag:s12] =	ssyncset.done $0x0  }
0x57: {  	[sflag:s12] =	ssyncadd.s32 $0xFFFFE800  }
0x58: {  	[tilespmem:s13], [sflag:$0x3] =	stream.linear.gather [hbm4b:s9+s26], $0x1400, $0x38;
	[tilespmem:$0x1E800] =	vst v63  }
0x59: {  	_ =	swait.ge [sflag:s12], $0x1400  }
0x5a: {  	[sflag:s12] =	ssyncset.done $0x0  }
0x5b: {  	[sflag:s12] =	ssyncadd.s32 $0xFFFFEC00  }
0x5c: {  	[tilespmem:s15], [sflag:$0x1] =	stream.indirect.gather [hbm4b:s2+s14], $0x80, s26, s14, $0xb8;
	[tilespmem:$0x1E800] =	vst v63  }
0x5d: {  	s28 =	simm.s32 $0x80  }
0x5e: {  	[tilespmem:s18], [sflag:$0x2] =	stream.indirect.gather [hbm4b:s2+s14], $0x80, s28, s14, $0xb8;
	[tilespmem:$0x1E800] =	vst v63  }
0x5f: {  	_ =	swait.ge [sflag:s19], $0x4000  }
0x60: {  	[sflag:s19] =	ssyncset.done $0x0  }
0x61: {  	s29 =	simm.s32 $0x1800;
	[sflag:s19] =	ssyncadd.s32 $0xFFFFC000  }
0x62: {  	[spmem:s3] =	stream.indirect.scatter.add.f32 [tilespmem:s15], [sflag:$0x3], $0x80, s29, s14, $0xb8;
	[tilespmem:$0x1E800] =	vst v63  }
0x63: {  	_ =	swait.ge [sflag:s12], $0x4000  }
0x64: {  	[sflag:s12] =	ssyncset.done $0x0  }
0x65: {  	s30 =	simm.s32 $0x100;
	[sflag:s12] =	ssyncadd.s32 $0xFFFFC000  }
0x66: {  	[tilespmem:s15], [sflag:$0x1] =	stream.indirect.gather [hbm4b:s2+s14], $0x80, s30, s14, $0xb8;
	[tilespmem:$0x1E800] =	vst v63  }
0x67: {  	_ =	swait.ge [sflag:s20], $0x4000  }
0x68: {  	[sflag:s20] =	ssyncset.done $0x0  }
0x69: {  	s31 =	simm.s32 $0x1880;
	[sflag:s20] =	ssyncadd.s32 $0xFFFFC000  }
0x6a: {  	[spmem:s3] =	stream.indirect.scatter.add.f32 [tilespmem:s18], [sflag:$0x3], $0x80, s31, s14, $0xb8;
	[tilespmem:$0x1E800] =	vst v63  }
0x6b: {  	_ =	swait.ge [sflag:s12], $0x4000  }
0x6c: {  	s22 =	simm.s32 $0x100;
	s23 =	simm.s32 $0x800;
	[sflag:s12] =	ssyncset.done $0x0  }
.LBB2_4:
0x6d: {  	s24 =	sadd.s32 $0x80, s22  }
0x6e: {  	[sflag:s12] =	ssyncadd.s32 $0xFFFFC000;
	s25 =	smov.u32 s23;
	s26 =	sadd.s32 $0x400, s23  }
0x6f: {  	[tilespmem:s18], [sflag:$0x2] =	stream.indirect.gather [hbm4b:s2+s14], $0x80, s24, s14, $0xb8;
	[tilespmem:$0x1E800] =	vst v63  }
0x70: {  	p0 =	sne.s32 s23, $0x4C00;
	_ =	swait.ge [sflag:s19], $0x4000  }
0x71: {  	[sflag:s19] =	ssyncset.done $0x0  }
0x72: {  	s23 =	sadd.s32 $0x1800, s22;
	[sflag:s19] =	ssyncadd.s32 $0xFFFFC000  }
0x73: {  	[spmem:s3] =	stream.indirect.scatter.add.f32 [tilespmem:s15], [sflag:$0x3], $0x80, s23, s14, $0xb8;
	[tilespmem:$0x1E800] =	vst v63  }
0x74: {  	_ =	swait.ge [sflag:s12], $0x4000  }
0x75: {  	[sflag:s12] =	ssyncset.done $0x0  }
0x76: {  	s23 =	sadd.s32 $0x100, s22;
	[sflag:s12] =	ssyncadd.s32 $0xFFFFC000  }
0x77: {  	[tilespmem:s15], [sflag:$0x1] =	stream.indirect.gather [hbm4b:s2+s14], $0x80, s23, s14, $0xb8;
	[tilespmem:$0x1E800] =	vst v63  }
0x78: {  	_ =	swait.ge [sflag:s20], $0x4000  }
.Ltmp1:
0x79: {  	[sflag:s20] =	ssyncset.done $0x0;
	(pc) =	sbr.rel @p0 .LBB2_4-.Ltmp1, $4  }
0x7a: {  	s22 =	sadd.s32 $0x1880, s22;
	[sflag:s20] =	ssyncadd.s32 $0xFFFFC000  }
0x7b: {  	[spmem:s3] =	stream.indirect.scatter.add.f32 [tilespmem:s18], [sflag:$0x3], $0x80, s22, s14, $0xb8;
	[tilespmem:$0x1E800] =	vst v63  }
0x7c: {  	_ =	swait.ge [sflag:s12], $0x4000  }
0x7d: {  	s23 =	smov.u32 s26;
	s22 =	sshra.s32 s25, $0x2;
	[sflag:s12] =	ssyncset.done $0x0  }
0x7e: {  	s23 =	sadd.s32 $0x80, s22;
	[sflag:s12] =	ssyncadd.s32 $0xFFFFC000  }
0x7f: {  	[tilespmem:s18], [sflag:$0x2] =	stream.indirect.gather [hbm4b:s2+s14], $0x80, s23, s14, $0xb8;
	[tilespmem:$0x1E800] =	vst v63  }
0x80: {  	_ =	swait.ge [sflag:s19], $0x4000  }
0x81: {  	[sflag:s19] =	ssyncset.done $0x0  }
0x82: {  	s29 =	sadd.s32 $0x1800, s22;
	[sflag:s19] =	ssyncadd.s32 $0xFFFFC000  }
0x83: {  	[spmem:s3] =	stream.indirect.scatter.add.f32 [tilespmem:s15], [sflag:$0x3], $0x80, s29, s14, $0xb8;
	[tilespmem:$0x1E800] =	vst v63  }
0x84: {  	_ =	swait.ge [sflag:s12], $0x4000  }
0x85: {  	[sflag:s12] =	ssyncset.done $0x0  }
0x86: {  	s30 =	sadd.s32 $0x100, s22;
	[sflag:s12] =	ssyncadd.s32 $0xFFFFC000  }
0x87: {  	[tilespmem:s15], [sflag:$0x1] =	stream.indirect.gather [hbm4b:s2+s14], $0x80, s30, s14, $0xb8;
	[tilespmem:$0x1E800] =	vst v63  }
0x88: {  	_ =	swait.ge [sflag:s20], $0x4000  }
0x89: {  	[sflag:s20] =	ssyncset.done $0x0  }
0x8a: {  	s31 =	sadd.s32 $0x1880, s22;
	[sflag:s20] =	ssyncadd.s32 $0xFFFFC000  }
0x8b: {  	[spmem:s3] =	stream.indirect.scatter.add.f32 [tilespmem:s18], [sflag:$0x3], $0x80, s31, s14, $0xb8;
	[tilespmem:$0x1E800] =	vst v63  }
0x8c: {  	_ =	swait.ge [sflag:s12], $0x4000  }
0x8d: {  	[sflag:s12] =	ssyncset.done $0x0  }
0x8e: {  	[sflag:s12] =	ssyncadd.s32 $0xFFFFC000  }
0x8f: {  	_ =	swait.ge [sflag:s19], $0x4000  }
0x90: {  	s21 =	sadd.s32 $0x1, s21;
	[sflag:s19] =	ssyncset.done $0x0  }
0x91: {  	p0 =	sne.s32 s21, s11;
	[sflag:s19] =	ssyncadd.s32 $0xFFFFC000  }
.Ltmp2:
0x92: {  	[bflag:$0x0] =	sbarrier.arrive $0xFFFF;
	(pc) =	sbr.rel @p0 .LBB2_1-.Ltmp2, $4  }
0x93: {  	[hbm:s10], [sflag:s16] =	dma.local [spmem:s17], $0x2780  }
0x94: {  	_ =	swait.ge [sflag:s12], $0x2780  }
0x95: {  	[sflag:s12] =	ssyncset.done $0x0  }
0x96: {  	[sflag:s12] =	ssyncadd.s32 $0xFFFFD880  }
0x97: {  	_ =	sfence.sel $0x180000  }
0x98: {  	[bflag:$0x0] =	sbarrier.arrive $0xFFFF  }
0x99: {  	p0 =	sne.s32 s0, $0x0;
	_ =	strace $0x9000004D  }
0x9a: {  	s0 =	sadd.s32 @!p0 $0x100000, s1;
	[bflag:$0x2] =	sbarrier.arrive $0xFFFF  }
0x9b: {  	[sflag:s0] =	ssyncadd.tile.s32 @!p0 $0x1;
	_ =	shalt  }
.Lfunc_end2:
_tile_overlayer_lowered:
.L_overlay_start_2:
0x9c: {  	(tag) =	ssettag $0x2  }
0x9d: {  	s0 =	rddreg [dreg:$0x0];
	s2 =	stileid.u32  }
0x9e: {  	s1 =	rddreg [dreg:$0x1];
	p0 =	sne.s32 s2, $0x0  }
0x9f: {  	s3 =	rddreg [dreg:$0x2];
	[bflag:$0x3] =	sbarrier.arrive $0xFFFF;
	s2 =	simm.s32 @!p0 $0x1C03  }
0xa0: {  	[timem:s3], [sflag:s2] =	dma.local @!p0 [hbm:s0], s1  }
0xa1: {  	s0 =	simm.s32 @!p0 $0x3  }
0xa2: {  	_ =	swait.ge @!p0 [sflag:s0], s1  }
0xa3: {  	s1 =	ssub.s32 @!p0 $0x0, s1;
	[sflag:s0] =	ssyncset.done @!p0 $0x0  }
0xa4: {  	[sflag:s0] =	ssyncadd.s32 @!p0 s1  }
0xa5: {  	[bflag:$0x3] =	sbarrier.arrive $0xFFFF  }
0xa6: {  	_ =	shalt  }

// kernel: kernel.20.cloned.1.call-start
scs
__scs_entry_jumppad:
0x0: {  	(pc) =	sbr.rel $0x88, $3  }
0x1: {  	(tag) =	ssettag $0x0;
	lr =	simm.s32 $0x1  }
0x2: {  	[smem:$0x3F95] =	sst lr;
	_ =	strace $0xD0000000  }
0x3: {  	_ = 	snop  }
0x4: {  	_ = 	snop  }
0x5: {  	_ = 	snop  }
0x6: {  	_ = 	snop  }
0x7: {  	_ = 	snop  }
__scs_overlays_trampoline_lowered:
0x8: {  	[smem:$0x3FA4] =	sst s0  }
0x9: {  	[smem:$0x3FA5] =	sst s1  }
0xa: {  	[smem:$0x3FA6] =	sst s2  }
0xb: {  	[smem:$0x3FA7] =	sst s3  }
0xc: {  	[smem:$0x3FA8] =	sst s4  }
0xd: {  	[smem:$0x3FA9] =	sst s5  }
0xe: {  	[smem:$0x3FAA] =	sst s6  }
0xf: {  	[smem:$0x3FAB] =	sst s7  }
0x10: {  	[smem:$0x3FAC] =	sst s8  }
0x11: {  	[smem:$0x3FAD] =	sst s9;
	s0 =	simm.s32 @!p0 $0x0  }
0x12: {  	s1 =	sld [smem:$0x3F93];
	s0 =	simm.s32 @p0 $0x1  }
0x13: {  	[smem:$0x3FAE] =	sst s0;
	s0 =	simm.s32 @!p1 $0x0  }
0x14: {  	s2 =	sld [smem:$0x3F92];
	s0 =	simm.s32 @p1 $0x1  }
0x15: {  	[smem:$0x3FAF] =	sst s0;
	s0 =	simm.s32 @!p2 $0x0  }
0x16: {  	s3 =	sld [smem:$0x3FDB];
	s0 =	simm.s32 @p2 $0x1  }
0x17: {  	s4 =	simm.s32 $0x1BF5;
	[smem:$0x3FB1] =	sst s0  }
0x18: {  	s0 =	sld [smem:$0x3F94];
	_ =	swait.ge [sflag:s4], $0x0  }
0x19: {  	s7 =	sld [smem:$0x3F95]  }
0x1a: {  	s8 =	sadd.s32 $0xFFFFE003, lr  }
0x1b: {  	s9 =	sadd.s32 $0xFFFFFEF7, lr;
	s5 =	simm.s32 $0xFFFFFFFF;
	p2 =	slt.u32 s8, $0xFFFFF086  }
0x1c: {  	p1 =	slt.u32 s9, $0xF7A;
	s5 =	simm.s32 @!p2 $0x0  }
0x1d: {  	s5 =	simm.s32 @p1 $0x1;
	p0 =	seq.s32 s7, s2  }
0x1e: {  	s7 =	smul.u32 @!p0 $0xF7A, s2;
	p2 =	seq.s32 @!p0 s5, $0x0  }
0x1f: {  	s9 =	smul.u32 $0xF7A, s1;
	s8 =	simm.s32 @!p0 $0x1BF5;
	p2 =	por !p2, p0  }
0x20: {  	[sflag:s8] =	ssyncset.s32 @!p0 $0xFFFFF086;
	s6 =	sadd.s32 @!p0 s3, s7;
	s7 =	simm.s32 @!p0 $0x108  }
0x21: {  	s3 =	sadd.s32 s3, s9;
	s6 =	sadd.s32 @!p0 $0x88, s6;
	s7 =	simm.s32 @p2 $0x1082  }
0x22: {  	[simem:s7], [sflag:s8] =	dma.local @!p0 [hbm:s6], $0xF7A  }
0x23: {  	s9 =	sor.u32 $0xD0000000, s2;
	s6 =	simm.s32 $0x108;
	_ =	swait.ge @!p0 [sflag:s8], $0x0  }
0x24: {  	s3 =	sadd.s32 $0x88, s3;
	s6 =	simm.s32 @!p1 $0x1082;
	[sflag:s4] =	ssyncset.s32 $0xFFFFF086  }
0x25: {  	[simem:s6], [sflag:s4] =	dma.local [hbm:s3], $0xF7A  }
0x26: {  	[smem:$0x3F95] =	sst s1;
	(tag) =	ssettag s2;
	_ =	strace s9  }
0x27: {  	s1 =	sld [smem:$0x3FA5]  }
0x28: {  	s2 =	sld [smem:$0x3FA6]  }
0x29: {  	s4 =	sld [smem:$0x3FA8]  }
0x2a: {  	p0 =	seq.s32 s5, $0x0;
	s5 =	sld [smem:$0x3FA9]  }
0x2b: {  	s6 =	sld [smem:$0x3FAA]  }
0x2c: {  	s7 =	sld [smem:$0x3FAB]  }
0x2d: {  	s3 =	simm.s32 $0x108;
	s8 =	sld [smem:$0x3FAC]  }
0x2e: {  	s3 =	simm.s32 @!p0 $0x1082;
	s9 =	sld [smem:$0x3FAD]  }
0x2f: {  	lr =	sadd.s32 s0, s3;
	s0 =	sld [smem:$0x3FA4]  }
0x30: {  	s3 =	sld [smem:$0x3FA7]  }
0x31: {  	[smem:$0x3FB0] =	sst s10  }
0x32: {  	s10 =	sld [smem:$0x3FAE];
	_ =	sdelay $0x3  }
0x33: {  	p0 =	seq.s32 s10, $0x1;
	s10 =	sld [smem:$0x3FB0];
	_ =	sdelay $0x3  }
0x34: {  	[smem:$0x3FB0] =	sst s10  }
0x35: {  	s10 =	sld [smem:$0x3FAF];
	_ =	sdelay $0x3  }
0x36: {  	p1 =	seq.s32 s10, $0x1;
	s10 =	sld [smem:$0x3FB0];
	_ =	sdelay $0x3  }
0x37: {  	[smem:$0x3FB0] =	sst s10  }
0x38: {  	s10 =	sld [smem:$0x3FB1]  }
0x39: {  	_ = 	snop;
	(pc) =	sbr.ind lr, $3  }
0x3a: {  	_ = 	snop  }
0x3b: {  	_ = 	snop  }
0x3c: {  	p2 =	seq.s32 s10, $0x1;
	s10 =	sld [smem:$0x3FB0]  }
0x3d: {  	_ =	shalt  }
0x3e: {  	_ =	shalt  }
0x3f: {  	_ =	shalt  }
0x40: {  	_ =	shalt  }
0x41: {  	_ =	shalt  }
0x42: {  	_ =	shalt  }
0x43: {  	_ =	shalt  }
0x44: {  	_ =	shalt  }
0x45: {  	_ =	shalt  }
0x46: {  	_ =	shalt  }
0x47: {  	_ =	shalt  }
0x48: {  	_ =	shalt  }
0x49: {  	_ =	shalt  }
0x4a: {  	_ =	shalt  }
0x4b: {  	_ =	shalt  }
0x4c: {  	_ =	shalt  }
0x4d: {  	_ =	shalt  }
0x4e: {  	_ =	shalt  }
0x4f: {  	_ =	shalt  }
0x50: {  	_ =	shalt  }
0x51: {  	_ =	shalt  }
0x52: {  	_ =	shalt  }
0x53: {  	_ =	shalt  }
0x54: {  	_ =	shalt  }
0x55: {  	_ =	shalt  }
0x56: {  	_ =	shalt  }
0x57: {  	_ =	shalt  }
0x58: {  	_ =	shalt  }
0x59: {  	_ =	shalt  }
0x5a: {  	_ =	shalt  }
0x5b: {  	_ =	shalt  }
0x5c: {  	_ =	shalt  }
0x5d: {  	_ =	shalt  }
0x5e: {  	_ =	shalt  }
0x5f: {  	_ =	shalt  }
0x60: {  	_ =	shalt  }
0x61: {  	_ =	shalt  }
0x62: {  	_ =	shalt  }
0x63: {  	_ =	shalt  }
0x64: {  	_ =	shalt  }
0x65: {  	_ =	shalt  }
0x66: {  	_ =	shalt  }
0x67: {  	_ =	shalt  }
0x68: {  	_ =	shalt  }
0x69: {  	_ =	shalt  }
0x6a: {  	_ =	shalt  }
0x6b: {  	_ =	shalt  }
0x6c: {  	_ =	shalt  }
0x6d: {  	_ =	shalt  }
0x6e: {  	_ =	shalt  }
0x6f: {  	_ =	shalt  }
0x70: {  	_ =	shalt  }
0x71: {  	_ =	shalt  }
0x72: {  	_ =	shalt  }
0x73: {  	_ =	shalt  }
0x74: {  	_ =	shalt  }
0x75: {  	_ =	shalt  }
0x76: {  	_ =	shalt  }
0x77: {  	_ =	shalt  }
0x78: {  	_ =	shalt  }
0x79: {  	_ =	shalt  }
0x7a: {  	_ =	shalt  }
0x7b: {  	_ =	shalt  }
0x7c: {  	_ =	shalt  }
0x7d: {  	_ =	shalt  }
0x7e: {  	_ =	shalt  }
0x7f: {  	_ =	shalt  }
0x80: {  	_ =	shalt  }
0x81: {  	_ =	shalt  }
0x82: {  	_ =	shalt  }
0x83: {  	_ =	shalt  }
0x84: {  	_ =	shalt  }
0x85: {  	_ =	shalt  }
0x86: {  	_ =	shalt  }
0x87: {  	_ =	shalt  }
.Lfunc_end0:
.L_simem_size_0:
called_computation.3_lowered:
.L_overlay_start_0:
0x88: {  	s2 =	sld [smem:$0x3FD9]  }
0x89: {  	s3 =	sld [smem:$0x3FFE];
	_ =	sdelay $0x1  }
0x8a: {  	s1 =	srdreg.scid  }
0x8b: {  	s0 =	sand.u32 $0x1, s1  }
0x8c: {  	s17 =	sshll.u32 s0, $0xA;
	s2 =	sadd.s32 s3, s2  }
0x8d: {  	s2 =	sadd.s32 s2, s17  }
0x8e: {  	[smem:$0x3FBC] =	sst s2  }
0x8f: {  	_ = 	snop  }
0x90: {  	s2 =	sld [smem:$0x3FD0];
	(tm) =	ssettm $0x1  }
0x91: {  	s18 =	sld [smem:$0x3FFB];
	_ =	sdelay $0x3  }
0x92: {  	_ =	strace s18  }
0x93: {  	s3 =	sld [smem:$0x3FFC];
	_ =	sdelay $0x3  }
0x94: {  	_ =	strace s3  }
0x95: {  	s3 =	sld [smem:$0x3FFD];
	_ =	sdelay $0x3  }
0x96: {  	_ =	strace s3  }
0x97: {  	_ =	strace $0x8FFFFFFF  }
0x98: {  	s19 =	sld [smem:$0x3FDB];
	_ =	sdelay $0x1  }
0x99: {  	s4 =	simm.s32 $_scs_section_size  }
0x9a: {  	s5 =	simm.s32 $_size__tile_overlayer_lowered;
	s6 =	simm.s32 $_tile_overlayer_lowered  }
0x9b: {  	s22 =	simm.s32 $0x1BFF;
	s21 =	sshll.u32 s6, $0x1;
	s3 =	sadd.s32 s4, s19  }
0x9c: {  	s7 =	simm.s32 $0x0;
	s20 =	sshll.u32 s5, $0x1;
	s5 =	sadd.s32 s21, s3  }
0x9d: {  	[timem:s7], [sflag:s22] =	dma.local [hbm:s5], s20  }
0x9e: {  	_ =	swait.ge [sflag:s22], s20  }
0x9f: {  	s4 =	ssub.s32 $0x0, s20;
	[sflag:s22] =	ssyncset.done $0x0  }
0xa0: {  	[sflag:s22] =	ssyncadd.s32 s4;
	_ =	sdelay $0x1  }
0xa1: {  	s23 =	simm.s32 $0x1B8B  }
0xa2: {  	_ =	swait.ge [sflag:s23], $0x1  }
0xa3: {  	[sflag:s23] =	ssyncset.done $0x0  }
0xa4: {  	s25 =	simm.s32 $0x1B8E;
	s24 =	sld [smem:$0x3FFE];
	[sflag:s23] =	ssyncadd.s32 $0xFFFFFFFF  }
0xa5: {  	s26 =	simm.s32 $execute0_lowered;
	[smem:$0x3FD2] =	sst s25  }
0xa6: {  	s5 =	sshll.u32 s26, $0x1;
	_ =	strace $0x8000004F;
	[dreg:$0x1] =	wrdreg $0xFFFFFFFF  }
0xa7: {  	s28 =	simm.s32 $_size_execute0_lowered;
	s3 =	sadd.s32 s3, s5;
	[dreg:$0x0] =	wrdreg $0x0  }
0xa8: {  	s5 =	sshll.u32 s28, $0x1;
	[dreg:$0x2] =	wrdreg s3  }
0xa9: {  	[dreg:$0x3] =	wrdreg s5  }
0xaa: {  	[dreg:$0x4] =	wrdreg $0xC0  }
0xab: {  	_ =	task [dreg:s7], $0x5FFFF  }
0xac: {  	[dreg:$0x1] =	wrdreg $0xFFFFFFFF  }
0xad: {  	[dreg:$0x0] =	wrdreg $0x60  }
0xae: {  	[dreg:$0x2] =	wrdreg s2  }
0xaf: {  	[dreg:$0x3] =	wrdreg s24  }
0xb0: {  	[dreg:$0x4] =	wrdreg $0xAC000  }
0xb1: {  	[dreg:$0x5] =	wrdreg $0x9  }
0xb2: {  	_ =	task.clear_ibuf [dreg:s7], $0x6FFFF;
	_ =	strace $0x9000004F  }
0xb3: {  	s29 =	simm.s32 $0x9;
	_ =	strace $0x80000051  }
0xb4: {  	_ =	swait.ge [sflag:s29], $0x1  }
0xb5: {  	[sflag:s29] =	ssyncadd.s32 $0xFFFFFFFF  }
0xb6: {  	_ =	strace $0x90000051  }
0xb7: {  	_ =	sfence  }
0xb8: {  	s30 =	sld [smem:$0x0];
	_ =	sdelay $0x2  }
0xb9: {  	s31 =	sshll.u32 s1, $0xD;
	s1 =	sshrl.u32 s1, $0x2  }
0xba: {  	s3 =	sand.u32 $0x4000, s31;
	s1 =	sadd.s32 s1, s30  }
0xbb: {  	s0 =	sor.u32 s3, s0;
	s1 =	sshll.u32 s1, $0x11  }
0xbc: {  	s0 =	sor.u32 s1, s0  }
0xbd: {  	s0 =	sadd.s32 $0x8F2B, s0  }
0xbe: {  	[sflag:s0] =	ssyncadd.remote.s32 $0x1  }
0xbf: {  	_ =	sfence.sel $0xFFFF  }
0xc0: {  	[dreg:$0x0] =	wrdreg $0xFFFFFFFF;
	(pc) =	sbr.abs _section_cstart, $3  }
0xc1: {  	[dreg:$0x1] =	wrdreg $0xFFFFFFFF  }
0xc2: {  	_ =	task.clear_ibuf [dreg:s7], $0x2FFFF;
	_ =	strace $0x9FFFFFFF  }
0xc3: {  	(tm) =	ssettm $0x7FFFFFFF  }
tec
execute0_lowered:
.L_overlay_start_1:
0x0: {  	(tag) =	ssettag $0x1  }
0x1: {  	s1 =	srdreg.scid;
	s2 =	rddreg [dreg:$0x0]  }
0x2: {  	s0 =	stileid.u32;
	s6 =	rddreg [dreg:$0x1]  }
0x3: {  	s3 =	rddreg [dreg:$0x2];
	s4 =	simm.s32 $0x0;
	s14 =	simm.s32 $0x80  }
0x4: {  	s15 =	simm.s32 $0x2C00;
	s18 =	simm.s32 $0x6C00;
	s19 =	simm.s32 $0x1  }
0x5: {  	s20 =	simm.s32 $0x2;
	s21 =	simm.s32 $0x0;
	s9 =	smul.u32 $0x13C00, s0  }
0x6: {  	s5 =	sand.u32 $0x1, s1;
	s23 =	sshll.u32 s0, $0x1;
	s28 =	smul.u32 $0x4F000, s0  }
0x7: {  	[smem:$0x7FF] =	sst s4;
	s1 =	sor.u32 s5, s23;
	s10 =	smul.u32 $0x13C000, s5  }
0x8: {  	s16 =	sshll.u32 s0, $0x6;
	s5 =	ssub.s32 $0x2, s5;
	s7 =	smul.u32 $0x2C00, s1  }
0x9: {  	s16 =	sor.u32 $0x1C03, s16;
	s8 =	smul.u32 $0x2800, s1;
	s1 =	rddreg [dreg:$0x3]  }
0xa: {  	_ =	strace $0x80000050;
	s25 =	sshrl.u32 s9, $0x3;
	s30 =	sshrl.u32 s5, $0x1  }
0xb: {  	s31 =	sshrl.u32 s28, $0x2;
	s26 =	sadd.s32 s9, s10;
	s13 =	ssub.s32 s5, s30  }
0xc: {  	s17 =	sadd.s32 s31, s3;
	s7 =	sshrl.u32 s7, $0x3;
	s24 =	sshrl.u32 s8, $0x3  }
0xd: {  	s8 =	sshrl.u32 s26, $0x3;
	s17 =	sshrl.u32 s17, $0x3;
	s11 =	sadd.s32 s7, s6  }
0xe: {  	s12 =	sadd.s32 s24, s6;
	s7 =	sadd.s32 s25, s6;
	s29 =	sadd.s32 s8, s6  }
0xf: {  	s5 =	sadd.s32 $0x84400, s11;
	s6 =	sadd.s32 $0x3C00, s12;
	s7 =	sadd.s32 $0xDC00, s7  }
0x10: {  	s8 =	sadd.s32 $0x84680, s11;
	s9 =	sadd.s32 $0x3E80, s12;
	s10 =	sadd.s32 $0x35400, s29  }
0x11: {  	s11 =	smax.u32 s13, $0x1;
	s12 =	simm.s32 $0x3;
	s13 =	simm.s32 $0x1800  }
.LBB2_1:
0x12: {  	[tilespmem:s4], [sflag:$0x3] =	stream.linear.gather [hbm4b:s5+s4], $0x1800, $0x38;
	[tilespmem:$0x1E800] =	vst v63  }
0x13: {  	_ =	swait.ge [sflag:s12], $0x1800  }
0x14: {  	[sflag:s12] =	ssyncset.done $0x0  }
0x15: {  	[sflag:s12] =	ssyncadd.s32 $0xFFFFE800  }
0x16: {  	[tilespmem:s13], [sflag:$0x3] =	stream.linear.gather [hbm4b:s6+s4], $0x1400, $0x38;
	[tilespmem:$0x1E800] =	vst v63  }
0x17: {  	_ =	swait.ge [sflag:s12], $0x1400  }
0x18: {  	[sflag:s12] =	ssyncset.done $0x0  }
0x19: {  	[sflag:s12] =	ssyncadd.s32 $0xFFFFEC00  }
0x1a: {  	[tilespmem:s15], [sflag:$0x1] =	stream.indirect.gather [hbm4b:s2+s14], $0x80, s4, s14, $0xb8;
	[tilespmem:$0x1E800] =	vst v63  }
0x1b: {  	[spmem:s17], [sflag:s16] =	dma.local [hbm:s7], $0x2780  }
0x1c: {  	_ =	swait.ge [sflag:s12], $0x2780  }
0x1d: {  	[sflag:s12] =	ssyncset.done $0x0  }
0x1e: {  	[sflag:s12] =	ssyncadd.s32 $0xFFFFD880  }
0x1f: {  	s22 =	simm.s32 $0x80;
	[bflag:$0x0] =	sbarrier.arrive $0xFFFF  }
0x20: {  	[tilespmem:s18], [sflag:$0x2] =	stream.indirect.gather [hbm4b:s2+s14], $0x80, s22, s14, $0xb8;
	[tilespmem:$0x1E800] =	vst v63  }
0x21: {  	_ =	swait.ge [sflag:s19], $0x4000  }
0x22: {  	[sflag:s19] =	ssyncset.done $0x0  }
0x23: {  	s29 =	simm.s32 $0x1800;
	[sflag:s19] =	ssyncadd.s32 $0xFFFFC000  }
0x24: {  	[spmem:s3] =	stream.indirect.scatter.add.f32 [tilespmem:s15], [sflag:$0x3], $0x80, s29, s14, $0xb8;
	[tilespmem:$0x1E800] =	vst v63  }
0x25: {  	_ =	swait.ge [sflag:s12], $0x4000  }
0x26: {  	[sflag:s12] =	ssyncset.done $0x0  }
0x27: {  	s30 =	simm.s32 $0x100;
	[sflag:s12] =	ssyncadd.s32 $0xFFFFC000  }
0x28: {  	[tilespmem:s15], [sflag:$0x1] =	stream.indirect.gather [hbm4b:s2+s14], $0x80, s30, s14, $0xb8;
	[tilespmem:$0x1E800] =	vst v63  }
0x29: {  	_ =	swait.ge [sflag:s20], $0x4000  }
0x2a: {  	[sflag:s20] =	ssyncset.done $0x0  }
0x2b: {  	s31 =	simm.s32 $0x1880;
	[sflag:s20] =	ssyncadd.s32 $0xFFFFC000  }
0x2c: {  	[spmem:s3] =	stream.indirect.scatter.add.f32 [tilespmem:s18], [sflag:$0x3], $0x80, s31, s14, $0xb8;
	[tilespmem:$0x1E800] =	vst v63  }
0x2d: {  	_ =	swait.ge [sflag:s12], $0x4000  }
0x2e: {  	s23 =	simm.s32 $0x800;
	s22 =	simm.s32 $0x100;
	[sflag:s12] =	ssyncset.done $0x0  }
.LBB2_2:
0x2f: {  	s24 =	sadd.s32 $0x80, s22  }
0x30: {  	[sflag:s12] =	ssyncadd.s32 $0xFFFFC000;
	s25 =	smov.u32 s23;
	s26 =	sadd.s32 $0x400, s23  }
0x31: {  	[tilespmem:s18], [sflag:$0x2] =	stream.indirect.gather [hbm4b:s2+s14], $0x80, s24, s14, $0xb8;
	[tilespmem:$0x1E800] =	vst v63  }
0x32: {  	p0 =	sne.s32 s23, $0x4C00;
	_ =	swait.ge [sflag:s19], $0x4000  }
0x33: {  	[sflag:s19] =	ssyncset.done $0x0  }
0x34: {  	s23 =	sadd.s32 $0x1800, s22;
	[sflag:s19] =	ssyncadd.s32 $0xFFFFC000  }
0x35: {  	[spmem:s3] =	stream.indirect.scatter.add.f32 [tilespmem:s15], [sflag:$0x3], $0x80, s23, s14, $0xb8;
	[tilespmem:$0x1E800] =	vst v63  }
0x36: {  	_ =	swait.ge [sflag:s12], $0x4000  }
0x37: {  	[sflag:s12] =	ssyncset.done $0x0  }
0x38: {  	s23 =	sadd.s32 $0x100, s22;
	[sflag:s12] =	ssyncadd.s32 $0xFFFFC000  }
0x39: {  	[tilespmem:s15], [sflag:$0x1] =	stream.indirect.gather [hbm4b:s2+s14], $0x80, s23, s14, $0xb8;
	[tilespmem:$0x1E800] =	vst v63  }
0x3a: {  	_ =	swait.ge [sflag:s20], $0x4000  }
.Ltmp0:
0x3b: {  	[sflag:s20] =	ssyncset.done $0x0;
	(pc) =	sbr.rel @p0 .LBB2_2-.Ltmp0, $4  }
0x3c: {  	s22 =	sadd.s32 $0x1880, s22;
	[sflag:s20] =	ssyncadd.s32 $0xFFFFC000  }
0x3d: {  	[spmem:s3] =	stream.indirect.scatter.add.f32 [tilespmem:s18], [sflag:$0x3], $0x80, s22, s14, $0xb8;
	[tilespmem:$0x1E800] =	vst v63  }
0x3e: {  	_ =	swait.ge [sflag:s12], $0x4000  }
0x3f: {  	s23 =	smov.u32 s26;
	s22 =	sshra.s32 s25, $0x2;
	[sflag:s12] =	ssyncset.done $0x0  }
0x40: {  	s23 =	sadd.s32 $0x80, s22;
	[sflag:s12] =	ssyncadd.s32 $0xFFFFC000  }
0x41: {  	[tilespmem:s18], [sflag:$0x2] =	stream.indirect.gather [hbm4b:s2+s14], $0x80, s23, s14, $0xb8;
	[tilespmem:$0x1E800] =	vst v63  }
0x42: {  	_ =	swait.ge [sflag:s19], $0x4000  }
0x43: {  	[sflag:s19] =	ssyncset.done $0x0  }
0x44: {  	s31 =	sadd.s32 $0x1800, s22;
	[sflag:s19] =	ssyncadd.s32 $0xFFFFC000  }
0x45: {  	[spmem:s3] =	stream.indirect.scatter.add.f32 [tilespmem:s15], [sflag:$0x3], $0x80, s31, s14, $0xb8;
	[tilespmem:$0x1E800] =	vst v63  }
0x46: {  	_ =	swait.ge [sflag:s12], $0x4000  }
0x47: {  	[sflag:s12] =	ssyncset.done $0x0  }
0x48: {  	s24 =	sadd.s32 $0x100, s22;
	[sflag:s12] =	ssyncadd.s32 $0xFFFFC000  }
0x49: {  	[tilespmem:s15], [sflag:$0x1] =	stream.indirect.gather [hbm4b:s2+s14], $0x80, s24, s14, $0xb8;
	[tilespmem:$0x1E800] =	vst v63  }
0x4a: {  	_ =	swait.ge [sflag:s20], $0x4000  }
0x4b: {  	[sflag:s20] =	ssyncset.done $0x0  }
0x4c: {  	s25 =	sadd.s32 $0x1880, s22;
	[sflag:s20] =	ssyncadd.s32 $0xFFFFC000  }
0x4d: {  	[spmem:s3] =	stream.indirect.scatter.add.f32 [tilespmem:s18], [sflag:$0x3], $0x80, s25, s14, $0xb8;
	[tilespmem:$0x1E800] =	vst v63  }
0x4e: {  	_ =	swait.ge [sflag:s12], $0x4000  }
0x4f: {  	[sflag:s12] =	ssyncset.done $0x0  }
0x50: {  	[sflag:s12] =	ssyncadd.s32 $0xFFFFC000  }
0x51: {  	_ =	swait.ge [sflag:s19], $0x4000  }
0x52: {  	[sflag:s19] =	ssyncset.done $0x0  }
0x53: {  	s26 =	simm.s32 $0x0;
	[sflag:s19] =	ssyncadd.s32 $0xFFFFC000  }
0x54: {  	[tilespmem:s26], [sflag:$0x3] =	stream.linear.gather [hbm4b:s8+s26], $0x1800, $0x38;
	[tilespmem:$0x1E800] =	vst v63  }
0x55: {  	_ =	swait.ge [sflag:s12], $0x1800  }
0x56: {  	[sflag:s12] =	ssyncset.done $0x0  }
0x57: {  	[sflag:s12] =	ssyncadd.s32 $0xFFFFE800  }
0x58: {  	[tilespmem:s13], [sflag:$0x3] =	stream.linear.gather [hbm4b:s9+s26], $0x1400, $0x38;
	[tilespmem:$0x1E800] =	vst v63  }
0x59: {  	_ =	swait.ge [sflag:s12], $0x1400  }
0x5a: {  	[sflag:s12] =	ssyncset.done $0x0  }
0x5b: {  	[sflag:s12] =	ssyncadd.s32 $0xFFFFEC00  }
0x5c: {  	[tilespmem:s15], [sflag:$0x1] =	stream.indirect.gather [hbm4b:s2+s14], $0x80, s26, s14, $0xb8;
	[tilespmem:$0x1E800] =	vst v63  }
0x5d: {  	s28 =	simm.s32 $0x80  }
0x5e: {  	[tilespmem:s18], [sflag:$0x2] =	stream.indirect.gather [hbm4b:s2+s14], $0x80, s28, s14, $0xb8;
	[tilespmem:$0x1E800] =	vst v63  }
0x5f: {  	_ =	swait.ge [sflag:s19], $0x4000  }
0x60: {  	[sflag:s19] =	ssyncset.done $0x0  }
0x61: {  	s29 =	simm.s32 $0x1800;
	[sflag:s19] =	ssyncadd.s32 $0xFFFFC000  }
0x62: {  	[spmem:s3] =	stream.indirect.scatter.add.f32 [tilespmem:s15], [sflag:$0x3], $0x80, s29, s14, $0xb8;
	[tilespmem:$0x1E800] =	vst v63  }
0x63: {  	_ =	swait.ge [sflag:s12], $0x4000  }
0x64: {  	[sflag:s12] =	ssyncset.done $0x0  }
0x65: {  	s30 =	simm.s32 $0x100;
	[sflag:s12] =	ssyncadd.s32 $0xFFFFC000  }
0x66: {  	[tilespmem:s15], [sflag:$0x1] =	stream.indirect.gather [hbm4b:s2+s14], $0x80, s30, s14, $0xb8;
	[tilespmem:$0x1E800] =	vst v63  }
0x67: {  	_ =	swait.ge [sflag:s20], $0x4000  }
0x68: {  	[sflag:s20] =	ssyncset.done $0x0  }
0x69: {  	s31 =	simm.s32 $0x1880;
	[sflag:s20] =	ssyncadd.s32 $0xFFFFC000  }
0x6a: {  	[spmem:s3] =	stream.indirect.scatter.add.f32 [tilespmem:s18], [sflag:$0x3], $0x80, s31, s14, $0xb8;
	[tilespmem:$0x1E800] =	vst v63  }
0x6b: {  	_ =	swait.ge [sflag:s12], $0x4000  }
0x6c: {  	s22 =	simm.s32 $0x100;
	s23 =	simm.s32 $0x800;
	[sflag:s12] =	ssyncset.done $0x0  }
.LBB2_4:
0x6d: {  	s24 =	sadd.s32 $0x80, s22  }
0x6e: {  	[sflag:s12] =	ssyncadd.s32 $0xFFFFC000;
	s25 =	smov.u32 s23;
	s26 =	sadd.s32 $0x400, s23  }
0x6f: {  	[tilespmem:s18], [sflag:$0x2] =	stream.indirect.gather [hbm4b:s2+s14], $0x80, s24, s14, $0xb8;
	[tilespmem:$0x1E800] =	vst v63  }
0x70: {  	p0 =	sne.s32 s23, $0x4C00;
	_ =	swait.ge [sflag:s19], $0x4000  }
0x71: {  	[sflag:s19] =	ssyncset.done $0x0  }
0x72: {  	s23 =	sadd.s32 $0x1800, s22;
	[sflag:s19] =	ssyncadd.s32 $0xFFFFC000  }
0x73: {  	[spmem:s3] =	stream.indirect.scatter.add.f32 [tilespmem:s15], [sflag:$0x3], $0x80, s23, s14, $0xb8;
	[tilespmem:$0x1E800] =	vst v63  }
0x74: {  	_ =	swait.ge [sflag:s12], $0x4000  }
0x75: {  	[sflag:s12] =	ssyncset.done $0x0  }
0x76: {  	s23 =	sadd.s32 $0x100, s22;
	[sflag:s12] =	ssyncadd.s32 $0xFFFFC000  }
0x77: {  	[tilespmem:s15], [sflag:$0x1] =	stream.indirect.gather [hbm4b:s2+s14], $0x80, s23, s14, $0xb8;
	[tilespmem:$0x1E800] =	vst v63  }
0x78: {  	_ =	swait.ge [sflag:s20], $0x4000  }
.Ltmp1:
0x79: {  	[sflag:s20] =	ssyncset.done $0x0;
	(pc) =	sbr.rel @p0 .LBB2_4-.Ltmp1, $4  }
0x7a: {  	s22 =	sadd.s32 $0x1880, s22;
	[sflag:s20] =	ssyncadd.s32 $0xFFFFC000  }
0x7b: {  	[spmem:s3] =	stream.indirect.scatter.add.f32 [tilespmem:s18], [sflag:$0x3], $0x80, s22, s14, $0xb8;
	[tilespmem:$0x1E800] =	vst v63  }
0x7c: {  	_ =	swait.ge [sflag:s12], $0x4000  }
0x7d: {  	s23 =	smov.u32 s26;
	s22 =	sshra.s32 s25, $0x2;
	[sflag:s12] =	ssyncset.done $0x0  }
0x7e: {  	s23 =	sadd.s32 $0x80, s22;
	[sflag:s12] =	ssyncadd.s32 $0xFFFFC000  }
0x7f: {  	[tilespmem:s18], [sflag:$0x2] =	stream.indirect.gather [hbm4b:s2+s14], $0x80, s23, s14, $0xb8;
	[tilespmem:$0x1E800] =	vst v63  }
0x80: {  	_ =	swait.ge [sflag:s19], $0x4000  }
0x81: {  	[sflag:s19] =	ssyncset.done $0x0  }
0x82: {  	s29 =	sadd.s32 $0x1800, s22;
	[sflag:s19] =	ssyncadd.s32 $0xFFFFC000  }
0x83: {  	[spmem:s3] =	stream.indirect.scatter.add.f32 [tilespmem:s15], [sflag:$0x3], $0x80, s29, s14, $0xb8;
	[tilespmem:$0x1E800] =	vst v63  }
0x84: {  	_ =	swait.ge [sflag:s12], $0x4000  }
0x85: {  	[sflag:s12] =	ssyncset.done $0x0  }
0x86: {  	s30 =	sadd.s32 $0x100, s22;
	[sflag:s12] =	ssyncadd.s32 $0xFFFFC000  }
0x87: {  	[tilespmem:s15], [sflag:$0x1] =	stream.indirect.gather [hbm4b:s2+s14], $0x80, s30, s14, $0xb8;
	[tilespmem:$0x1E800] =	vst v63  }
0x88: {  	_ =	swait.ge [sflag:s20], $0x4000  }
0x89: {  	[sflag:s20] =	ssyncset.done $0x0  }
0x8a: {  	s31 =	sadd.s32 $0x1880, s22;
	[sflag:s20] =	ssyncadd.s32 $0xFFFFC000  }
0x8b: {  	[spmem:s3] =	stream.indirect.scatter.add.f32 [tilespmem:s18], [sflag:$0x3], $0x80, s31, s14, $0xb8;
	[tilespmem:$0x1E800] =	vst v63  }
0x8c: {  	_ =	swait.ge [sflag:s12], $0x4000  }
0x8d: {  	[sflag:s12] =	ssyncset.done $0x0  }
0x8e: {  	[sflag:s12] =	ssyncadd.s32 $0xFFFFC000  }
0x8f: {  	_ =	swait.ge [sflag:s19], $0x4000  }
0x90: {  	s21 =	sadd.s32 $0x1, s21;
	[sflag:s19] =	ssyncset.done $0x0  }
0x91: {  	p0 =	sne.s32 s21, s11;
	[sflag:s19] =	ssyncadd.s32 $0xFFFFC000  }
.Ltmp2:
0x92: {  	[bflag:$0x0] =	sbarrier.arrive $0xFFFF;
	(pc) =	sbr.rel @p0 .LBB2_1-.Ltmp2, $4  }
0x93: {  	[hbm:s10], [sflag:s16] =	dma.local [spmem:s17], $0x2780  }
0x94: {  	_ =	swait.ge [sflag:s12], $0x2780  }
0x95: {  	[sflag:s12] =	ssyncset.done $0x0  }
0x96: {  	[sflag:s12] =	ssyncadd.s32 $0xFFFFD880  }
0x97: {  	_ =	sfence.sel $0x180000  }
0x98: {  	[bflag:$0x0] =	sbarrier.arrive $0xFFFF  }
0x99: {  	p0 =	sne.s32 s0, $0x0;
	_ =	strace $0x90000050  }
0x9a: {  	s0 =	sadd.s32 @!p0 $0x100000, s1;
	[bflag:$0x2] =	sbarrier.arrive $0xFFFF  }
0x9b: {  	[sflag:s0] =	ssyncadd.tile.s32 @!p0 $0x1;
	_ =	shalt  }
.Lfunc_end2:
_tile_overlayer_lowered:
.L_overlay_start_2:
0x9c: {  	(tag) =	ssettag $0x2  }
0x9d: {  	s0 =	rddreg [dreg:$0x0];
	s2 =	stileid.u32  }
0x9e: {  	s1 =	rddreg [dreg:$0x1];
	p0 =	sne.s32 s2, $0x0  }
0x9f: {  	s3 =	rddreg [dreg:$0x2];
	[bflag:$0x3] =	sbarrier.arrive $0xFFFF;
	s2 =	simm.s32 @!p0 $0x1C03  }
0xa0: {  	[timem:s3], [sflag:s2] =	dma.local @!p0 [hbm:s0], s1  }
0xa1: {  	s0 =	simm.s32 @!p0 $0x3  }
0xa2: {  	_ =	swait.ge @!p0 [sflag:s0], s1  }
0xa3: {  	s1 =	ssub.s32 @!p0 $0x0, s1;
	[sflag:s0] =	ssyncset.done @!p0 $0x0  }
0xa4: {  	[sflag:s0] =	ssyncadd.s32 @!p0 s1  }
0xa5: {  	[bflag:$0x3] =	sbarrier.arrive $0xFFFF  }
0xa6: {  	_ =	shalt  }

</sc_bundles>
